<compile_context>
chip_gen: v7x
topology: tpu7x:2x2x1
jax: 0.10.2.dev20260603
libtpu: 0.0.44.dev20260713+nightly
codegen_flags: <defaults>
</compile_context>

<pallas_src>
import jax
import jax.numpy as jnp
from jax import lax
from jax.experimental import pallas as pl
from jax.experimental.pallas import tpu as pltpu
from jax.experimental.pallas import tpu_sc as plsc
from jax._src.pallas import mpmd

_M = 1_000_000
_D = 64
_B = 16384

_NC = 2
_NS = 16
_NW = _NC * _NS

_TM = 128
_NT = _M // _TM
_TAIL = _M - _NT * _TM
_TPW = (_NT + _NW - 1) // _NW
_NBUF = 7

_OFFQ = (_NT + 2 + 1023) // 1024

_CH = 128
_NCH = _B // _NW // _CH

_mesh = plsc.VectorSubcoreMesh(
    core_axis_name="c", subcore_axis_name="s", num_cores=_NC, num_subcores=_NS)


def _splat(ref, idx_scalars):
    return plsc.load_gather(
        ref, [jnp.full((16,), i, jnp.int32) for i in idx_scalars])


def _scalar(vec):
    return jnp.squeeze(lax.slice(vec, (0,), (1,)))


def _mem_body(memT_hbm, valsT_hbm, sidx_hbm, fvals_hbm, frames_hbm,
              out_memT, out_frames,
              tile_v, vals_v, sidx_v, fv_v, sem_in, sem_out, sem_f):
    del frames_hbm
    wid = lax.axis_index("s") * _NC + lax.axis_index("c")
    t0 = wid * _TPW
    nt = jnp.minimum(_TPW, _NT - t0)

    pltpu.sync_copy(sidx_hbm, sidx_v)
    pltpu.sync_copy(fvals_hbm, fv_v)

    frame_copies = []
    for j in range(_B // _NW // 128):
        k0 = wid * (_B // _NW) + j * 128
        frame_copies.append(
            pltpu.async_copy(fv_v.at[0],
                             out_frames.at[sidx_v.at[k0 >> 10, (k0 >> 7) & 7]],
                             sem_f))

    def read_sidx(k):
        kc = jnp.minimum(k, _B - 1)
        return _scalar(_splat(sidx_v, (kc >> 10, (kc >> 7) & 7, kc & 127)))

    target = t0 * _TM
    lo = jnp.int32(0)
    hi = jnp.int32(_B)
    for _ in range(14):
        mid = (lo + hi) >> 1
        below = read_sidx(mid) < target
        lo = jnp.where(below, mid + 1, lo)
        hi = jnp.where(below, hi, mid)

    def col_base(t):
        return pl.multiple_of(t * _TM, _TM)

    def start_in(j, buf):
        pltpu.async_copy(memT_hbm.at[:, pl.ds(col_base(t0 + j), _TM)],
                         tile_v.at[buf], sem_in.at[buf])

    def patch(buf, t, carry):
        limit = (t + 1) * _TM
        def cond(c):
            k, _ = c
            return (k < _B) & (read_sidx(k) < limit)
        def step(c):
            k, gv = c
            g_new = k >> 7
            @pl.when(g_new != gv)
            def _():
                pltpu.sync_copy(valsT_hbm.at[g_new], vals_v)
            lv = k - g_new * _TM
            rel = read_sidx(k) - t * _TM
            for p in range(_D // 16):
                dvec = lax.iota(jnp.int32, 16) + 16 * p
                col = plsc.load_gather(
                    vals_v, [dvec, jnp.full((16,), lv, jnp.int32)])
                plsc.store_scatter(
                    tile_v.at[buf], [dvec, jnp.full((16,), rel, jnp.int32)],
                    col)
            return k + 1, g_new
        return lax.while_loop(cond, step, carry)

    def body(j, carry):
        buf = j % _NBUF
        @pl.when(j == 0)
        def _():
            start_in(0, 0)
            @pl.when(nt > 1)
            def _():
                start_in(1, 1 % _NBUF)
        nxt = (j + 2) % _NBUF
        @pl.when((j + 2 < nt) & (j >= _NBUF - 2))
        def _():
            pltpu.make_async_copy(
                tile_v.at[nxt],
                out_memT.at[:, pl.ds(col_base(t0 + j + 2 - _NBUF), _TM)],
                sem_out.at[nxt]).wait()
        @pl.when(j + 2 < nt)
        def _():
            start_in(j + 2, nxt)

        pltpu.make_async_copy(
            memT_hbm.at[:, pl.ds(col_base(t0 + j), _TM)],
            tile_v.at[buf], sem_in.at[buf]).wait()

        carry = patch(buf, t0 + j, carry)

        pltpu.async_copy(tile_v.at[buf],
                         out_memT.at[:, pl.ds(col_base(t0 + j), _TM)],
                         sem_out.at[buf])
        return carry

    carry = lax.fori_loop(0, nt, body, (lo, jnp.int32(-1)))

    for i in range(_NBUF):
        @pl.when(nt - 1 - i >= 0)
        def _():
            jj = nt - 1 - i
            pltpu.make_async_copy(
                tile_v.at[jj % _NBUF],
                out_memT.at[:, pl.ds(col_base(t0 + jj), _TM)],
                sem_out.at[jj % _NBUF]).wait()

    for cp in frame_copies:
        cp.wait()



_scatter_mem = mpmd._mpmd_map(
    [(_mesh, _mem_body)],
    [jax.ShapeDtypeStruct((_D, _M), jnp.float32),
     jax.ShapeDtypeStruct((_M,), jnp.int32)],
    input_output_aliases={4: 1},
    scratch_types=[
        pltpu.VMEM((_NBUF, _D, _TM), jnp.float32),
        pltpu.VMEM((_D, _TM), jnp.float32),
        pltpu.VMEM((_B // 1024, 8, 128), jnp.int32),
        pltpu.VMEM((8, 128), jnp.int32),
        pltpu.SemaphoreType.DMA((_NBUF,)),
        pltpu.SemaphoreType.DMA((_NBUF,)),
        pltpu.SemaphoreType.DMA,
    ],
    compiler_params=pltpu.CompilerParams(needs_layout_passes=False),
    name="tracker_scatter_mem",
)


def kernel(mem, vals, matches, frames, frame):
    matches = matches.astype(jnp.int32)

    order = jnp.argsort(matches, stable=True).astype(jnp.int32)
    sorted_idx = jnp.take(matches, order)
    vals_t = jnp.take(vals.T, order, axis=1)
    vals_blk = vals_t.reshape(_D, _B // _TM, _TM).transpose(1, 0, 2)

    fvals = jnp.full((8, 128), frame, dtype=jnp.int32)
    out_mem_t, out_frames = _scatter_mem(
        mem.T,
        vals_blk,
        sorted_idx.reshape(_B // 1024, 8, 128),
        fvals,
        frames,
    )

    tail_lo = _NT * _TM
    m_tail = matches - tail_lo
    in_tail = m_tail >= 0
    tail_new = mem[tail_lo:].at[jnp.where(in_tail, m_tail, _TAIL)].set(
        vals, mode="drop")
    out_mem_t = lax.dynamic_update_slice(out_mem_t, tail_new.T, (0, tail_lo))

    return out_mem_t.T, out_frames

# --- scband reference (transcript-rebuilt; emitter-appended) ---
"""Pipeline reference for scband-tracker-67602785239081 (READ-ONLY COPY).

The authoritative reference and input builder live on the scoring server;
editing this copy changes nothing except your own understanding.
"""

import jax, jax.numpy as jnp
import numpy as np

M = 1000000  # number of track states in memory
D = 64       # per-field measurement dim
B = 16384    # matched detections this frame


def setup_inputs(seed: int = 0) -> dict:
    key = jax.random.key(seed)
    k1, k2, k3 = jax.random.split(key, 3)
    mem = jax.random.normal(k1, (M, D), dtype=jnp.float32)       # states.get(key): per-track measurements
    vals = jax.random.normal(k2, (B, D), dtype=jnp.float32)      # ds_matched.get(key): new measurements
    matches = jax.random.randint(k3, (B,), 0, M, dtype=jnp.int32)  # ctx.matches (obs_indices, all >= 0)
    frames = jnp.zeros((M,), dtype=jnp.int32)                    # states.get('_frame')
    frame = 7                                                    # ctx.frame (current frame index)
    return {"mem": mem, "vals": vals, "matches": matches, "frames": frames, "frame": frame}


def reference(mem, vals, matches, frames, frame):
    # Core of Tracker._apply_stages state-update loop:
    #   obs_indices = ctx.matches[ctx.matches >= 0]
    #   measurements = states.get(key).clone(); measurements[obs_indices] = ds_matched.get(key)
    # -> scatter-overwrite of matched detection measurements into the track-state memory.
    mem_new = mem.at[matches].set(vals)
    # frames[obs_indices] = ctx.frame  (last-observed frame bookkeeping)
    frames_new = frames.at[matches].set(frame)
    return mem_new, frames_new

if __name__ == "__main__":
    import jax
    _d = setup_inputs()
    print(jax.jit(kernel)(*tuple(_d.values())))

</pallas_src>

<mosaic_0001>
#map = affine_map<(d0, d1) -> (0, 0)>
#map1 = affine_map<(d0, d1) -> (0, 0, 0)>
#map2 = affine_map<(d0, d1) -> (0)>
module attributes {stable_mosaic.version = 14 : i64} {
  func.func @tracker_scatter_mem(%arg0: i32, %arg1: i32, %arg2: memref<64x1000000xf32, #tpu.memory_space<hbm>>, %arg3: memref<128x64x128xf32, #tpu.memory_space<hbm>>, %arg4: memref<16x8x128xi32, #tpu.memory_space<hbm>>, %arg5: memref<8x128xi32, #tpu.memory_space<hbm>>, %arg6: memref<1000000xi32, #tpu.memory_space<hbm>>, %arg7: memref<64x1000000xf32, #tpu.memory_space<hbm>>, %arg8: memref<1000000xi32, #tpu.memory_space<hbm>>, %arg9: memref<7x64x128xf32, #tpu.memory_space<vmem>>, %arg10: memref<64x128xf32, #tpu.memory_space<vmem>>, %arg11: memref<16x8x128xi32, #tpu.memory_space<vmem>>, %arg12: memref<8x128xi32, #tpu.memory_space<vmem>>, %arg13: memref<7x!tpu.dma_semaphore, #tpu.memory_space<semaphore_mem>>, %arg14: memref<7x!tpu.dma_semaphore, #tpu.memory_space<semaphore_mem>>, %arg15: memref<!tpu.dma_semaphore, #tpu.memory_space<semaphore_mem>>) attributes {dimension_semantics = [#tpu.dimension_semantics<core_parallel>, #tpu.dimension_semantics<subcore_parallel>], iteration_bounds = array<i64: 2, 16>, scalar_prefetch = 0 : i64, scratch_operands = 7 : i64, tpu.core_type = #tpu.core_type<sc_vector_subcore>, window_params = [{transform_indices = #map}, {transform_indices = #map1}, {transform_indices = #map1}, {transform_indices = #map}, {transform_indices = #map2}, {transform_indices = #map}, {transform_indices = #map2}]} {
    %mul3A = arith.constant 2 : i32
    %mul3A_0 = arith.muli %arg1, %mul3A : i32
    %add3A = arith.addi %mul3A_0, %arg0 : i32
    %mul3A_1 = arith.constant 245 : i32
    %mul3A_2 = arith.muli %add3A, %mul3A_1 : i32
    %sub3A = arith.constant 7812 : i32
    %sub3A_3 = arith.subi %sub3A, %mul3A_2 : i32
    %min3A = arith.constant 245 : i32
    %min3A_4 = arith.minsi %min3A, %sub3A_3 : i32
    "tpu.region"() ({
      %run_scoped3A = tpu.sem_alloc : memref<!tpu.dma_semaphore, #tpu.memory_space<semaphore_mem>>
      tpu.enqueue_dma source(%arg4 : memref<16x8x128xi32, #tpu.memory_space<hbm>>) target(%arg11 : memref<16x8x128xi32, #tpu.memory_space<vmem>>) target_semaphore(%run_scoped3A : memref<!tpu.dma_semaphore, #tpu.memory_space<semaphore_mem>>)
      tpu.wait_dma2 semaphore(%run_scoped3A : memref<!tpu.dma_semaphore, #tpu.memory_space<semaphore_mem>>) src(%arg4 : memref<16x8x128xi32, #tpu.memory_space<hbm>>) dst(%arg11 : memref<16x8x128xi32, #tpu.memory_space<vmem>>)
      tpu.yield
    }) : () -> ()
    "tpu.region"() ({
      %run_scoped3A = tpu.sem_alloc : memref<!tpu.dma_semaphore, #tpu.memory_space<semaphore_mem>>
      tpu.enqueue_dma source(%arg5 : memref<8x128xi32, #tpu.memory_space<hbm>>) target(%arg12 : memref<8x128xi32, #tpu.memory_space<vmem>>) target_semaphore(%run_scoped3A : memref<!tpu.dma_semaphore, #tpu.memory_space<semaphore_mem>>)
      tpu.wait_dma2 semaphore(%run_scoped3A : memref<!tpu.dma_semaphore, #tpu.memory_space<semaphore_mem>>) src(%arg5 : memref<8x128xi32, #tpu.memory_space<hbm>>) dst(%arg12 : memref<8x128xi32, #tpu.memory_space<vmem>>)
      tpu.yield
    }) : () -> ()
    %mul3A_5 = arith.constant 512 : i32
    %mul3A_6 = arith.muli %add3A, %mul3A_5 : i32
    %add3A_7 = arith.constant 0 : i32
    %add3A_8 = arith.addi %mul3A_6, %add3A_7 : i32
    %shift_right_arithmetic3A = arith.constant 10 : i32
    %shift_right_arithmetic3A_9 = arith.shrsi %add3A_8, %shift_right_arithmetic3A : i32
    %shift_right_arithmetic3A_10 = arith.constant 7 : i32
    %shift_right_arithmetic3A_11 = arith.shrsi %add3A_8, %shift_right_arithmetic3A_10 : i32
    %and3A = arith.constant 7 : i32
    %and3A_12 = arith.andi %shift_right_arithmetic3A_11, %and3A : i32
    %dma_start3A = arith.constant 0 : i32
    %dma_start3A_13 = arith.constant 0 : i32
    %dma_start3A_14 = tpu.memref_slice %arg12[%dma_start3A, %dma_start3A_13] : memref<8x128xi32, #tpu.memory_space<vmem>> -> memref<1x128xi32, #tpu.memory_space<vmem>>
    %dma_start3A_15 = tpu.memref_squeeze %dma_start3A_14 : memref<1x128xi32, #tpu.memory_space<vmem>> -> memref<128xi32, #tpu.memory_space<vmem>>
    %dma_start3A_16 = arith.constant 0 : i32
    %dma_start3A_17 = tpu.memref_slice %arg11[%shift_right_arithmetic3A_9, %and3A_12, %dma_start3A_16] : memref<16x8x128xi32, #tpu.memory_space<vmem>> -> memref<1x1x128xi32, #tpu.memory_space<vmem>>
    %dma_start3A_18 = tpu.memref_squeeze %dma_start3A_17 : memref<1x1x128xi32, #tpu.memory_space<vmem>> -> memref<128xi32, #tpu.memory_space<vmem>>
    %dma_start3A_19 = arith.constant 0 : i32
    %dma_start3A_20 = tpu.memref_slice %arg8[%dma_start3A_19] : memref<1000000xi32, #tpu.memory_space<hbm>> -> memref<1000000xi32, #tpu.memory_space<hbm>>
    tpu.enqueue_indirect_dma source(%dma_start3A_15 : memref<128xi32, #tpu.memory_space<vmem>>) target(%dma_start3A_20 : memref<1000000xi32, #tpu.memory_space<hbm>>) offsets(%dma_start3A_18 : memref<128xi32, #tpu.memory_space<vmem>>) semaphore(%arg15 : memref<!tpu.dma_semaphore, #tpu.memory_space<semaphore_mem>>)
    %mul3A_21 = arith.constant 512 : i32
    %mul3A_22 = arith.muli %add3A, %mul3A_21 : i32
    %add3A_23 = arith.constant 128 : i32
    %add3A_24 = arith.addi %mul3A_22, %add3A_23 : i32
    %shift_right_arithmetic3A_25 = arith.constant 10 : i32
    %shift_right_arithmetic3A_26 = arith.shrsi %add3A_24, %shift_right_arithmetic3A_25 : i32
    %shift_right_arithmetic3A_27 = arith.constant 7 : i32
    %shift_right_arithmetic3A_28 = arith.shrsi %add3A_24, %shift_right_arithmetic3A_27 : i32
    %and3A_29 = arith.constant 7 : i32
    %and3A_30 = arith.andi %shift_right_arithmetic3A_28, %and3A_29 : i32
    %dma_start3A_31 = arith.constant 0 : i32
    %dma_start3A_32 = arith.constant 0 : i32
    %dma_start3A_33 = tpu.memref_slice %arg12[%dma_start3A_31, %dma_start3A_32] : memref<8x128xi32, #tpu.memory_space<vmem>> -> memref<1x128xi32, #tpu.memory_space<vmem>>
    %dma_start3A_34 = tpu.memref_squeeze %dma_start3A_33 : memref<1x128xi32, #tpu.memory_space<vmem>> -> memref<128xi32, #tpu.memory_space<vmem>>
    %dma_start3A_35 = arith.constant 0 : i32
    %dma_start3A_36 = tpu.memref_slice %arg11[%shift_right_arithmetic3A_26, %and3A_30, %dma_start3A_35] : memref<16x8x128xi32, #tpu.memory_space<vmem>> -> memref<1x1x128xi32, #tpu.memory_space<vmem>>
    %dma_start3A_37 = tpu.memref_squeeze %dma_start3A_36 : memref<1x1x128xi32, #tpu.memory_space<vmem>> -> memref<128xi32, #tpu.memory_space<vmem>>
    %dma_start3A_38 = arith.constant 0 : i32
    %dma_start3A_39 = tpu.memref_slice %arg8[%dma_start3A_38] : memref<1000000xi32, #tpu.memory_space<hbm>> -> memref<1000000xi32, #tpu.memory_space<hbm>>
    tpu.enqueue_indirect_dma source(%dma_start3A_34 : memref<128xi32, #tpu.memory_space<vmem>>) target(%dma_start3A_39 : memref<1000000xi32, #tpu.memory_space<hbm>>) offsets(%dma_start3A_37 : memref<128xi32, #tpu.memory_space<vmem>>) semaphore(%arg15 : memref<!tpu.dma_semaphore, #tpu.memory_space<semaphore_mem>>)
    %mul3A_40 = arith.constant 512 : i32
    %mul3A_41 = arith.muli %add3A, %mul3A_40 : i32
    %add3A_42 = arith.constant 256 : i32
    %add3A_43 = arith.addi %mul3A_41, %add3A_42 : i32
    %shift_right_arithmetic3A_44 = arith.constant 10 : i32
    %shift_right_arithmetic3A_45 = arith.shrsi %add3A_43, %shift_right_arithmetic3A_44 : i32
    %shift_right_arithmetic3A_46 = arith.constant 7 : i32
    %shift_right_arithmetic3A_47 = arith.shrsi %add3A_43, %shift_right_arithmetic3A_46 : i32
    %and3A_48 = arith.constant 7 : i32
    %and3A_49 = arith.andi %shift_right_arithmetic3A_47, %and3A_48 : i32
    %dma_start3A_50 = arith.constant 0 : i32
    %dma_start3A_51 = arith.constant 0 : i32
    %dma_start3A_52 = tpu.memref_slice %arg12[%dma_start3A_50, %dma_start3A_51] : memref<8x128xi32, #tpu.memory_space<vmem>> -> memref<1x128xi32, #tpu.memory_space<vmem>>
    %dma_start3A_53 = tpu.memref_squeeze %dma_start3A_52 : memref<1x128xi32, #tpu.memory_space<vmem>> -> memref<128xi32, #tpu.memory_space<vmem>>
    %dma_start3A_54 = arith.constant 0 : i32
    %dma_start3A_55 = tpu.memref_slice %arg11[%shift_right_arithmetic3A_45, %and3A_49, %dma_start3A_54] : memref<16x8x128xi32, #tpu.memory_space<vmem>> -> memref<1x1x128xi32, #tpu.memory_space<vmem>>
    %dma_start3A_56 = tpu.memref_squeeze %dma_start3A_55 : memref<1x1x128xi32, #tpu.memory_space<vmem>> -> memref<128xi32, #tpu.memory_space<vmem>>
    %dma_start3A_57 = arith.constant 0 : i32
    %dma_start3A_58 = tpu.memref_slice %arg8[%dma_start3A_57] : memref<1000000xi32, #tpu.memory_space<hbm>> -> memref<1000000xi32, #tpu.memory_space<hbm>>
    tpu.enqueue_indirect_dma source(%dma_start3A_53 : memref<128xi32, #tpu.memory_space<vmem>>) target(%dma_start3A_58 : memref<1000000xi32, #tpu.memory_space<hbm>>) offsets(%dma_start3A_56 : memref<128xi32, #tpu.memory_space<vmem>>) semaphore(%arg15 : memref<!tpu.dma_semaphore, #tpu.memory_space<semaphore_mem>>)
    %mul3A_59 = arith.constant 512 : i32
    %mul3A_60 = arith.muli %add3A, %mul3A_59 : i32
    %add3A_61 = arith.constant 384 : i32
    %add3A_62 = arith.addi %mul3A_60, %add3A_61 : i32
    %shift_right_arithmetic3A_63 = arith.constant 10 : i32
    %shift_right_arithmetic3A_64 = arith.shrsi %add3A_62, %shift_right_arithmetic3A_63 : i32
    %shift_right_arithmetic3A_65 = arith.constant 7 : i32
    %shift_right_arithmetic3A_66 = arith.shrsi %add3A_62, %shift_right_arithmetic3A_65 : i32
    %and3A_67 = arith.constant 7 : i32
    %and3A_68 = arith.andi %shift_right_arithmetic3A_66, %and3A_67 : i32
    %dma_start3A_69 = arith.constant 0 : i32
    %dma_start3A_70 = arith.constant 0 : i32
    %dma_start3A_71 = tpu.memref_slice %arg12[%dma_start3A_69, %dma_start3A_70] : memref<8x128xi32, #tpu.memory_space<vmem>> -> memref<1x128xi32, #tpu.memory_space<vmem>>
    %dma_start3A_72 = tpu.memref_squeeze %dma_start3A_71 : memref<1x128xi32, #tpu.memory_space<vmem>> -> memref<128xi32, #tpu.memory_space<vmem>>
    %dma_start3A_73 = arith.constant 0 : i32
    %dma_start3A_74 = tpu.memref_slice %arg11[%shift_right_arithmetic3A_64, %and3A_68, %dma_start3A_73] : memref<16x8x128xi32, #tpu.memory_space<vmem>> -> memref<1x1x128xi32, #tpu.memory_space<vmem>>
    %dma_start3A_75 = tpu.memref_squeeze %dma_start3A_74 : memref<1x1x128xi32, #tpu.memory_space<vmem>> -> memref<128xi32, #tpu.memory_space<vmem>>
    %dma_start3A_76 = arith.constant 0 : i32
    %dma_start3A_77 = tpu.memref_slice %arg8[%dma_start3A_76] : memref<1000000xi32, #tpu.memory_space<hbm>> -> memref<1000000xi32, #tpu.memory_space<hbm>>
    tpu.enqueue_indirect_dma source(%dma_start3A_72 : memref<128xi32, #tpu.memory_space<vmem>>) target(%dma_start3A_77 : memref<1000000xi32, #tpu.memory_space<hbm>>) offsets(%dma_start3A_75 : memref<128xi32, #tpu.memory_space<vmem>>) semaphore(%arg15 : memref<!tpu.dma_semaphore, #tpu.memory_space<semaphore_mem>>)
    %mul3A_78 = arith.constant 128 : i32
    %mul3A_79 = arith.muli %mul3A_2, %mul3A_78 : i32
    %add3A_80 = arith.constant 0 : i32
    %add3A_81 = arith.constant 16384 : i32
    %add3A_82 = arith.addi %add3A_80, %add3A_81 : i32
    %shift_right_arithmetic3A_83 = arith.constant 1 : i32
    %shift_right_arithmetic3A_84 = arith.shrsi %add3A_82, %shift_right_arithmetic3A_83 : i32
    %min3A_85 = arith.constant 16383 : i32
    %min3A_86 = arith.minsi %shift_right_arithmetic3A_84, %min3A_85 : i32
    %shift_right_arithmetic3A_87 = arith.constant 10 : i32
    %shift_right_arithmetic3A_88 = arith.shrsi %min3A_86, %shift_right_arithmetic3A_87 : i32
    %shift_right_arithmetic3A_89 = arith.constant 7 : i32
    %shift_right_arithmetic3A_90 = arith.shrsi %min3A_86, %shift_right_arithmetic3A_89 : i32
    %and3A_91 = arith.constant 7 : i32
    %and3A_92 = arith.andi %shift_right_arithmetic3A_90, %and3A_91 : i32
    %and3A_93 = arith.constant 127 : i32
    %and3A_94 = arith.andi %min3A_86, %and3A_93 : i32
    %broadcast_in_dim3A = vector.broadcast %shift_right_arithmetic3A_88 : i32 to vector<16xi32>
    %broadcast_in_dim3A_95 = vector.broadcast %and3A_92 : i32 to vector<16xi32>
    %broadcast_in_dim3A_96 = vector.broadcast %and3A_94 : i32 to vector<16xi32>
    %gather3A = tpu.vector_load_idx %arg11[%broadcast_in_dim3A, %broadcast_in_dim3A_95, %broadcast_in_dim3A_96] : memref<16x8x128xi32, #tpu.memory_space<vmem>>[vector<16xi32>, vector<16xi32>, vector<16xi32>], vector<16xi32>,
    %slice3A = vector.extract_strided_slice %gather3A {offsets = [0], sizes = [1], strides = [1]} : vector<16xi32> to vector<1xi32>
    %squeeze3A = vector.extract %slice3A[0] : i32 from vector<1xi32>
    %lt3A = arith.cmpi slt, %squeeze3A, %mul3A_79 : i32
    %add3A_97 = arith.constant 1 : i32
    %add3A_98 = arith.addi %shift_right_arithmetic3A_84, %add3A_97 : i32
    %jit3A = arith.constant 0 : i32
    %select_n3A = arith.select %lt3A, %add3A_98, %jit3A : i32
    %jit3A_99 = arith.constant 16384 : i32
    %select_n3A_100 = arith.select %lt3A, %jit3A_99, %shift_right_arithmetic3A_84 : i32
    %add3A_101 = arith.addi %select_n3A, %select_n3A_100 : i32
    %shift_right_arithmetic3A_102 = arith.constant 1 : i32
    %shift_right_arithmetic3A_103 = arith.shrsi %add3A_101, %shift_right_arithmetic3A_102 : i32
    %min3A_104 = arith.constant 16383 : i32
    %min3A_105 = arith.minsi %shift_right_arithmetic3A_103, %min3A_104 : i32
    %shift_right_arithmetic3A_106 = arith.constant 10 : i32
    %shift_right_arithmetic3A_107 = arith.shrsi %min3A_105, %shift_right_arithmetic3A_106 : i32
    %shift_right_arithmetic3A_108 = arith.constant 7 : i32
    %shift_right_arithmetic3A_109 = arith.shrsi %min3A_105, %shift_right_arithmetic3A_108 : i32
    %and3A_110 = arith.constant 7 : i32
    %and3A_111 = arith.andi %shift_right_arithmetic3A_109, %and3A_110 : i32
    %and3A_112 = arith.constant 127 : i32
    %and3A_113 = arith.andi %min3A_105, %and3A_112 : i32
    %broadcast_in_dim3A_114 = vector.broadcast %shift_right_arithmetic3A_107 : i32 to vector<16xi32>
    %broadcast_in_dim3A_115 = vector.broadcast %and3A_111 : i32 to vector<16xi32>
    %broadcast_in_dim3A_116 = vector.broadcast %and3A_113 : i32 to vector<16xi32>
    %gather3A_117 = tpu.vector_load_idx %arg11[%broadcast_in_dim3A_114, %broadcast_in_dim3A_115, %broadcast_in_dim3A_116] : memref<16x8x128xi32, #tpu.memory_space<vmem>>[vector<16xi32>, vector<16xi32>, vector<16xi32>], vector<16xi32>,
    %slice3A_118 = vector.extract_strided_slice %gather3A_117 {offsets = [0], sizes = [1], strides = [1]} : vector<16xi32> to vector<1xi32>
    %squeeze3A_119 = vector.extract %slice3A_118[0] : i32 from vector<1xi32>
    %lt3A_120 = arith.cmpi slt, %squeeze3A_119, %mul3A_79 : i32
    %add3A_121 = arith.constant 1 : i32
    %add3A_122 = arith.addi %shift_right_arithmetic3A_103, %add3A_121 : i32
    %select_n3A_123 = arith.select %lt3A_120, %add3A_122, %select_n3A : i32
    %select_n3A_124 = arith.select %lt3A_120, %select_n3A_100, %shift_right_arithmetic3A_103 : i32
    %add3A_125 = arith.addi %select_n3A_123, %select_n3A_124 : i32
    %shift_right_arithmetic3A_126 = arith.constant 1 : i32
    %shift_right_arithmetic3A_127 = arith.shrsi %add3A_125, %shift_right_arithmetic3A_126 : i32
    %min3A_128 = arith.constant 16383 : i32
    %min3A_129 = arith.minsi %shift_right_arithmetic3A_127, %min3A_128 : i32
    %shift_right_arithmetic3A_130 = arith.constant 10 : i32
    %shift_right_arithmetic3A_131 = arith.shrsi %min3A_129, %shift_right_arithmetic3A_130 : i32
    %shift_right_arithmetic3A_132 = arith.constant 7 : i32
    %shift_right_arithmetic3A_133 = arith.shrsi %min3A_129, %shift_right_arithmetic3A_132 : i32
    %and3A_134 = arith.constant 7 : i32
    %and3A_135 = arith.andi %shift_right_arithmetic3A_133, %and3A_134 : i32
    %and3A_136 = arith.constant 127 : i32
    %and3A_137 = arith.andi %min3A_129, %and3A_136 : i32
    %broadcast_in_dim3A_138 = vector.broadcast %shift_right_arithmetic3A_131 : i32 to vector<16xi32>
    %broadcast_in_dim3A_139 = vector.broadcast %and3A_135 : i32 to vector<16xi32>
    %broadcast_in_dim3A_140 = vector.broadcast %and3A_137 : i32 to vector<16xi32>
    %gather3A_141 = tpu.vector_load_idx %arg11[%broadcast_in_dim3A_138, %broadcast_in_dim3A_139, %broadcast_in_dim3A_140] : memref<16x8x128xi32, #tpu.memory_space<vmem>>[vector<16xi32>, vector<16xi32>, vector<16xi32>], vector<16xi32>,
    %slice3A_142 = vector.extract_strided_slice %gather3A_141 {offsets = [0], sizes = [1], strides = [1]} : vector<16xi32> to vector<1xi32>
    %squeeze3A_143 = vector.extract %slice3A_142[0] : i32 from vector<1xi32>
    %lt3A_144 = arith.cmpi slt, %squeeze3A_143, %mul3A_79 : i32
    %add3A_145 = arith.constant 1 : i32
    %add3A_146 = arith.addi %shift_right_arithmetic3A_127, %add3A_145 : i32
    %select_n3A_147 = arith.select %lt3A_144, %add3A_146, %select_n3A_123 : i32
    %select_n3A_148 = arith.select %lt3A_144, %select_n3A_124, %shift_right_arithmetic3A_127 : i32
    %add3A_149 = arith.addi %select_n3A_147, %select_n3A_148 : i32
    %shift_right_arithmetic3A_150 = arith.constant 1 : i32
    %shift_right_arithmetic3A_151 = arith.shrsi %add3A_149, %shift_right_arithmetic3A_150 : i32
    %min3A_152 = arith.constant 16383 : i32
    %min3A_153 = arith.minsi %shift_right_arithmetic3A_151, %min3A_152 : i32
    %shift_right_arithmetic3A_154 = arith.constant 10 : i32
    %shift_right_arithmetic3A_155 = arith.shrsi %min3A_153, %shift_right_arithmetic3A_154 : i32
    %shift_right_arithmetic3A_156 = arith.constant 7 : i32
    %shift_right_arithmetic3A_157 = arith.shrsi %min3A_153, %shift_right_arithmetic3A_156 : i32
    %and3A_158 = arith.constant 7 : i32
    %and3A_159 = arith.andi %shift_right_arithmetic3A_157, %and3A_158 : i32
    %and3A_160 = arith.constant 127 : i32
    %and3A_161 = arith.andi %min3A_153, %and3A_160 : i32
    %broadcast_in_dim3A_162 = vector.broadcast %shift_right_arithmetic3A_155 : i32 to vector<16xi32>
    %broadcast_in_dim3A_163 = vector.broadcast %and3A_159 : i32 to vector<16xi32>
    %broadcast_in_dim3A_164 = vector.broadcast %and3A_161 : i32 to vector<16xi32>
    %gather3A_165 = tpu.vector_load_idx %arg11[%broadcast_in_dim3A_162, %broadcast_in_dim3A_163, %broadcast_in_dim3A_164] : memref<16x8x128xi32, #tpu.memory_space<vmem>>[vector<16xi32>, vector<16xi32>, vector<16xi32>], vector<16xi32>,
    %slice3A_166 = vector.extract_strided_slice %gather3A_165 {offsets = [0], sizes = [1], strides = [1]} : vector<16xi32> to vector<1xi32>
    %squeeze3A_167 = vector.extract %slice3A_166[0] : i32 from vector<1xi32>
    %lt3A_168 = arith.cmpi slt, %squeeze3A_167, %mul3A_79 : i32
    %add3A_169 = arith.constant 1 : i32
    %add3A_170 = arith.addi %shift_right_arithmetic3A_151, %add3A_169 : i32
    %select_n3A_171 = arith.select %lt3A_168, %add3A_170, %select_n3A_147 : i32
    %select_n3A_172 = arith.select %lt3A_168, %select_n3A_148, %shift_right_arithmetic3A_151 : i32
    %add3A_173 = arith.addi %select_n3A_171, %select_n3A_172 : i32
    %shift_right_arithmetic3A_174 = arith.constant 1 : i32
    %shift_right_arithmetic3A_175 = arith.shrsi %add3A_173, %shift_right_arithmetic3A_174 : i32
    %min3A_176 = arith.constant 16383 : i32
    %min3A_177 = arith.minsi %shift_right_arithmetic3A_175, %min3A_176 : i32
    %shift_right_arithmetic3A_178 = arith.constant 10 : i32
    %shift_right_arithmetic3A_179 = arith.shrsi %min3A_177, %shift_right_arithmetic3A_178 : i32
    %shift_right_arithmetic3A_180 = arith.constant 7 : i32
    %shift_right_arithmetic3A_181 = arith.shrsi %min3A_177, %shift_right_arithmetic3A_180 : i32
    %and3A_182 = arith.constant 7 : i32
    %and3A_183 = arith.andi %shift_right_arithmetic3A_181, %and3A_182 : i32
    %and3A_184 = arith.constant 127 : i32
    %and3A_185 = arith.andi %min3A_177, %and3A_184 : i32
    %broadcast_in_dim3A_186 = vector.broadcast %shift_right_arithmetic3A_179 : i32 to vector<16xi32>
    %broadcast_in_dim3A_187 = vector.broadcast %and3A_183 : i32 to vector<16xi32>
    %broadcast_in_dim3A_188 = vector.broadcast %and3A_185 : i32 to vector<16xi32>
    %gather3A_189 = tpu.vector_load_idx %arg11[%broadcast_in_dim3A_186, %broadcast_in_dim3A_187, %broadcast_in_dim3A_188] : memref<16x8x128xi32, #tpu.memory_space<vmem>>[vector<16xi32>, vector<16xi32>, vector<16xi32>], vector<16xi32>,
    %slice3A_190 = vector.extract_strided_slice %gather3A_189 {offsets = [0], sizes = [1], strides = [1]} : vector<16xi32> to vector<1xi32>
    %squeeze3A_191 = vector.extract %slice3A_190[0] : i32 from vector<1xi32>
    %lt3A_192 = arith.cmpi slt, %squeeze3A_191, %mul3A_79 : i32
    %add3A_193 = arith.constant 1 : i32
    %add3A_194 = arith.addi %shift_right_arithmetic3A_175, %add3A_193 : i32
    %select_n3A_195 = arith.select %lt3A_192, %add3A_194, %select_n3A_171 : i32
    %select_n3A_196 = arith.select %lt3A_192, %select_n3A_172, %shift_right_arithmetic3A_175 : i32
    %add3A_197 = arith.addi %select_n3A_195, %select_n3A_196 : i32
    %shift_right_arithmetic3A_198 = arith.constant 1 : i32
    %shift_right_arithmetic3A_199 = arith.shrsi %add3A_197, %shift_right_arithmetic3A_198 : i32
    %min3A_200 = arith.constant 16383 : i32
    %min3A_201 = arith.minsi %shift_right_arithmetic3A_199, %min3A_200 : i32
    %shift_right_arithmetic3A_202 = arith.constant 10 : i32
    %shift_right_arithmetic3A_203 = arith.shrsi %min3A_201, %shift_right_arithmetic3A_202 : i32
    %shift_right_arithmetic3A_204 = arith.constant 7 : i32
    %shift_right_arithmetic3A_205 = arith.shrsi %min3A_201, %shift_right_arithmetic3A_204 : i32
    %and3A_206 = arith.constant 7 : i32
    %and3A_207 = arith.andi %shift_right_arithmetic3A_205, %and3A_206 : i32
    %and3A_208 = arith.constant 127 : i32
    %and3A_209 = arith.andi %min3A_201, %and3A_208 : i32
    %broadcast_in_dim3A_210 = vector.broadcast %shift_right_arithmetic3A_203 : i32 to vector<16xi32>
    %broadcast_in_dim3A_211 = vector.broadcast %and3A_207 : i32 to vector<16xi32>
    %broadcast_in_dim3A_212 = vector.broadcast %and3A_209 : i32 to vector<16xi32>
    %gather3A_213 = tpu.vector_load_idx %arg11[%broadcast_in_dim3A_210, %broadcast_in_dim3A_211, %broadcast_in_dim3A_212] : memref<16x8x128xi32, #tpu.memory_space<vmem>>[vector<16xi32>, vector<16xi32>, vector<16xi32>], vector<16xi32>,
    %slice3A_214 = vector.extract_strided_slice %gather3A_213 {offsets = [0], sizes = [1], strides = [1]} : vector<16xi32> to vector<1xi32>
    %squeeze3A_215 = vector.extract %slice3A_214[0] : i32 from vector<1xi32>
    %lt3A_216 = arith.cmpi slt, %squeeze3A_215, %mul3A_79 : i32
    %add3A_217 = arith.constant 1 : i32
    %add3A_218 = arith.addi %shift_right_arithmetic3A_199, %add3A_217 : i32
    %select_n3A_219 = arith.select %lt3A_216, %add3A_218, %select_n3A_195 : i32
    %select_n3A_220 = arith.select %lt3A_216, %select_n3A_196, %shift_right_arithmetic3A_199 : i32
    %add3A_221 = arith.addi %select_n3A_219, %select_n3A_220 : i32
    %shift_right_arithmetic3A_222 = arith.constant 1 : i32
    %shift_right_arithmetic3A_223 = arith.shrsi %add3A_221, %shift_right_arithmetic3A_222 : i32
    %min3A_224 = arith.constant 16383 : i32
    %min3A_225 = arith.minsi %shift_right_arithmetic3A_223, %min3A_224 : i32
    %shift_right_arithmetic3A_226 = arith.constant 10 : i32
    %shift_right_arithmetic3A_227 = arith.shrsi %min3A_225, %shift_right_arithmetic3A_226 : i32
    %shift_right_arithmetic3A_228 = arith.constant 7 : i32
    %shift_right_arithmetic3A_229 = arith.shrsi %min3A_225, %shift_right_arithmetic3A_228 : i32
    %and3A_230 = arith.constant 7 : i32
    %and3A_231 = arith.andi %shift_right_arithmetic3A_229, %and3A_230 : i32
    %and3A_232 = arith.constant 127 : i32
    %and3A_233 = arith.andi %min3A_225, %and3A_232 : i32
    %broadcast_in_dim3A_234 = vector.broadcast %shift_right_arithmetic3A_227 : i32 to vector<16xi32>
    %broadcast_in_dim3A_235 = vector.broadcast %and3A_231 : i32 to vector<16xi32>
    %broadcast_in_dim3A_236 = vector.broadcast %and3A_233 : i32 to vector<16xi32>
    %gather3A_237 = tpu.vector_load_idx %arg11[%broadcast_in_dim3A_234, %broadcast_in_dim3A_235, %broadcast_in_dim3A_236] : memref<16x8x128xi32, #tpu.memory_space<vmem>>[vector<16xi32>, vector<16xi32>, vector<16xi32>], vector<16xi32>,
    %slice3A_238 = vector.extract_strided_slice %gather3A_237 {offsets = [0], sizes = [1], strides = [1]} : vector<16xi32> to vector<1xi32>
    %squeeze3A_239 = vector.extract %slice3A_238[0] : i32 from vector<1xi32>
    %lt3A_240 = arith.cmpi slt, %squeeze3A_239, %mul3A_79 : i32
    %add3A_241 = arith.constant 1 : i32
    %add3A_242 = arith.addi %shift_right_arithmetic3A_223, %add3A_241 : i32
    %select_n3A_243 = arith.select %lt3A_240, %add3A_242, %select_n3A_219 : i32
    %select_n3A_244 = arith.select %lt3A_240, %select_n3A_220, %shift_right_arithmetic3A_223 : i32
    %add3A_245 = arith.addi %select_n3A_243, %select_n3A_244 : i32
    %shift_right_arithmetic3A_246 = arith.constant 1 : i32
    %shift_right_arithmetic3A_247 = arith.shrsi %add3A_245, %shift_right_arithmetic3A_246 : i32
    %min3A_248 = arith.constant 16383 : i32
    %min3A_249 = arith.minsi %shift_right_arithmetic3A_247, %min3A_248 : i32
    %shift_right_arithmetic3A_250 = arith.constant 10 : i32
    %shift_right_arithmetic3A_251 = arith.shrsi %min3A_249, %shift_right_arithmetic3A_250 : i32
    %shift_right_arithmetic3A_252 = arith.constant 7 : i32
    %shift_right_arithmetic3A_253 = arith.shrsi %min3A_249, %shift_right_arithmetic3A_252 : i32
    %and3A_254 = arith.constant 7 : i32
    %and3A_255 = arith.andi %shift_right_arithmetic3A_253, %and3A_254 : i32
    %and3A_256 = arith.constant 127 : i32
    %and3A_257 = arith.andi %min3A_249, %and3A_256 : i32
    %broadcast_in_dim3A_258 = vector.broadcast %shift_right_arithmetic3A_251 : i32 to vector<16xi32>
    %broadcast_in_dim3A_259 = vector.broadcast %and3A_255 : i32 to vector<16xi32>
    %broadcast_in_dim3A_260 = vector.broadcast %and3A_257 : i32 to vector<16xi32>
    %gather3A_261 = tpu.vector_load_idx %arg11[%broadcast_in_dim3A_258, %broadcast_in_dim3A_259, %broadcast_in_dim3A_260] : memref<16x8x128xi32, #tpu.memory_space<vmem>>[vector<16xi32>, vector<16xi32>, vector<16xi32>], vector<16xi32>,
    %slice3A_262 = vector.extract_strided_slice %gather3A_261 {offsets = [0], sizes = [1], strides = [1]} : vector<16xi32> to vector<1xi32>
    %squeeze3A_263 = vector.extract %slice3A_262[0] : i32 from vector<1xi32>
    %lt3A_264 = arith.cmpi slt, %squeeze3A_263, %mul3A_79 : i32
    %add3A_265 = arith.constant 1 : i32
    %add3A_266 = arith.addi %shift_right_arithmetic3A_247, %add3A_265 : i32
    %select_n3A_267 = arith.select %lt3A_264, %add3A_266, %select_n3A_243 : i32
    %select_n3A_268 = arith.select %lt3A_264, %select_n3A_244, %shift_right_arithmetic3A_247 : i32
    %add3A_269 = arith.addi %select_n3A_267, %select_n3A_268 : i32
    %shift_right_arithmetic3A_270 = arith.constant 1 : i32
    %shift_right_arithmetic3A_271 = arith.shrsi %add3A_269, %shift_right_arithmetic3A_270 : i32
    %min3A_272 = arith.constant 16383 : i32
    %min3A_273 = arith.minsi %shift_right_arithmetic3A_271, %min3A_272 : i32
    %shift_right_arithmetic3A_274 = arith.constant 10 : i32
    %shift_right_arithmetic3A_275 = arith.shrsi %min3A_273, %shift_right_arithmetic3A_274 : i32
    %shift_right_arithmetic3A_276 = arith.constant 7 : i32
    %shift_right_arithmetic3A_277 = arith.shrsi %min3A_273, %shift_right_arithmetic3A_276 : i32
    %and3A_278 = arith.constant 7 : i32
    %and3A_279 = arith.andi %shift_right_arithmetic3A_277, %and3A_278 : i32
    %and3A_280 = arith.constant 127 : i32
    %and3A_281 = arith.andi %min3A_273, %and3A_280 : i32
    %broadcast_in_dim3A_282 = vector.broadcast %shift_right_arithmetic3A_275 : i32 to vector<16xi32>
    %broadcast_in_dim3A_283 = vector.broadcast %and3A_279 : i32 to vector<16xi32>
    %broadcast_in_dim3A_284 = vector.broadcast %and3A_281 : i32 to vector<16xi32>
    %gather3A_285 = tpu.vector_load_idx %arg11[%broadcast_in_dim3A_282, %broadcast_in_dim3A_283, %broadcast_in_dim3A_284] : memref<16x8x128xi32, #tpu.memory_space<vmem>>[vector<16xi32>, vector<16xi32>, vector<16xi32>], vector<16xi32>,
    %slice3A_286 = vector.extract_strided_slice %gather3A_285 {offsets = [0], sizes = [1], strides = [1]} : vector<16xi32> to vector<1xi32>
    %squeeze3A_287 = vector.extract %slice3A_286[0] : i32 from vector<1xi32>
    %lt3A_288 = arith.cmpi slt, %squeeze3A_287, %mul3A_79 : i32
    %add3A_289 = arith.constant 1 : i32
    %add3A_290 = arith.addi %shift_right_arithmetic3A_271, %add3A_289 : i32
    %select_n3A_291 = arith.select %lt3A_288, %add3A_290, %select_n3A_267 : i32
    %select_n3A_292 = arith.select %lt3A_288, %select_n3A_268, %shift_right_arithmetic3A_271 : i32
    %add3A_293 = arith.addi %select_n3A_291, %select_n3A_292 : i32
    %shift_right_arithmetic3A_294 = arith.constant 1 : i32
    %shift_right_arithmetic3A_295 = arith.shrsi %add3A_293, %shift_right_arithmetic3A_294 : i32
    %min3A_296 = arith.constant 16383 : i32
    %min3A_297 = arith.minsi %shift_right_arithmetic3A_295, %min3A_296 : i32
    %shift_right_arithmetic3A_298 = arith.constant 10 : i32
    %shift_right_arithmetic3A_299 = arith.shrsi %min3A_297, %shift_right_arithmetic3A_298 : i32
    %shift_right_arithmetic3A_300 = arith.constant 7 : i32
    %shift_right_arithmetic3A_301 = arith.shrsi %min3A_297, %shift_right_arithmetic3A_300 : i32
    %and3A_302 = arith.constant 7 : i32
    %and3A_303 = arith.andi %shift_right_arithmetic3A_301, %and3A_302 : i32
    %and3A_304 = arith.constant 127 : i32
    %and3A_305 = arith.andi %min3A_297, %and3A_304 : i32
    %broadcast_in_dim3A_306 = vector.broadcast %shift_right_arithmetic3A_299 : i32 to vector<16xi32>
    %broadcast_in_dim3A_307 = vector.broadcast %and3A_303 : i32 to vector<16xi32>
    %broadcast_in_dim3A_308 = vector.broadcast %and3A_305 : i32 to vector<16xi32>
    %gather3A_309 = tpu.vector_load_idx %arg11[%broadcast_in_dim3A_306, %broadcast_in_dim3A_307, %broadcast_in_dim3A_308] : memref<16x8x128xi32, #tpu.memory_space<vmem>>[vector<16xi32>, vector<16xi32>, vector<16xi32>], vector<16xi32>,
    %slice3A_310 = vector.extract_strided_slice %gather3A_309 {offsets = [0], sizes = [1], strides = [1]} : vector<16xi32> to vector<1xi32>
    %squeeze3A_311 = vector.extract %slice3A_310[0] : i32 from vector<1xi32>
    %lt3A_312 = arith.cmpi slt, %squeeze3A_311, %mul3A_79 : i32
    %add3A_313 = arith.constant 1 : i32
    %add3A_314 = arith.addi %shift_right_arithmetic3A_295, %add3A_313 : i32
    %select_n3A_315 = arith.select %lt3A_312, %add3A_314, %select_n3A_291 : i32
    %select_n3A_316 = arith.select %lt3A_312, %select_n3A_292, %shift_right_arithmetic3A_295 : i32
    %add3A_317 = arith.addi %select_n3A_315, %select_n3A_316 : i32
    %shift_right_arithmetic3A_318 = arith.constant 1 : i32
    %shift_right_arithmetic3A_319 = arith.shrsi %add3A_317, %shift_right_arithmetic3A_318 : i32
    %min3A_320 = arith.constant 16383 : i32
    %min3A_321 = arith.minsi %shift_right_arithmetic3A_319, %min3A_320 : i32
    %shift_right_arithmetic3A_322 = arith.constant 10 : i32
    %shift_right_arithmetic3A_323 = arith.shrsi %min3A_321, %shift_right_arithmetic3A_322 : i32
    %shift_right_arithmetic3A_324 = arith.constant 7 : i32
    %shift_right_arithmetic3A_325 = arith.shrsi %min3A_321, %shift_right_arithmetic3A_324 : i32
    %and3A_326 = arith.constant 7 : i32
    %and3A_327 = arith.andi %shift_right_arithmetic3A_325, %and3A_326 : i32
    %and3A_328 = arith.constant 127 : i32
    %and3A_329 = arith.andi %min3A_321, %and3A_328 : i32
    %broadcast_in_dim3A_330 = vector.broadcast %shift_right_arithmetic3A_323 : i32 to vector<16xi32>
    %broadcast_in_dim3A_331 = vector.broadcast %and3A_327 : i32 to vector<16xi32>
    %broadcast_in_dim3A_332 = vector.broadcast %and3A_329 : i32 to vector<16xi32>
    %gather3A_333 = tpu.vector_load_idx %arg11[%broadcast_in_dim3A_330, %broadcast_in_dim3A_331, %broadcast_in_dim3A_332] : memref<16x8x128xi32, #tpu.memory_space<vmem>>[vector<16xi32>, vector<16xi32>, vector<16xi32>], vector<16xi32>,
    %slice3A_334 = vector.extract_strided_slice %gather3A_333 {offsets = [0], sizes = [1], strides = [1]} : vector<16xi32> to vector<1xi32>
    %squeeze3A_335 = vector.extract %slice3A_334[0] : i32 from vector<1xi32>
    %lt3A_336 = arith.cmpi slt, %squeeze3A_335, %mul3A_79 : i32
    %add3A_337 = arith.constant 1 : i32
    %add3A_338 = arith.addi %shift_right_arithmetic3A_319, %add3A_337 : i32
    %select_n3A_339 = arith.select %lt3A_336, %add3A_338, %select_n3A_315 : i32
    %select_n3A_340 = arith.select %lt3A_336, %select_n3A_316, %shift_right_arithmetic3A_319 : i32
    %add3A_341 = arith.addi %select_n3A_339, %select_n3A_340 : i32
    %shift_right_arithmetic3A_342 = arith.constant 1 : i32
    %shift_right_arithmetic3A_343 = arith.shrsi %add3A_341, %shift_right_arithmetic3A_342 : i32
    %min3A_344 = arith.constant 16383 : i32
    %min3A_345 = arith.minsi %shift_right_arithmetic3A_343, %min3A_344 : i32
    %shift_right_arithmetic3A_346 = arith.constant 10 : i32
    %shift_right_arithmetic3A_347 = arith.shrsi %min3A_345, %shift_right_arithmetic3A_346 : i32
    %shift_right_arithmetic3A_348 = arith.constant 7 : i32
    %shift_right_arithmetic3A_349 = arith.shrsi %min3A_345, %shift_right_arithmetic3A_348 : i32
    %and3A_350 = arith.constant 7 : i32
    %and3A_351 = arith.andi %shift_right_arithmetic3A_349, %and3A_350 : i32
    %and3A_352 = arith.constant 127 : i32
    %and3A_353 = arith.andi %min3A_345, %and3A_352 : i32
    %broadcast_in_dim3A_354 = vector.broadcast %shift_right_arithmetic3A_347 : i32 to vector<16xi32>
    %broadcast_in_dim3A_355 = vector.broadcast %and3A_351 : i32 to vector<16xi32>
    %broadcast_in_dim3A_356 = vector.broadcast %and3A_353 : i32 to vector<16xi32>
    %gather3A_357 = tpu.vector_load_idx %arg11[%broadcast_in_dim3A_354, %broadcast_in_dim3A_355, %broadcast_in_dim3A_356] : memref<16x8x128xi32, #tpu.memory_space<vmem>>[vector<16xi32>, vector<16xi32>, vector<16xi32>], vector<16xi32>,
    %slice3A_358 = vector.extract_strided_slice %gather3A_357 {offsets = [0], sizes = [1], strides = [1]} : vector<16xi32> to vector<1xi32>
    %squeeze3A_359 = vector.extract %slice3A_358[0] : i32 from vector<1xi32>
    %lt3A_360 = arith.cmpi slt, %squeeze3A_359, %mul3A_79 : i32
    %add3A_361 = arith.constant 1 : i32
    %add3A_362 = arith.addi %shift_right_arithmetic3A_343, %add3A_361 : i32
    %select_n3A_363 = arith.select %lt3A_360, %add3A_362, %select_n3A_339 : i32
    %select_n3A_364 = arith.select %lt3A_360, %select_n3A_340, %shift_right_arithmetic3A_343 : i32
    %add3A_365 = arith.addi %select_n3A_363, %select_n3A_364 : i32
    %shift_right_arithmetic3A_366 = arith.constant 1 : i32
    %shift_right_arithmetic3A_367 = arith.shrsi %add3A_365, %shift_right_arithmetic3A_366 : i32
    %min3A_368 = arith.constant 16383 : i32
    %min3A_369 = arith.minsi %shift_right_arithmetic3A_367, %min3A_368 : i32
    %shift_right_arithmetic3A_370 = arith.constant 10 : i32
    %shift_right_arithmetic3A_371 = arith.shrsi %min3A_369, %shift_right_arithmetic3A_370 : i32
    %shift_right_arithmetic3A_372 = arith.constant 7 : i32
    %shift_right_arithmetic3A_373 = arith.shrsi %min3A_369, %shift_right_arithmetic3A_372 : i32
    %and3A_374 = arith.constant 7 : i32
    %and3A_375 = arith.andi %shift_right_arithmetic3A_373, %and3A_374 : i32
    %and3A_376 = arith.constant 127 : i32
    %and3A_377 = arith.andi %min3A_369, %and3A_376 : i32
    %broadcast_in_dim3A_378 = vector.broadcast %shift_right_arithmetic3A_371 : i32 to vector<16xi32>
    %broadcast_in_dim3A_379 = vector.broadcast %and3A_375 : i32 to vector<16xi32>
    %broadcast_in_dim3A_380 = vector.broadcast %and3A_377 : i32 to vector<16xi32>
    %gather3A_381 = tpu.vector_load_idx %arg11[%broadcast_in_dim3A_378, %broadcast_in_dim3A_379, %broadcast_in_dim3A_380] : memref<16x8x128xi32, #tpu.memory_space<vmem>>[vector<16xi32>, vector<16xi32>, vector<16xi32>], vector<16xi32>,
    %slice3A_382 = vector.extract_strided_slice %gather3A_381 {offsets = [0], sizes = [1], strides = [1]} : vector<16xi32> to vector<1xi32>
    %squeeze3A_383 = vector.extract %slice3A_382[0] : i32 from vector<1xi32>
    %lt3A_384 = arith.cmpi slt, %squeeze3A_383, %mul3A_79 : i32
    %add3A_385 = arith.constant 1 : i32
    %add3A_386 = arith.addi %shift_right_arithmetic3A_367, %add3A_385 : i32
    %select_n3A_387 = arith.select %lt3A_384, %add3A_386, %select_n3A_363 : i32
    %select_n3A_388 = arith.select %lt3A_384, %select_n3A_364, %shift_right_arithmetic3A_367 : i32
    %add3A_389 = arith.addi %select_n3A_387, %select_n3A_388 : i32
    %shift_right_arithmetic3A_390 = arith.constant 1 : i32
    %shift_right_arithmetic3A_391 = arith.shrsi %add3A_389, %shift_right_arithmetic3A_390 : i32
    %min3A_392 = arith.constant 16383 : i32
    %min3A_393 = arith.minsi %shift_right_arithmetic3A_391, %min3A_392 : i32
    %shift_right_arithmetic3A_394 = arith.constant 10 : i32
    %shift_right_arithmetic3A_395 = arith.shrsi %min3A_393, %shift_right_arithmetic3A_394 : i32
    %shift_right_arithmetic3A_396 = arith.constant 7 : i32
    %shift_right_arithmetic3A_397 = arith.shrsi %min3A_393, %shift_right_arithmetic3A_396 : i32
    %and3A_398 = arith.constant 7 : i32
    %and3A_399 = arith.andi %shift_right_arithmetic3A_397, %and3A_398 : i32
    %and3A_400 = arith.constant 127 : i32
    %and3A_401 = arith.andi %min3A_393, %and3A_400 : i32
    %broadcast_in_dim3A_402 = vector.broadcast %shift_right_arithmetic3A_395 : i32 to vector<16xi32>
    %broadcast_in_dim3A_403 = vector.broadcast %and3A_399 : i32 to vector<16xi32>
    %broadcast_in_dim3A_404 = vector.broadcast %and3A_401 : i32 to vector<16xi32>
    %gather3A_405 = tpu.vector_load_idx %arg11[%broadcast_in_dim3A_402, %broadcast_in_dim3A_403, %broadcast_in_dim3A_404] : memref<16x8x128xi32, #tpu.memory_space<vmem>>[vector<16xi32>, vector<16xi32>, vector<16xi32>], vector<16xi32>,
    %slice3A_406 = vector.extract_strided_slice %gather3A_405 {offsets = [0], sizes = [1], strides = [1]} : vector<16xi32> to vector<1xi32>
    %squeeze3A_407 = vector.extract %slice3A_406[0] : i32 from vector<1xi32>
    %lt3A_408 = arith.cmpi slt, %squeeze3A_407, %mul3A_79 : i32
    %add3A_409 = arith.constant 1 : i32
    %add3A_410 = arith.addi %shift_right_arithmetic3A_391, %add3A_409 : i32
    %select_n3A_411 = arith.select %lt3A_408, %add3A_410, %select_n3A_387 : i32
    %select_n3A_412 = arith.select %lt3A_408, %select_n3A_388, %shift_right_arithmetic3A_391 : i32
    %while3A = arith.constant 0 : i32
    %while3A_413 = arith.constant -1 : i32
    %while3A_414 = arith.subi %min3A_4, %while3A : i32
    %while3A_415 = arith.addi %while3A, %while3A_414 : i32
    %while3A_416 = arith.constant 1 : i32
    %while3A_417 = arith.divsi %while3A_414, %while3A_416 : i32
    %while3A_418 = arith.muli %while3A_417, %while3A_416 : i32
    %while3A_419 = arith.addi %while3A, %while3A_418 : i32
    %while3A_420 = arith.constant 1 : i32
    %while3A_421:2 = scf.for %while3A_519 = %while3A to %while3A_419 step %while3A_420 iter_args(%while3A_520 = %select_n3A_411, %while3A_521 = %while3A_413) -> (i32, i32)  : i32 {
      %jit3A_522 = arith.constant 7 : i32
      %eq3A = arith.constant 0 : i32
      %eq3A_523 = arith.cmpi eq, %jit3A_522, %eq3A : i32
      %jit3A_524 = arith.constant 1 : i32
      %select_n3A_525 = arith.select %eq3A_523, %jit3A_524, %jit3A_522 : i32
      %rem3A = arith.remsi %while3A_519, %select_n3A_525 : i32
      %ne3A = arith.constant 0 : i32
      %ne3A_526 = arith.cmpi ne, %rem3A, %ne3A : i32
      %lt3A_527 = arith.constant 0 : i32
      %lt3A_528 = arith.cmpi slt, %rem3A, %lt3A_527 : i32
      %lt3A_529 = arith.constant 0 : i32
      %lt3A_530 = arith.cmpi slt, %select_n3A_525, %lt3A_529 : i32
      %ne3A_531 = arith.xori %lt3A_528, %lt3A_530 : i1
      %and3A_532 = arith.andi %ne3A_531, %ne3A_526 : i1
      %add3A_533 = arith.addi %rem3A, %select_n3A_525 : i32
      %select_n3A_534 = arith.select %and3A_532, %add3A_533, %rem3A : i32
      %eq3A_535 = arith.constant 0 : i32
      %eq3A_536 = arith.cmpi eq, %while3A_519, %eq3A_535 : i32
      %convert_element_type3A_537 = arith.extui %eq3A_536 : i1 to i32
      %cond3A_538 = arith.constant 0 : i32
      %cond3A_539 = arith.cmpi ne, %convert_element_type3A_537, %cond3A_538 : i32
      scf.if %cond3A_539 {
        %add3A_614 = arith.constant 0 : i32
        %add3A_615 = arith.addi %mul3A_2, %add3A_614 : i32
        %mul3A_616 = arith.constant 128 : i32
        %mul3A_617 = arith.muli %add3A_615, %mul3A_616 : i32
        %multiple_of3A_618 = tpu.assume_multiple %mul3A_617, 128 : i32
        %dma_start3A_619 = arith.constant 0 : i32
        %dma_start3A_620 = arith.constant 0 : i32
        %dma_start3A_621 = arith.constant 0 : i32
        %dma_start3A_622 = arith.constant 0 : i32
        %dma_start3A_623 = tpu.memref_slice %arg9[%dma_start3A_619, %dma_start3A_621, %dma_start3A_622] : memref<7x64x128xf32, #tpu.memory_space<vmem>> -> memref<1x64x128xf32, #tpu.memory_space<vmem>>
        %dma_start3A_624 = tpu.memref_squeeze %dma_start3A_623 : memref<1x64x128xf32, #tpu.memory_space<vmem>> -> memref<64x128xf32, #tpu.memory_space<vmem>>
        %dma_start3A_625 = arith.constant 0 : i32
        %dma_start3A_626 = tpu.memref_slice %arg2[%dma_start3A_625, %multiple_of3A_618] : memref<64x1000000xf32, #tpu.memory_space<hbm>> -> memref<64x128xf32, #tpu.memory_space<hbm>>
        %dma_start3A_627 = tpu.memref_slice %arg13[%dma_start3A_620] : memref<7x!tpu.dma_semaphore, #tpu.memory_space<semaphore_mem>> -> memref<1x!tpu.dma_semaphore, #tpu.memory_space<semaphore_mem>>
        %dma_start3A_628 = tpu.memref_squeeze %dma_start3A_627 : memref<1x!tpu.dma_semaphore, #tpu.memory_space<semaphore_mem>> -> memref<!tpu.dma_semaphore, #tpu.memory_space<semaphore_mem>>
        %dma_start3A_629 = arith.constant 0 : i32
        %dma_start3A_630 = arith.constant 0 : i32
        %dma_start3A_631 = tpu.memref_slice %arg9[%dma_start3A_619, %dma_start3A_629, %dma_start3A_630] : memref<7x64x128xf32, #tpu.memory_space<vmem>> -> memref<1x64x128xf32, #tpu.memory_space<vmem>>
        %dma_start3A_632 = tpu.memref_squeeze %dma_start3A_631 : memref<1x64x128xf32, #tpu.memory_space<vmem>> -> memref<64x128xf32, #tpu.memory_space<vmem>>
        %dma_start3A_633 = arith.constant 0 : i32
        %dma_start3A_634 = tpu.memref_slice %arg2[%dma_start3A_633, %multiple_of3A_618] : memref<64x1000000xf32, #tpu.memory_space<hbm>> -> memref<64x128xf32, #tpu.memory_space<hbm>>
        tpu.enqueue_dma source(%dma_start3A_634 : memref<64x128xf32, #tpu.memory_space<hbm>>) target(%dma_start3A_632 : memref<64x128xf32, #tpu.memory_space<vmem>>) target_semaphore(%dma_start3A_628 : memref<!tpu.dma_semaphore, #tpu.memory_space<semaphore_mem>>)
        %gt3A = arith.constant 1 : i32
        %gt3A_635 = arith.cmpi sgt, %min3A_4, %gt3A : i32
        %convert_element_type3A_636 = arith.extui %gt3A_635 : i1 to i32
        %cond3A_637 = arith.constant 0 : i32
        %cond3A_638 = arith.cmpi ne, %convert_element_type3A_636, %cond3A_637 : i32
        scf.if %cond3A_638 {
          %add3A_639 = arith.constant 1 : i32
          %add3A_640 = arith.addi %mul3A_2, %add3A_639 : i32
          %mul3A_641 = arith.constant 128 : i32
          %mul3A_642 = arith.muli %add3A_640, %mul3A_641 : i32
          %multiple_of3A_643 = tpu.assume_multiple %mul3A_642, 128 : i32
          %dma_start3A_644 = arith.constant 1 : i32
          %dma_start3A_645 = arith.constant 1 : i32
          %dma_start3A_646 = arith.constant 0 : i32
          %dma_start3A_647 = arith.constant 0 : i32
          %dma_start3A_648 = tpu.memref_slice %arg9[%dma_start3A_644, %dma_start3A_646, %dma_start3A_647] : memref<7x64x128xf32, #tpu.memory_space<vmem>> -> memref<1x64x128xf32, #tpu.memory_space<vmem>>
          %dma_start3A_649 = tpu.memref_squeeze %dma_start3A_648 : memref<1x64x128xf32, #tpu.memory_space<vmem>> -> memref<64x128xf32, #tpu.memory_space<vmem>>
          %dma_start3A_650 = arith.constant 0 : i32
          %dma_start3A_651 = tpu.memref_slice %arg2[%dma_start3A_650, %multiple_of3A_643] : memref<64x1000000xf32, #tpu.memory_space<hbm>> -> memref<64x128xf32, #tpu.memory_space<hbm>>
          %dma_start3A_652 = tpu.memref_slice %arg13[%dma_start3A_645] : memref<7x!tpu.dma_semaphore, #tpu.memory_space<semaphore_mem>> -> memref<1x!tpu.dma_semaphore, #tpu.memory_space<semaphore_mem>>
          %dma_start3A_653 = tpu.memref_squeeze %dma_start3A_652 : memref<1x!tpu.dma_semaphore, #tpu.memory_space<semaphore_mem>> -> memref<!tpu.dma_semaphore, #tpu.memory_space<semaphore_mem>>
          %dma_start3A_654 = arith.constant 0 : i32
          %dma_start3A_655 = arith.constant 0 : i32
          %dma_start3A_656 = tpu.memref_slice %arg9[%dma_start3A_644, %dma_start3A_654, %dma_start3A_655] : memref<7x64x128xf32, #tpu.memory_space<vmem>> -> memref<1x64x128xf32, #tpu.memory_space<vmem>>
          %dma_start3A_657 = tpu.memref_squeeze %dma_start3A_656 : memref<1x64x128xf32, #tpu.memory_space<vmem>> -> memref<64x128xf32, #tpu.memory_space<vmem>>
          %dma_start3A_658 = arith.constant 0 : i32
          %dma_start3A_659 = tpu.memref_slice %arg2[%dma_start3A_658, %multiple_of3A_643] : memref<64x1000000xf32, #tpu.memory_space<hbm>> -> memref<64x128xf32, #tpu.memory_space<hbm>>
          tpu.enqueue_dma source(%dma_start3A_659 : memref<64x128xf32, #tpu.memory_space<hbm>>) target(%dma_start3A_657 : memref<64x128xf32, #tpu.memory_space<vmem>>) target_semaphore(%dma_start3A_653 : memref<!tpu.dma_semaphore, #tpu.memory_space<semaphore_mem>>)
        } else {
        }
      } else {
      }
      %add3A_540 = arith.constant 2 : i32
      %add3A_541 = arith.addi %while3A_519, %add3A_540 : i32
      %jit3A_542 = arith.constant 7 : i32
      %eq3A_543 = arith.constant 0 : i32
      %eq3A_544 = arith.cmpi eq, %jit3A_542, %eq3A_543 : i32
      %jit3A_545 = arith.constant 1 : i32
      %select_n3A_546 = arith.select %eq3A_544, %jit3A_545, %jit3A_542 : i32
      %rem3A_547 = arith.remsi %add3A_541, %select_n3A_546 : i32
      %ne3A_548 = arith.constant 0 : i32
      %ne3A_549 = arith.cmpi ne, %rem3A_547, %ne3A_548 : i32
      %lt3A_550 = arith.constant 0 : i32
      %lt3A_551 = arith.cmpi slt, %rem3A_547, %lt3A_550 : i32
      %lt3A_552 = arith.constant 0 : i32
      %lt3A_553 = arith.cmpi slt, %select_n3A_546, %lt3A_552 : i32
      %ne3A_554 = arith.xori %lt3A_551, %lt3A_553 : i1
      %and3A_555 = arith.andi %ne3A_554, %ne3A_549 : i1
      %add3A_556 = arith.addi %rem3A_547, %select_n3A_546 : i32
      %select_n3A_557 = arith.select %and3A_555, %add3A_556, %rem3A_547 : i32
      %add3A_558 = arith.constant 2 : i32
      %add3A_559 = arith.addi %while3A_519, %add3A_558 : i32
      %lt3A_560 = arith.cmpi slt, %add3A_559, %min3A_4 : i32
      %ge3A_561 = arith.constant 5 : i32
      %ge3A_562 = arith.cmpi sge, %while3A_519, %ge3A_561 : i32
      %and3A_563 = arith.andi %lt3A_560, %ge3A_562 : i1
      %convert_element_type3A_564 = arith.extui %and3A_563 : i1 to i32
      %cond3A_565 = arith.constant 0 : i32
      %cond3A_566 = arith.cmpi ne, %convert_element_type3A_564, %cond3A_565 : i32
      scf.if %cond3A_566 {
        %add3A_614 = arith.addi %mul3A_2, %while3A_519 : i32
        %add3A_615 = arith.constant 2 : i32
        %add3A_616 = arith.addi %add3A_614, %add3A_615 : i32
        %sub3A_617 = arith.constant 7 : i32
        %sub3A_618 = arith.subi %add3A_616, %sub3A_617 : i32
        %mul3A_619 = arith.constant 128 : i32
        %mul3A_620 = arith.muli %sub3A_618, %mul3A_619 : i32
        %multiple_of3A_621 = tpu.assume_multiple %mul3A_620, 128 : i32
        %dma_wait3A_622 = arith.constant 0 : i32
        %dma_wait3A_623 = arith.constant 0 : i32
        %dma_wait3A_624 = tpu.memref_slice %arg9[%select_n3A_557, %dma_wait3A_622, %dma_wait3A_623] : memref<7x64x128xf32, #tpu.memory_space<vmem>> -> memref<1x64x128xf32, #tpu.memory_space<vmem>>
        %dma_wait3A_625 = tpu.memref_squeeze %dma_wait3A_624 : memref<1x64x128xf32, #tpu.memory_space<vmem>> -> memref<64x128xf32, #tpu.memory_space<vmem>>
        %dma_wait3A_626 = arith.constant 0 : i32
        %dma_wait3A_627 = tpu.memref_slice %arg7[%dma_wait3A_626, %multiple_of3A_621] : memref<64x1000000xf32, #tpu.memory_space<hbm>> -> memref<64x128xf32, #tpu.memory_space<hbm>>
        %dma_wait3A_628 = tpu.memref_slice %arg14[%select_n3A_557] : memref<7x!tpu.dma_semaphore, #tpu.memory_space<semaphore_mem>> -> memref<1x!tpu.dma_semaphore, #tpu.memory_space<semaphore_mem>>
        %dma_wait3A_629 = tpu.memref_squeeze %dma_wait3A_628 : memref<1x!tpu.dma_semaphore, #tpu.memory_space<semaphore_mem>> -> memref<!tpu.dma_semaphore, #tpu.memory_space<semaphore_mem>>
        %dma_wait3A_630 = arith.constant 0 : i32
        %dma_wait3A_631 = tpu.memref_slice %arg7[%dma_wait3A_630, %multiple_of3A_621] : memref<64x1000000xf32, #tpu.memory_space<hbm>> -> memref<64x128xf32, #tpu.memory_space<hbm>>
        %dma_wait3A_632 = arith.constant 0 : i32
        %dma_wait3A_633 = arith.constant 0 : i32
        %dma_wait3A_634 = tpu.memref_slice %arg9[%select_n3A_557, %dma_wait3A_632, %dma_wait3A_633] : memref<7x64x128xf32, #tpu.memory_space<vmem>> -> memref<1x64x128xf32, #tpu.memory_space<vmem>>
        %dma_wait3A_635 = tpu.memref_squeeze %dma_wait3A_634 : memref<1x64x128xf32, #tpu.memory_space<vmem>> -> memref<64x128xf32, #tpu.memory_space<vmem>>
        tpu.wait_dma2 semaphore(%dma_wait3A_629 : memref<!tpu.dma_semaphore, #tpu.memory_space<semaphore_mem>>) src(%dma_wait3A_635 : memref<64x128xf32, #tpu.memory_space<vmem>>) dst(%dma_wait3A_631 : memref<64x128xf32, #tpu.memory_space<hbm>>)
      } else {
      }
      %add3A_567 = arith.constant 2 : i32
      %add3A_568 = arith.addi %while3A_519, %add3A_567 : i32
      %lt3A_569 = arith.cmpi slt, %add3A_568, %min3A_4 : i32
      %convert_element_type3A_570 = arith.extui %lt3A_569 : i1 to i32
      %cond3A_571 = arith.constant 0 : i32
      %cond3A_572 = arith.cmpi ne, %convert_element_type3A_570, %cond3A_571 : i32
      scf.if %cond3A_572 {
        %add3A_614 = arith.constant 2 : i32
        %add3A_615 = arith.addi %while3A_519, %add3A_614 : i32
        %add3A_616 = arith.addi %mul3A_2, %add3A_615 : i32
        %mul3A_617 = arith.constant 128 : i32
        %mul3A_618 = arith.muli %add3A_616, %mul3A_617 : i32
        %multiple_of3A_619 = tpu.assume_multiple %mul3A_618, 128 : i32
        %dma_start3A_620 = arith.constant 0 : i32
        %dma_start3A_621 = arith.constant 0 : i32
        %dma_start3A_622 = tpu.memref_slice %arg9[%select_n3A_557, %dma_start3A_620, %dma_start3A_621] : memref<7x64x128xf32, #tpu.memory_space<vmem>> -> memref<1x64x128xf32, #tpu.memory_space<vmem>>
        %dma_start3A_623 = tpu.memref_squeeze %dma_start3A_622 : memref<1x64x128xf32, #tpu.memory_space<vmem>> -> memref<64x128xf32, #tpu.memory_space<vmem>>
        %dma_start3A_624 = arith.constant 0 : i32
        %dma_start3A_625 = tpu.memref_slice %arg2[%dma_start3A_624, %multiple_of3A_619] : memref<64x1000000xf32, #tpu.memory_space<hbm>> -> memref<64x128xf32, #tpu.memory_space<hbm>>
        %dma_start3A_626 = tpu.memref_slice %arg13[%select_n3A_557] : memref<7x!tpu.dma_semaphore, #tpu.memory_space<semaphore_mem>> -> memref<1x!tpu.dma_semaphore, #tpu.memory_space<semaphore_mem>>
        %dma_start3A_627 = tpu.memref_squeeze %dma_start3A_626 : memref<1x!tpu.dma_semaphore, #tpu.memory_space<semaphore_mem>> -> memref<!tpu.dma_semaphore, #tpu.memory_space<semaphore_mem>>
        %dma_start3A_628 = arith.constant 0 : i32
        %dma_start3A_629 = arith.constant 0 : i32
        %dma_start3A_630 = tpu.memref_slice %arg9[%select_n3A_557, %dma_start3A_628, %dma_start3A_629] : memref<7x64x128xf32, #tpu.memory_space<vmem>> -> memref<1x64x128xf32, #tpu.memory_space<vmem>>
        %dma_start3A_631 = tpu.memref_squeeze %dma_start3A_630 : memref<1x64x128xf32, #tpu.memory_space<vmem>> -> memref<64x128xf32, #tpu.memory_space<vmem>>
        %dma_start3A_632 = arith.constant 0 : i32
        %dma_start3A_633 = tpu.memref_slice %arg2[%dma_start3A_632, %multiple_of3A_619] : memref<64x1000000xf32, #tpu.memory_space<hbm>> -> memref<64x128xf32, #tpu.memory_space<hbm>>
        tpu.enqueue_dma source(%dma_start3A_633 : memref<64x128xf32, #tpu.memory_space<hbm>>) target(%dma_start3A_631 : memref<64x128xf32, #tpu.memory_space<vmem>>) target_semaphore(%dma_start3A_627 : memref<!tpu.dma_semaphore, #tpu.memory_space<semaphore_mem>>)
      } else {
      }
      %add3A_573 = arith.addi %mul3A_2, %while3A_519 : i32
      %mul3A_574 = arith.constant 128 : i32
      %mul3A_575 = arith.muli %add3A_573, %mul3A_574 : i32
      %multiple_of3A = tpu.assume_multiple %mul3A_575, 128 : i32
      %dma_wait3A_576 = arith.constant 0 : i32
      %dma_wait3A_577 = arith.constant 0 : i32
      %dma_wait3A_578 = tpu.memref_slice %arg9[%select_n3A_534, %dma_wait3A_576, %dma_wait3A_577] : memref<7x64x128xf32, #tpu.memory_space<vmem>> -> memref<1x64x128xf32, #tpu.memory_space<vmem>>
      %dma_wait3A_579 = tpu.memref_squeeze %dma_wait3A_578 : memref<1x64x128xf32, #tpu.memory_space<vmem>> -> memref<64x128xf32, #tpu.memory_space<vmem>>
      %dma_wait3A_580 = arith.constant 0 : i32
      %dma_wait3A_581 = tpu.memref_slice %arg2[%dma_wait3A_580, %multiple_of3A] : memref<64x1000000xf32, #tpu.memory_space<hbm>> -> memref<64x128xf32, #tpu.memory_space<hbm>>
      %dma_wait3A_582 = tpu.memref_slice %arg13[%select_n3A_534] : memref<7x!tpu.dma_semaphore, #tpu.memory_space<semaphore_mem>> -> memref<1x!tpu.dma_semaphore, #tpu.memory_space<semaphore_mem>>
      %dma_wait3A_583 = tpu.memref_squeeze %dma_wait3A_582 : memref<1x!tpu.dma_semaphore, #tpu.memory_space<semaphore_mem>> -> memref<!tpu.dma_semaphore, #tpu.memory_space<semaphore_mem>>
      %dma_wait3A_584 = arith.constant 0 : i32
      %dma_wait3A_585 = arith.constant 0 : i32
      %dma_wait3A_586 = tpu.memref_slice %arg9[%select_n3A_534, %dma_wait3A_584, %dma_wait3A_585] : memref<7x64x128xf32, #tpu.memory_space<vmem>> -> memref<1x64x128xf32, #tpu.memory_space<vmem>>
      %dma_wait3A_587 = tpu.memref_squeeze %dma_wait3A_586 : memref<1x64x128xf32, #tpu.memory_space<vmem>> -> memref<64x128xf32, #tpu.memory_space<vmem>>
      %dma_wait3A_588 = arith.constant 0 : i32
      %dma_wait3A_589 = tpu.memref_slice %arg2[%dma_wait3A_588, %multiple_of3A] : memref<64x1000000xf32, #tpu.memory_space<hbm>> -> memref<64x128xf32, #tpu.memory_space<hbm>>
      tpu.wait_dma2 semaphore(%dma_wait3A_583 : memref<!tpu.dma_semaphore, #tpu.memory_space<semaphore_mem>>) src(%dma_wait3A_589 : memref<64x128xf32, #tpu.memory_space<hbm>>) dst(%dma_wait3A_587 : memref<64x128xf32, #tpu.memory_space<vmem>>)
      %add3A_590 = arith.addi %mul3A_2, %while3A_519 : i32
      %add3A_591 = arith.constant 1 : i32
      %add3A_592 = arith.addi %add3A_590, %add3A_591 : i32
      %mul3A_593 = arith.constant 128 : i32
      %mul3A_594 = arith.muli %add3A_592, %mul3A_593 : i32
      %while3A_595:2 = scf.while (%while3A_614 = %while3A_520, %while3A_615 = %while3A_521) : (i32, i32) -> (i32, i32) {
        %lt3A_616 = arith.constant 16384 : i32
        %lt3A_617 = arith.cmpi slt, %while3A_614, %lt3A_616 : i32
        %min3A_618 = arith.constant 16383 : i32
        %min3A_619 = arith.minsi %while3A_614, %min3A_618 : i32
        %shift_right_arithmetic3A_620 = arith.constant 10 : i32
        %shift_right_arithmetic3A_621 = arith.shrsi %min3A_619, %shift_right_arithmetic3A_620 : i32
        %shift_right_arithmetic3A_622 = arith.constant 7 : i32
        %shift_right_arithmetic3A_623 = arith.shrsi %min3A_619, %shift_right_arithmetic3A_622 : i32
        %and3A_624 = arith.constant 7 : i32
        %and3A_625 = arith.andi %shift_right_arithmetic3A_623, %and3A_624 : i32
        %and3A_626 = arith.constant 127 : i32
        %and3A_627 = arith.andi %min3A_619, %and3A_626 : i32
        %broadcast_in_dim3A_628 = vector.broadcast %shift_right_arithmetic3A_621 : i32 to vector<16xi32>
        %broadcast_in_dim3A_629 = vector.broadcast %and3A_625 : i32 to vector<16xi32>
        %broadcast_in_dim3A_630 = vector.broadcast %and3A_627 : i32 to vector<16xi32>
        %gather3A_631 = tpu.vector_load_idx %arg11[%broadcast_in_dim3A_628, %broadcast_in_dim3A_629, %broadcast_in_dim3A_630] : memref<16x8x128xi32, #tpu.memory_space<vmem>>[vector<16xi32>, vector<16xi32>, vector<16xi32>], vector<16xi32>,
        %slice3A_632 = vector.extract_strided_slice %gather3A_631 {offsets = [0], sizes = [1], strides = [1]} : vector<16xi32> to vector<1xi32>
        %squeeze3A_633 = vector.extract %slice3A_632[0] : i32 from vector<1xi32>
        %lt3A_634 = arith.cmpi slt, %squeeze3A_633, %mul3A_594 : i32
        %and3A_635 = arith.andi %lt3A_617, %lt3A_634 : i1
        scf.condition(%and3A_635) %while3A_614, %while3A_615 : i32, i32
      } do {
      ^bb0(%while3A_614: i32, %while3A_615: i32):
        %shift_right_arithmetic3A_616 = arith.constant 7 : i32
        %shift_right_arithmetic3A_617 = arith.shrsi %while3A_614, %shift_right_arithmetic3A_616 : i32
        %ne3A_618 = arith.cmpi ne, %shift_right_arithmetic3A_617, %while3A_615 : i32
        %convert_element_type3A_619 = arith.extui %ne3A_618 : i1 to i32
        %cond3A_620 = arith.constant 0 : i32
        %cond3A_621 = arith.cmpi ne, %convert_element_type3A_619, %cond3A_620 : i32
        scf.if %cond3A_621 {
          "tpu.region"() ({
            %run_scoped3A = tpu.sem_alloc : memref<!tpu.dma_semaphore, #tpu.memory_space<semaphore_mem>>
            %dma_start3A_688 = arith.constant 0 : i32
            %dma_start3A_689 = arith.constant 0 : i32
            %dma_start3A_690 = tpu.memref_slice %arg3[%shift_right_arithmetic3A_617, %dma_start3A_688, %dma_start3A_689] : memref<128x64x128xf32, #tpu.memory_space<hbm>> -> memref<1x64x128xf32, #tpu.memory_space<hbm>>
            %dma_start3A_691 = tpu.memref_squeeze %dma_start3A_690 : memref<1x64x128xf32, #tpu.memory_space<hbm>> -> memref<64x128xf32, #tpu.memory_space<hbm>>
            %dma_start3A_692 = arith.constant 0 : i32
            %dma_start3A_693 = arith.constant 0 : i32
            %dma_start3A_694 = tpu.memref_slice %arg3[%shift_right_arithmetic3A_617, %dma_start3A_692, %dma_start3A_693] : memref<128x64x128xf32, #tpu.memory_space<hbm>> -> memref<1x64x128xf32, #tpu.memory_space<hbm>>
            %dma_start3A_695 = tpu.memref_squeeze %dma_start3A_694 : memref<1x64x128xf32, #tpu.memory_space<hbm>> -> memref<64x128xf32, #tpu.memory_space<hbm>>
            tpu.enqueue_dma source(%dma_start3A_695 : memref<64x128xf32, #tpu.memory_space<hbm>>) target(%arg10 : memref<64x128xf32, #tpu.memory_space<vmem>>) target_semaphore(%run_scoped3A : memref<!tpu.dma_semaphore, #tpu.memory_space<semaphore_mem>>)
            %dma_wait3A_696 = arith.constant 0 : i32
            %dma_wait3A_697 = arith.constant 0 : i32
            %dma_wait3A_698 = tpu.memref_slice %arg3[%shift_right_arithmetic3A_617, %dma_wait3A_696, %dma_wait3A_697] : memref<128x64x128xf32, #tpu.memory_space<hbm>> -> memref<1x64x128xf32, #tpu.memory_space<hbm>>
            %dma_wait3A_699 = tpu.memref_squeeze %dma_wait3A_698 : memref<1x64x128xf32, #tpu.memory_space<hbm>> -> memref<64x128xf32, #tpu.memory_space<hbm>>
            %dma_wait3A_700 = arith.constant 0 : i32
            %dma_wait3A_701 = arith.constant 0 : i32
            %dma_wait3A_702 = tpu.memref_slice %arg3[%shift_right_arithmetic3A_617, %dma_wait3A_700, %dma_wait3A_701] : memref<128x64x128xf32, #tpu.memory_space<hbm>> -> memref<1x64x128xf32, #tpu.memory_space<hbm>>
            %dma_wait3A_703 = tpu.memref_squeeze %dma_wait3A_702 : memref<1x64x128xf32, #tpu.memory_space<hbm>> -> memref<64x128xf32, #tpu.memory_space<hbm>>
            tpu.wait_dma2 semaphore(%run_scoped3A : memref<!tpu.dma_semaphore, #tpu.memory_space<semaphore_mem>>) src(%dma_wait3A_703 : memref<64x128xf32, #tpu.memory_space<hbm>>) dst(%arg10 : memref<64x128xf32, #tpu.memory_space<vmem>>)
            tpu.yield
          }) : () -> ()
        } else {
        }
        %mul3A_622 = arith.constant 128 : i32
        %mul3A_623 = arith.muli %shift_right_arithmetic3A_617, %mul3A_622 : i32
        %sub3A_624 = arith.subi %while3A_614, %mul3A_623 : i32
        %min3A_625 = arith.constant 16383 : i32
        %min3A_626 = arith.minsi %while3A_614, %min3A_625 : i32
        %shift_right_arithmetic3A_627 = arith.constant 10 : i32
        %shift_right_arithmetic3A_628 = arith.shrsi %min3A_626, %shift_right_arithmetic3A_627 : i32
        %shift_right_arithmetic3A_629 = arith.constant 7 : i32
        %shift_right_arithmetic3A_630 = arith.shrsi %min3A_626, %shift_right_arithmetic3A_629 : i32
        %and3A_631 = arith.constant 7 : i32
        %and3A_632 = arith.andi %shift_right_arithmetic3A_630, %and3A_631 : i32
        %and3A_633 = arith.constant 127 : i32
        %and3A_634 = arith.andi %min3A_626, %and3A_633 : i32
        %broadcast_in_dim3A_635 = vector.broadcast %shift_right_arithmetic3A_628 : i32 to vector<16xi32>
        %broadcast_in_dim3A_636 = vector.broadcast %and3A_632 : i32 to vector<16xi32>
        %broadcast_in_dim3A_637 = vector.broadcast %and3A_634 : i32 to vector<16xi32>
        %gather3A_638 = tpu.vector_load_idx %arg11[%broadcast_in_dim3A_635, %broadcast_in_dim3A_636, %broadcast_in_dim3A_637] : memref<16x8x128xi32, #tpu.memory_space<vmem>>[vector<16xi32>, vector<16xi32>, vector<16xi32>], vector<16xi32>,
        %slice3A_639 = vector.extract_strided_slice %gather3A_638 {offsets = [0], sizes = [1], strides = [1]} : vector<16xi32> to vector<1xi32>
        %squeeze3A_640 = vector.extract %slice3A_639[0] : i32 from vector<1xi32>
        %mul3A_641 = arith.constant 128 : i32
        %mul3A_642 = arith.muli %add3A_590, %mul3A_641 : i32
        %sub3A_643 = arith.subi %squeeze3A_640, %mul3A_642 : i32
        %iota3A = tpu.iota {dimensions = array<i32: 0>} : vector<16xi32>
        %add3A_644 = arith.constant 0 : i32
        %add3A_645 = vector.broadcast %add3A_644 : i32 to vector<16xi32>
        %add3A_646 = arith.addi %iota3A, %add3A_645 : vector<16xi32>
        %broadcast_in_dim3A_647 = vector.broadcast %sub3A_624 : i32 to vector<16xi32>
        %gather3A_648 = tpu.vector_load_idx %arg10[%add3A_646, %broadcast_in_dim3A_647] : memref<64x128xf32, #tpu.memory_space<vmem>>[vector<16xi32>, vector<16xi32>], vector<16xf32>,
        %broadcast_in_dim3A_649 = vector.broadcast %sub3A_643 : i32 to vector<16xi32>
        %scatter3A = arith.constant 0 : i32
        %scatter3A_650 = arith.constant 0 : i32
        %scatter3A_651 = tpu.memref_slice %arg9[%select_n3A_534, %scatter3A, %scatter3A_650] : memref<7x64x128xf32, #tpu.memory_space<vmem>> -> memref<1x64x128xf32, #tpu.memory_space<vmem>>
        %scatter3A_652 = tpu.memref_squeeze %scatter3A_651 : memref<1x64x128xf32, #tpu.memory_space<vmem>> -> memref<64x128xf32, #tpu.memory_space<vmem>>
        tpu.vector_store_idx %scatter3A_652[%add3A_646, %broadcast_in_dim3A_649], %gather3A_648 : memref<64x128xf32, #tpu.memory_space<vmem>>[vector<16xi32>, vector<16xi32>], vector<16xf32>,
        %iota3A_653 = tpu.iota {dimensions = array<i32: 0>} : vector<16xi32>
        %add3A_654 = arith.constant 16 : i32
        %add3A_655 = vector.broadcast %add3A_654 : i32 to vector<16xi32>
        %add3A_656 = arith.addi %iota3A_653, %add3A_655 : vector<16xi32>
        %broadcast_in_dim3A_657 = vector.broadcast %sub3A_624 : i32 to vector<16xi32>
        %gather3A_658 = tpu.vector_load_idx %arg10[%add3A_656, %broadcast_in_dim3A_657] : memref<64x128xf32, #tpu.memory_space<vmem>>[vector<16xi32>, vector<16xi32>], vector<16xf32>,
        %broadcast_in_dim3A_659 = vector.broadcast %sub3A_643 : i32 to vector<16xi32>
        %scatter3A_660 = arith.constant 0 : i32
        %scatter3A_661 = arith.constant 0 : i32
        %scatter3A_662 = tpu.memref_slice %arg9[%select_n3A_534, %scatter3A_660, %scatter3A_661] : memref<7x64x128xf32, #tpu.memory_space<vmem>> -> memref<1x64x128xf32, #tpu.memory_space<vmem>>
        %scatter3A_663 = tpu.memref_squeeze %scatter3A_662 : memref<1x64x128xf32, #tpu.memory_space<vmem>> -> memref<64x128xf32, #tpu.memory_space<vmem>>
        tpu.vector_store_idx %scatter3A_663[%add3A_656, %broadcast_in_dim3A_659], %gather3A_658 : memref<64x128xf32, #tpu.memory_space<vmem>>[vector<16xi32>, vector<16xi32>], vector<16xf32>,
        %iota3A_664 = tpu.iota {dimensions = array<i32: 0>} : vector<16xi32>
        %add3A_665 = arith.constant 32 : i32
        %add3A_666 = vector.broadcast %add3A_665 : i32 to vector<16xi32>
        %add3A_667 = arith.addi %iota3A_664, %add3A_666 : vector<16xi32>
        %broadcast_in_dim3A_668 = vector.broadcast %sub3A_624 : i32 to vector<16xi32>
        %gather3A_669 = tpu.vector_load_idx %arg10[%add3A_667, %broadcast_in_dim3A_668] : memref<64x128xf32, #tpu.memory_space<vmem>>[vector<16xi32>, vector<16xi32>], vector<16xf32>,
        %broadcast_in_dim3A_670 = vector.broadcast %sub3A_643 : i32 to vector<16xi32>
        %scatter3A_671 = arith.constant 0 : i32
        %scatter3A_672 = arith.constant 0 : i32
        %scatter3A_673 = tpu.memref_slice %arg9[%select_n3A_534, %scatter3A_671, %scatter3A_672] : memref<7x64x128xf32, #tpu.memory_space<vmem>> -> memref<1x64x128xf32, #tpu.memory_space<vmem>>
        %scatter3A_674 = tpu.memref_squeeze %scatter3A_673 : memref<1x64x128xf32, #tpu.memory_space<vmem>> -> memref<64x128xf32, #tpu.memory_space<vmem>>
        tpu.vector_store_idx %scatter3A_674[%add3A_667, %broadcast_in_dim3A_670], %gather3A_669 : memref<64x128xf32, #tpu.memory_space<vmem>>[vector<16xi32>, vector<16xi32>], vector<16xf32>,
        %iota3A_675 = tpu.iota {dimensions = array<i32: 0>} : vector<16xi32>
        %add3A_676 = arith.constant 48 : i32
        %add3A_677 = vector.broadcast %add3A_676 : i32 to vector<16xi32>
        %add3A_678 = arith.addi %iota3A_675, %add3A_677 : vector<16xi32>
        %broadcast_in_dim3A_679 = vector.broadcast %sub3A_624 : i32 to vector<16xi32>
        %gather3A_680 = tpu.vector_load_idx %arg10[%add3A_678, %broadcast_in_dim3A_679] : memref<64x128xf32, #tpu.memory_space<vmem>>[vector<16xi32>, vector<16xi32>], vector<16xf32>,
        %broadcast_in_dim3A_681 = vector.broadcast %sub3A_643 : i32 to vector<16xi32>
        %scatter3A_682 = arith.constant 0 : i32
        %scatter3A_683 = arith.constant 0 : i32
        %scatter3A_684 = tpu.memref_slice %arg9[%select_n3A_534, %scatter3A_682, %scatter3A_683] : memref<7x64x128xf32, #tpu.memory_space<vmem>> -> memref<1x64x128xf32, #tpu.memory_space<vmem>>
        %scatter3A_685 = tpu.memref_squeeze %scatter3A_684 : memref<1x64x128xf32, #tpu.memory_space<vmem>> -> memref<64x128xf32, #tpu.memory_space<vmem>>
        tpu.vector_store_idx %scatter3A_685[%add3A_678, %broadcast_in_dim3A_681], %gather3A_680 : memref<64x128xf32, #tpu.memory_space<vmem>>[vector<16xi32>, vector<16xi32>], vector<16xf32>,
        %add3A_686 = arith.constant 1 : i32
        %add3A_687 = arith.addi %while3A_614, %add3A_686 : i32
        scf.yield %add3A_687, %shift_right_arithmetic3A_617 : i32, i32
      }
      %add3A_596 = arith.addi %mul3A_2, %while3A_519 : i32
      %mul3A_597 = arith.constant 128 : i32
      %mul3A_598 = arith.muli %add3A_596, %mul3A_597 : i32
      %multiple_of3A_599 = tpu.assume_multiple %mul3A_598, 128 : i32
      %dma_start3A_600 = arith.constant 0 : i32
      %dma_start3A_601 = arith.constant 0 : i32
      %dma_start3A_602 = tpu.memref_slice %arg9[%select_n3A_534, %dma_start3A_600, %dma_start3A_601] : memref<7x64x128xf32, #tpu.memory_space<vmem>> -> memref<1x64x128xf32, #tpu.memory_space<vmem>>
      %dma_start3A_603 = tpu.memref_squeeze %dma_start3A_602 : memref<1x64x128xf32, #tpu.memory_space<vmem>> -> memref<64x128xf32, #tpu.memory_space<vmem>>
      %dma_start3A_604 = arith.constant 0 : i32
      %dma_start3A_605 = tpu.memref_slice %arg7[%dma_start3A_604, %multiple_of3A_599] : memref<64x1000000xf32, #tpu.memory_space<hbm>> -> memref<64x128xf32, #tpu.memory_space<hbm>>
      %dma_start3A_606 = tpu.memref_slice %arg14[%select_n3A_534] : memref<7x!tpu.dma_semaphore, #tpu.memory_space<semaphore_mem>> -> memref<1x!tpu.dma_semaphore, #tpu.memory_space<semaphore_mem>>
      %dma_start3A_607 = tpu.memref_squeeze %dma_start3A_606 : memref<1x!tpu.dma_semaphore, #tpu.memory_space<semaphore_mem>> -> memref<!tpu.dma_semaphore, #tpu.memory_space<semaphore_mem>>
      %dma_start3A_608 = arith.constant 0 : i32
      %dma_start3A_609 = tpu.memref_slice %arg7[%dma_start3A_608, %multiple_of3A_599] : memref<64x1000000xf32, #tpu.memory_space<hbm>> -> memref<64x128xf32, #tpu.memory_space<hbm>>
      %dma_start3A_610 = arith.constant 0 : i32
      %dma_start3A_611 = arith.constant 0 : i32
      %dma_start3A_612 = tpu.memref_slice %arg9[%select_n3A_534, %dma_start3A_610, %dma_start3A_611] : memref<7x64x128xf32, #tpu.memory_space<vmem>> -> memref<1x64x128xf32, #tpu.memory_space<vmem>>
      %dma_start3A_613 = tpu.memref_squeeze %dma_start3A_612 : memref<1x64x128xf32, #tpu.memory_space<vmem>> -> memref<64x128xf32, #tpu.memory_space<vmem>>
      tpu.enqueue_dma source(%dma_start3A_613 : memref<64x128xf32, #tpu.memory_space<vmem>>) target(%dma_start3A_609 : memref<64x128xf32, #tpu.memory_space<hbm>>) target_semaphore(%dma_start3A_607 : memref<!tpu.dma_semaphore, #tpu.memory_space<semaphore_mem>>)
      scf.yield %while3A_595#0, %while3A_595#1 : i32, i32
    }
    %while3A_422 = arith.constant 1 : i32
    %while3A_423:2 = scf.for %while3A_519 = %while3A_419 to %while3A_415 step %while3A_422 iter_args(%while3A_520 = %while3A_421#0, %while3A_521 = %while3A_421#1) -> (i32, i32)  : i32 {
      %jit3A_522 = arith.constant 7 : i32
      %eq3A = arith.constant 0 : i32
      %eq3A_523 = arith.cmpi eq, %jit3A_522, %eq3A : i32
      %jit3A_524 = arith.constant 1 : i32
      %select_n3A_525 = arith.select %eq3A_523, %jit3A_524, %jit3A_522 : i32
      %rem3A = arith.remsi %while3A_519, %select_n3A_525 : i32
      %ne3A = arith.constant 0 : i32
      %ne3A_526 = arith.cmpi ne, %rem3A, %ne3A : i32
      %lt3A_527 = arith.constant 0 : i32
      %lt3A_528 = arith.cmpi slt, %rem3A, %lt3A_527 : i32
      %lt3A_529 = arith.constant 0 : i32
      %lt3A_530 = arith.cmpi slt, %select_n3A_525, %lt3A_529 : i32
      %ne3A_531 = arith.xori %lt3A_528, %lt3A_530 : i1
      %and3A_532 = arith.andi %ne3A_531, %ne3A_526 : i1
      %add3A_533 = arith.addi %rem3A, %select_n3A_525 : i32
      %select_n3A_534 = arith.select %and3A_532, %add3A_533, %rem3A : i32
      %eq3A_535 = arith.constant 0 : i32
      %eq3A_536 = arith.cmpi eq, %while3A_519, %eq3A_535 : i32
      %convert_element_type3A_537 = arith.extui %eq3A_536 : i1 to i32
      %cond3A_538 = arith.constant 0 : i32
      %cond3A_539 = arith.cmpi ne, %convert_element_type3A_537, %cond3A_538 : i32
      scf.if %cond3A_539 {
        %add3A_614 = arith.constant 0 : i32
        %add3A_615 = arith.addi %mul3A_2, %add3A_614 : i32
        %mul3A_616 = arith.constant 128 : i32
        %mul3A_617 = arith.muli %add3A_615, %mul3A_616 : i32
        %multiple_of3A_618 = tpu.assume_multiple %mul3A_617, 128 : i32
        %dma_start3A_619 = arith.constant 0 : i32
        %dma_start3A_620 = arith.constant 0 : i32
        %dma_start3A_621 = arith.constant 0 : i32
        %dma_start3A_622 = arith.constant 0 : i32
        %dma_start3A_623 = tpu.memref_slice %arg9[%dma_start3A_619, %dma_start3A_621, %dma_start3A_622] : memref<7x64x128xf32, #tpu.memory_space<vmem>> -> memref<1x64x128xf32, #tpu.memory_space<vmem>>
        %dma_start3A_624 = tpu.memref_squeeze %dma_start3A_623 : memref<1x64x128xf32, #tpu.memory_space<vmem>> -> memref<64x128xf32, #tpu.memory_space<vmem>>
        %dma_start3A_625 = arith.constant 0 : i32
        %dma_start3A_626 = tpu.memref_slice %arg2[%dma_start3A_625, %multiple_of3A_618] : memref<64x1000000xf32, #tpu.memory_space<hbm>> -> memref<64x128xf32, #tpu.memory_space<hbm>>
        %dma_start3A_627 = tpu.memref_slice %arg13[%dma_start3A_620] : memref<7x!tpu.dma_semaphore, #tpu.memory_space<semaphore_mem>> -> memref<1x!tpu.dma_semaphore, #tpu.memory_space<semaphore_mem>>
        %dma_start3A_628 = tpu.memref_squeeze %dma_start3A_627 : memref<1x!tpu.dma_semaphore, #tpu.memory_space<semaphore_mem>> -> memref<!tpu.dma_semaphore, #tpu.memory_space<semaphore_mem>>
        %dma_start3A_629 = arith.constant 0 : i32
        %dma_start3A_630 = arith.constant 0 : i32
        %dma_start3A_631 = tpu.memref_slice %arg9[%dma_start3A_619, %dma_start3A_629, %dma_start3A_630] : memref<7x64x128xf32, #tpu.memory_space<vmem>> -> memref<1x64x128xf32, #tpu.memory_space<vmem>>
        %dma_start3A_632 = tpu.memref_squeeze %dma_start3A_631 : memref<1x64x128xf32, #tpu.memory_space<vmem>> -> memref<64x128xf32, #tpu.memory_space<vmem>>
        %dma_start3A_633 = arith.constant 0 : i32
        %dma_start3A_634 = tpu.memref_slice %arg2[%dma_start3A_633, %multiple_of3A_618] : memref<64x1000000xf32, #tpu.memory_space<hbm>> -> memref<64x128xf32, #tpu.memory_space<hbm>>
        tpu.enqueue_dma source(%dma_start3A_634 : memref<64x128xf32, #tpu.memory_space<hbm>>) target(%dma_start3A_632 : memref<64x128xf32, #tpu.memory_space<vmem>>) target_semaphore(%dma_start3A_628 : memref<!tpu.dma_semaphore, #tpu.memory_space<semaphore_mem>>)
        %gt3A = arith.constant 1 : i32
        %gt3A_635 = arith.cmpi sgt, %min3A_4, %gt3A : i32
        %convert_element_type3A_636 = arith.extui %gt3A_635 : i1 to i32
        %cond3A_637 = arith.constant 0 : i32
        %cond3A_638 = arith.cmpi ne, %convert_element_type3A_636, %cond3A_637 : i32
        scf.if %cond3A_638 {
          %add3A_639 = arith.constant 1 : i32
          %add3A_640 = arith.addi %mul3A_2, %add3A_639 : i32
          %mul3A_641 = arith.constant 128 : i32
          %mul3A_642 = arith.muli %add3A_640, %mul3A_641 : i32
          %multiple_of3A_643 = tpu.assume_multiple %mul3A_642, 128 : i32
          %dma_start3A_644 = arith.constant 1 : i32
          %dma_start3A_645 = arith.constant 1 : i32
          %dma_start3A_646 = arith.constant 0 : i32
          %dma_start3A_647 = arith.constant 0 : i32
          %dma_start3A_648 = tpu.memref_slice %arg9[%dma_start3A_644, %dma_start3A_646, %dma_start3A_647] : memref<7x64x128xf32, #tpu.memory_space<vmem>> -> memref<1x64x128xf32, #tpu.memory_space<vmem>>
          %dma_start3A_649 = tpu.memref_squeeze %dma_start3A_648 : memref<1x64x128xf32, #tpu.memory_space<vmem>> -> memref<64x128xf32, #tpu.memory_space<vmem>>
          %dma_start3A_650 = arith.constant 0 : i32
          %dma_start3A_651 = tpu.memref_slice %arg2[%dma_start3A_650, %multiple_of3A_643] : memref<64x1000000xf32, #tpu.memory_space<hbm>> -> memref<64x128xf32, #tpu.memory_space<hbm>>
          %dma_start3A_652 = tpu.memref_slice %arg13[%dma_start3A_645] : memref<7x!tpu.dma_semaphore, #tpu.memory_space<semaphore_mem>> -> memref<1x!tpu.dma_semaphore, #tpu.memory_space<semaphore_mem>>
          %dma_start3A_653 = tpu.memref_squeeze %dma_start3A_652 : memref<1x!tpu.dma_semaphore, #tpu.memory_space<semaphore_mem>> -> memref<!tpu.dma_semaphore, #tpu.memory_space<semaphore_mem>>
          %dma_start3A_654 = arith.constant 0 : i32
          %dma_start3A_655 = arith.constant 0 : i32
          %dma_start3A_656 = tpu.memref_slice %arg9[%dma_start3A_644, %dma_start3A_654, %dma_start3A_655] : memref<7x64x128xf32, #tpu.memory_space<vmem>> -> memref<1x64x128xf32, #tpu.memory_space<vmem>>
          %dma_start3A_657 = tpu.memref_squeeze %dma_start3A_656 : memref<1x64x128xf32, #tpu.memory_space<vmem>> -> memref<64x128xf32, #tpu.memory_space<vmem>>
          %dma_start3A_658 = arith.constant 0 : i32
          %dma_start3A_659 = tpu.memref_slice %arg2[%dma_start3A_658, %multiple_of3A_643] : memref<64x1000000xf32, #tpu.memory_space<hbm>> -> memref<64x128xf32, #tpu.memory_space<hbm>>
          tpu.enqueue_dma source(%dma_start3A_659 : memref<64x128xf32, #tpu.memory_space<hbm>>) target(%dma_start3A_657 : memref<64x128xf32, #tpu.memory_space<vmem>>) target_semaphore(%dma_start3A_653 : memref<!tpu.dma_semaphore, #tpu.memory_space<semaphore_mem>>)
        } else {
        }
      } else {
      }
      %add3A_540 = arith.constant 2 : i32
      %add3A_541 = arith.addi %while3A_519, %add3A_540 : i32
      %jit3A_542 = arith.constant 7 : i32
      %eq3A_543 = arith.constant 0 : i32
      %eq3A_544 = arith.cmpi eq, %jit3A_542, %eq3A_543 : i32
      %jit3A_545 = arith.constant 1 : i32
      %select_n3A_546 = arith.select %eq3A_544, %jit3A_545, %jit3A_542 : i32
      %rem3A_547 = arith.remsi %add3A_541, %select_n3A_546 : i32
      %ne3A_548 = arith.constant 0 : i32
      %ne3A_549 = arith.cmpi ne, %rem3A_547, %ne3A_548 : i32
      %lt3A_550 = arith.constant 0 : i32
      %lt3A_551 = arith.cmpi slt, %rem3A_547, %lt3A_550 : i32
      %lt3A_552 = arith.constant 0 : i32
      %lt3A_553 = arith.cmpi slt, %select_n3A_546, %lt3A_552 : i32
      %ne3A_554 = arith.xori %lt3A_551, %lt3A_553 : i1
      %and3A_555 = arith.andi %ne3A_554, %ne3A_549 : i1
      %add3A_556 = arith.addi %rem3A_547, %select_n3A_546 : i32
      %select_n3A_557 = arith.select %and3A_555, %add3A_556, %rem3A_547 : i32
      %add3A_558 = arith.constant 2 : i32
      %add3A_559 = arith.addi %while3A_519, %add3A_558 : i32
      %lt3A_560 = arith.cmpi slt, %add3A_559, %min3A_4 : i32
      %ge3A_561 = arith.constant 5 : i32
      %ge3A_562 = arith.cmpi sge, %while3A_519, %ge3A_561 : i32
      %and3A_563 = arith.andi %lt3A_560, %ge3A_562 : i1
      %convert_element_type3A_564 = arith.extui %and3A_563 : i1 to i32
      %cond3A_565 = arith.constant 0 : i32
      %cond3A_566 = arith.cmpi ne, %convert_element_type3A_564, %cond3A_565 : i32
      scf.if %cond3A_566 {
        %add3A_614 = arith.addi %mul3A_2, %while3A_519 : i32
        %add3A_615 = arith.constant 2 : i32
        %add3A_616 = arith.addi %add3A_614, %add3A_615 : i32
        %sub3A_617 = arith.constant 7 : i32
        %sub3A_618 = arith.subi %add3A_616, %sub3A_617 : i32
        %mul3A_619 = arith.constant 128 : i32
        %mul3A_620 = arith.muli %sub3A_618, %mul3A_619 : i32
        %multiple_of3A_621 = tpu.assume_multiple %mul3A_620, 128 : i32
        %dma_wait3A_622 = arith.constant 0 : i32
        %dma_wait3A_623 = arith.constant 0 : i32
        %dma_wait3A_624 = tpu.memref_slice %arg9[%select_n3A_557, %dma_wait3A_622, %dma_wait3A_623] : memref<7x64x128xf32, #tpu.memory_space<vmem>> -> memref<1x64x128xf32, #tpu.memory_space<vmem>>
        %dma_wait3A_625 = tpu.memref_squeeze %dma_wait3A_624 : memref<1x64x128xf32, #tpu.memory_space<vmem>> -> memref<64x128xf32, #tpu.memory_space<vmem>>
        %dma_wait3A_626 = arith.constant 0 : i32
        %dma_wait3A_627 = tpu.memref_slice %arg7[%dma_wait3A_626, %multiple_of3A_621] : memref<64x1000000xf32, #tpu.memory_space<hbm>> -> memref<64x128xf32, #tpu.memory_space<hbm>>
        %dma_wait3A_628 = tpu.memref_slice %arg14[%select_n3A_557] : memref<7x!tpu.dma_semaphore, #tpu.memory_space<semaphore_mem>> -> memref<1x!tpu.dma_semaphore, #tpu.memory_space<semaphore_mem>>
        %dma_wait3A_629 = tpu.memref_squeeze %dma_wait3A_628 : memref<1x!tpu.dma_semaphore, #tpu.memory_space<semaphore_mem>> -> memref<!tpu.dma_semaphore, #tpu.memory_space<semaphore_mem>>
        %dma_wait3A_630 = arith.constant 0 : i32
        %dma_wait3A_631 = tpu.memref_slice %arg7[%dma_wait3A_630, %multiple_of3A_621] : memref<64x1000000xf32, #tpu.memory_space<hbm>> -> memref<64x128xf32, #tpu.memory_space<hbm>>
        %dma_wait3A_632 = arith.constant 0 : i32
        %dma_wait3A_633 = arith.constant 0 : i32
        %dma_wait3A_634 = tpu.memref_slice %arg9[%select_n3A_557, %dma_wait3A_632, %dma_wait3A_633] : memref<7x64x128xf32, #tpu.memory_space<vmem>> -> memref<1x64x128xf32, #tpu.memory_space<vmem>>
        %dma_wait3A_635 = tpu.memref_squeeze %dma_wait3A_634 : memref<1x64x128xf32, #tpu.memory_space<vmem>> -> memref<64x128xf32, #tpu.memory_space<vmem>>
        tpu.wait_dma2 semaphore(%dma_wait3A_629 : memref<!tpu.dma_semaphore, #tpu.memory_space<semaphore_mem>>) src(%dma_wait3A_635 : memref<64x128xf32, #tpu.memory_space<vmem>>) dst(%dma_wait3A_631 : memref<64x128xf32, #tpu.memory_space<hbm>>)
      } else {
      }
      %add3A_567 = arith.constant 2 : i32
      %add3A_568 = arith.addi %while3A_519, %add3A_567 : i32
      %lt3A_569 = arith.cmpi slt, %add3A_568, %min3A_4 : i32
      %convert_element_type3A_570 = arith.extui %lt3A_569 : i1 to i32
      %cond3A_571 = arith.constant 0 : i32
      %cond3A_572 = arith.cmpi ne, %convert_element_type3A_570, %cond3A_571 : i32
      scf.if %cond3A_572 {
        %add3A_614 = arith.constant 2 : i32
        %add3A_615 = arith.addi %while3A_519, %add3A_614 : i32
        %add3A_616 = arith.addi %mul3A_2, %add3A_615 : i32
        %mul3A_617 = arith.constant 128 : i32
        %mul3A_618 = arith.muli %add3A_616, %mul3A_617 : i32
        %multiple_of3A_619 = tpu.assume_multiple %mul3A_618, 128 : i32
        %dma_start3A_620 = arith.constant 0 : i32
        %dma_start3A_621 = arith.constant 0 : i32
        %dma_start3A_622 = tpu.memref_slice %arg9[%select_n3A_557, %dma_start3A_620, %dma_start3A_621] : memref<7x64x128xf32, #tpu.memory_space<vmem>> -> memref<1x64x128xf32, #tpu.memory_space<vmem>>
        %dma_start3A_623 = tpu.memref_squeeze %dma_start3A_622 : memref<1x64x128xf32, #tpu.memory_space<vmem>> -> memref<64x128xf32, #tpu.memory_space<vmem>>
        %dma_start3A_624 = arith.constant 0 : i32
        %dma_start3A_625 = tpu.memref_slice %arg2[%dma_start3A_624, %multiple_of3A_619] : memref<64x1000000xf32, #tpu.memory_space<hbm>> -> memref<64x128xf32, #tpu.memory_space<hbm>>
        %dma_start3A_626 = tpu.memref_slice %arg13[%select_n3A_557] : memref<7x!tpu.dma_semaphore, #tpu.memory_space<semaphore_mem>> -> memref<1x!tpu.dma_semaphore, #tpu.memory_space<semaphore_mem>>
        %dma_start3A_627 = tpu.memref_squeeze %dma_start3A_626 : memref<1x!tpu.dma_semaphore, #tpu.memory_space<semaphore_mem>> -> memref<!tpu.dma_semaphore, #tpu.memory_space<semaphore_mem>>
        %dma_start3A_628 = arith.constant 0 : i32
        %dma_start3A_629 = arith.constant 0 : i32
        %dma_start3A_630 = tpu.memref_slice %arg9[%select_n3A_557, %dma_start3A_628, %dma_start3A_629] : memref<7x64x128xf32, #tpu.memory_space<vmem>> -> memref<1x64x128xf32, #tpu.memory_space<vmem>>
        %dma_start3A_631 = tpu.memref_squeeze %dma_start3A_630 : memref<1x64x128xf32, #tpu.memory_space<vmem>> -> memref<64x128xf32, #tpu.memory_space<vmem>>
        %dma_start3A_632 = arith.constant 0 : i32
        %dma_start3A_633 = tpu.memref_slice %arg2[%dma_start3A_632, %multiple_of3A_619] : memref<64x1000000xf32, #tpu.memory_space<hbm>> -> memref<64x128xf32, #tpu.memory_space<hbm>>
        tpu.enqueue_dma source(%dma_start3A_633 : memref<64x128xf32, #tpu.memory_space<hbm>>) target(%dma_start3A_631 : memref<64x128xf32, #tpu.memory_space<vmem>>) target_semaphore(%dma_start3A_627 : memref<!tpu.dma_semaphore, #tpu.memory_space<semaphore_mem>>)
      } else {
      }
      %add3A_573 = arith.addi %mul3A_2, %while3A_519 : i32
      %mul3A_574 = arith.constant 128 : i32
      %mul3A_575 = arith.muli %add3A_573, %mul3A_574 : i32
      %multiple_of3A = tpu.assume_multiple %mul3A_575, 128 : i32
      %dma_wait3A_576 = arith.constant 0 : i32
      %dma_wait3A_577 = arith.constant 0 : i32
      %dma_wait3A_578 = tpu.memref_slice %arg9[%select_n3A_534, %dma_wait3A_576, %dma_wait3A_577] : memref<7x64x128xf32, #tpu.memory_space<vmem>> -> memref<1x64x128xf32, #tpu.memory_space<vmem>>
      %dma_wait3A_579 = tpu.memref_squeeze %dma_wait3A_578 : memref<1x64x128xf32, #tpu.memory_space<vmem>> -> memref<64x128xf32, #tpu.memory_space<vmem>>
      %dma_wait3A_580 = arith.constant 0 : i32
      %dma_wait3A_581 = tpu.memref_slice %arg2[%dma_wait3A_580, %multiple_of3A] : memref<64x1000000xf32, #tpu.memory_space<hbm>> -> memref<64x128xf32, #tpu.memory_space<hbm>>
      %dma_wait3A_582 = tpu.memref_slice %arg13[%select_n3A_534] : memref<7x!tpu.dma_semaphore, #tpu.memory_space<semaphore_mem>> -> memref<1x!tpu.dma_semaphore, #tpu.memory_space<semaphore_mem>>
      %dma_wait3A_583 = tpu.memref_squeeze %dma_wait3A_582 : memref<1x!tpu.dma_semaphore, #tpu.memory_space<semaphore_mem>> -> memref<!tpu.dma_semaphore, #tpu.memory_space<semaphore_mem>>
      %dma_wait3A_584 = arith.constant 0 : i32
      %dma_wait3A_585 = arith.constant 0 : i32
      %dma_wait3A_586 = tpu.memref_slice %arg9[%select_n3A_534, %dma_wait3A_584, %dma_wait3A_585] : memref<7x64x128xf32, #tpu.memory_space<vmem>> -> memref<1x64x128xf32, #tpu.memory_space<vmem>>
      %dma_wait3A_587 = tpu.memref_squeeze %dma_wait3A_586 : memref<1x64x128xf32, #tpu.memory_space<vmem>> -> memref<64x128xf32, #tpu.memory_space<vmem>>
      %dma_wait3A_588 = arith.constant 0 : i32
      %dma_wait3A_589 = tpu.memref_slice %arg2[%dma_wait3A_588, %multiple_of3A] : memref<64x1000000xf32, #tpu.memory_space<hbm>> -> memref<64x128xf32, #tpu.memory_space<hbm>>
      tpu.wait_dma2 semaphore(%dma_wait3A_583 : memref<!tpu.dma_semaphore, #tpu.memory_space<semaphore_mem>>) src(%dma_wait3A_589 : memref<64x128xf32, #tpu.memory_space<hbm>>) dst(%dma_wait3A_587 : memref<64x128xf32, #tpu.memory_space<vmem>>)
      %add3A_590 = arith.addi %mul3A_2, %while3A_519 : i32
      %add3A_591 = arith.constant 1 : i32
      %add3A_592 = arith.addi %add3A_590, %add3A_591 : i32
      %mul3A_593 = arith.constant 128 : i32
      %mul3A_594 = arith.muli %add3A_592, %mul3A_593 : i32
      %while3A_595:2 = scf.while (%while3A_614 = %while3A_520, %while3A_615 = %while3A_521) : (i32, i32) -> (i32, i32) {
        %lt3A_616 = arith.constant 16384 : i32
        %lt3A_617 = arith.cmpi slt, %while3A_614, %lt3A_616 : i32
        %min3A_618 = arith.constant 16383 : i32
        %min3A_619 = arith.minsi %while3A_614, %min3A_618 : i32
        %shift_right_arithmetic3A_620 = arith.constant 10 : i32
        %shift_right_arithmetic3A_621 = arith.shrsi %min3A_619, %shift_right_arithmetic3A_620 : i32
        %shift_right_arithmetic3A_622 = arith.constant 7 : i32
        %shift_right_arithmetic3A_623 = arith.shrsi %min3A_619, %shift_right_arithmetic3A_622 : i32
        %and3A_624 = arith.constant 7 : i32
        %and3A_625 = arith.andi %shift_right_arithmetic3A_623, %and3A_624 : i32
        %and3A_626 = arith.constant 127 : i32
        %and3A_627 = arith.andi %min3A_619, %and3A_626 : i32
        %broadcast_in_dim3A_628 = vector.broadcast %shift_right_arithmetic3A_621 : i32 to vector<16xi32>
        %broadcast_in_dim3A_629 = vector.broadcast %and3A_625 : i32 to vector<16xi32>
        %broadcast_in_dim3A_630 = vector.broadcast %and3A_627 : i32 to vector<16xi32>
        %gather3A_631 = tpu.vector_load_idx %arg11[%broadcast_in_dim3A_628, %broadcast_in_dim3A_629, %broadcast_in_dim3A_630] : memref<16x8x128xi32, #tpu.memory_space<vmem>>[vector<16xi32>, vector<16xi32>, vector<16xi32>], vector<16xi32>,
        %slice3A_632 = vector.extract_strided_slice %gather3A_631 {offsets = [0], sizes = [1], strides = [1]} : vector<16xi32> to vector<1xi32>
        %squeeze3A_633 = vector.extract %slice3A_632[0] : i32 from vector<1xi32>
        %lt3A_634 = arith.cmpi slt, %squeeze3A_633, %mul3A_594 : i32
        %and3A_635 = arith.andi %lt3A_617, %lt3A_634 : i1
        scf.condition(%and3A_635) %while3A_614, %while3A_615 : i32, i32
      } do {
      ^bb0(%while3A_614: i32, %while3A_615: i32):
        %shift_right_arithmetic3A_616 = arith.constant 7 : i32
        %shift_right_arithmetic3A_617 = arith.shrsi %while3A_614, %shift_right_arithmetic3A_616 : i32
        %ne3A_618 = arith.cmpi ne, %shift_right_arithmetic3A_617, %while3A_615 : i32
        %convert_element_type3A_619 = arith.extui %ne3A_618 : i1 to i32
        %cond3A_620 = arith.constant 0 : i32
        %cond3A_621 = arith.cmpi ne, %convert_element_type3A_619, %cond3A_620 : i32
        scf.if %cond3A_621 {
          "tpu.region"() ({
            %run_scoped3A = tpu.sem_alloc : memref<!tpu.dma_semaphore, #tpu.memory_space<semaphore_mem>>
            %dma_start3A_688 = arith.constant 0 : i32
            %dma_start3A_689 = arith.constant 0 : i32
            %dma_start3A_690 = tpu.memref_slice %arg3[%shift_right_arithmetic3A_617, %dma_start3A_688, %dma_start3A_689] : memref<128x64x128xf32, #tpu.memory_space<hbm>> -> memref<1x64x128xf32, #tpu.memory_space<hbm>>
            %dma_start3A_691 = tpu.memref_squeeze %dma_start3A_690 : memref<1x64x128xf32, #tpu.memory_space<hbm>> -> memref<64x128xf32, #tpu.memory_space<hbm>>
            %dma_start3A_692 = arith.constant 0 : i32
            %dma_start3A_693 = arith.constant 0 : i32
            %dma_start3A_694 = tpu.memref_slice %arg3[%shift_right_arithmetic3A_617, %dma_start3A_692, %dma_start3A_693] : memref<128x64x128xf32, #tpu.memory_space<hbm>> -> memref<1x64x128xf32, #tpu.memory_space<hbm>>
            %dma_start3A_695 = tpu.memref_squeeze %dma_start3A_694 : memref<1x64x128xf32, #tpu.memory_space<hbm>> -> memref<64x128xf32, #tpu.memory_space<hbm>>
            tpu.enqueue_dma source(%dma_start3A_695 : memref<64x128xf32, #tpu.memory_space<hbm>>) target(%arg10 : memref<64x128xf32, #tpu.memory_space<vmem>>) target_semaphore(%run_scoped3A : memref<!tpu.dma_semaphore, #tpu.memory_space<semaphore_mem>>)
            %dma_wait3A_696 = arith.constant 0 : i32
            %dma_wait3A_697 = arith.constant 0 : i32
            %dma_wait3A_698 = tpu.memref_slice %arg3[%shift_right_arithmetic3A_617, %dma_wait3A_696, %dma_wait3A_697] : memref<128x64x128xf32, #tpu.memory_space<hbm>> -> memref<1x64x128xf32, #tpu.memory_space<hbm>>
            %dma_wait3A_699 = tpu.memref_squeeze %dma_wait3A_698 : memref<1x64x128xf32, #tpu.memory_space<hbm>> -> memref<64x128xf32, #tpu.memory_space<hbm>>
            %dma_wait3A_700 = arith.constant 0 : i32
            %dma_wait3A_701 = arith.constant 0 : i32
            %dma_wait3A_702 = tpu.memref_slice %arg3[%shift_right_arithmetic3A_617, %dma_wait3A_700, %dma_wait3A_701] : memref<128x64x128xf32, #tpu.memory_space<hbm>> -> memref<1x64x128xf32, #tpu.memory_space<hbm>>
            %dma_wait3A_703 = tpu.memref_squeeze %dma_wait3A_702 : memref<1x64x128xf32, #tpu.memory_space<hbm>> -> memref<64x128xf32, #tpu.memory_space<hbm>>
            tpu.wait_dma2 semaphore(%run_scoped3A : memref<!tpu.dma_semaphore, #tpu.memory_space<semaphore_mem>>) src(%dma_wait3A_703 : memref<64x128xf32, #tpu.memory_space<hbm>>) dst(%arg10 : memref<64x128xf32, #tpu.memory_space<vmem>>)
            tpu.yield
          }) : () -> ()
        } else {
        }
        %mul3A_622 = arith.constant 128 : i32
        %mul3A_623 = arith.muli %shift_right_arithmetic3A_617, %mul3A_622 : i32
        %sub3A_624 = arith.subi %while3A_614, %mul3A_623 : i32
        %min3A_625 = arith.constant 16383 : i32
        %min3A_626 = arith.minsi %while3A_614, %min3A_625 : i32
        %shift_right_arithmetic3A_627 = arith.constant 10 : i32
        %shift_right_arithmetic3A_628 = arith.shrsi %min3A_626, %shift_right_arithmetic3A_627 : i32
        %shift_right_arithmetic3A_629 = arith.constant 7 : i32
        %shift_right_arithmetic3A_630 = arith.shrsi %min3A_626, %shift_right_arithmetic3A_629 : i32
        %and3A_631 = arith.constant 7 : i32
        %and3A_632 = arith.andi %shift_right_arithmetic3A_630, %and3A_631 : i32
        %and3A_633 = arith.constant 127 : i32
        %and3A_634 = arith.andi %min3A_626, %and3A_633 : i32
        %broadcast_in_dim3A_635 = vector.broadcast %shift_right_arithmetic3A_628 : i32 to vector<16xi32>
        %broadcast_in_dim3A_636 = vector.broadcast %and3A_632 : i32 to vector<16xi32>
        %broadcast_in_dim3A_637 = vector.broadcast %and3A_634 : i32 to vector<16xi32>
        %gather3A_638 = tpu.vector_load_idx %arg11[%broadcast_in_dim3A_635, %broadcast_in_dim3A_636, %broadcast_in_dim3A_637] : memref<16x8x128xi32, #tpu.memory_space<vmem>>[vector<16xi32>, vector<16xi32>, vector<16xi32>], vector<16xi32>,
        %slice3A_639 = vector.extract_strided_slice %gather3A_638 {offsets = [0], sizes = [1], strides = [1]} : vector<16xi32> to vector<1xi32>
        %squeeze3A_640 = vector.extract %slice3A_639[0] : i32 from vector<1xi32>
        %mul3A_641 = arith.constant 128 : i32
        %mul3A_642 = arith.muli %add3A_590, %mul3A_641 : i32
        %sub3A_643 = arith.subi %squeeze3A_640, %mul3A_642 : i32
        %iota3A = tpu.iota {dimensions = array<i32: 0>} : vector<16xi32>
        %add3A_644 = arith.constant 0 : i32
        %add3A_645 = vector.broadcast %add3A_644 : i32 to vector<16xi32>
        %add3A_646 = arith.addi %iota3A, %add3A_645 : vector<16xi32>
        %broadcast_in_dim3A_647 = vector.broadcast %sub3A_624 : i32 to vector<16xi32>
        %gather3A_648 = tpu.vector_load_idx %arg10[%add3A_646, %broadcast_in_dim3A_647] : memref<64x128xf32, #tpu.memory_space<vmem>>[vector<16xi32>, vector<16xi32>], vector<16xf32>,
        %broadcast_in_dim3A_649 = vector.broadcast %sub3A_643 : i32 to vector<16xi32>
        %scatter3A = arith.constant 0 : i32
        %scatter3A_650 = arith.constant 0 : i32
        %scatter3A_651 = tpu.memref_slice %arg9[%select_n3A_534, %scatter3A, %scatter3A_650] : memref<7x64x128xf32, #tpu.memory_space<vmem>> -> memref<1x64x128xf32, #tpu.memory_space<vmem>>
        %scatter3A_652 = tpu.memref_squeeze %scatter3A_651 : memref<1x64x128xf32, #tpu.memory_space<vmem>> -> memref<64x128xf32, #tpu.memory_space<vmem>>
        tpu.vector_store_idx %scatter3A_652[%add3A_646, %broadcast_in_dim3A_649], %gather3A_648 : memref<64x128xf32, #tpu.memory_space<vmem>>[vector<16xi32>, vector<16xi32>], vector<16xf32>,
        %iota3A_653 = tpu.iota {dimensions = array<i32: 0>} : vector<16xi32>
        %add3A_654 = arith.constant 16 : i32
        %add3A_655 = vector.broadcast %add3A_654 : i32 to vector<16xi32>
        %add3A_656 = arith.addi %iota3A_653, %add3A_655 : vector<16xi32>
        %broadcast_in_dim3A_657 = vector.broadcast %sub3A_624 : i32 to vector<16xi32>
        %gather3A_658 = tpu.vector_load_idx %arg10[%add3A_656, %broadcast_in_dim3A_657] : memref<64x128xf32, #tpu.memory_space<vmem>>[vector<16xi32>, vector<16xi32>], vector<16xf32>,
        %broadcast_in_dim3A_659 = vector.broadcast %sub3A_643 : i32 to vector<16xi32>
        %scatter3A_660 = arith.constant 0 : i32
        %scatter3A_661 = arith.constant 0 : i32
        %scatter3A_662 = tpu.memref_slice %arg9[%select_n3A_534, %scatter3A_660, %scatter3A_661] : memref<7x64x128xf32, #tpu.memory_space<vmem>> -> memref<1x64x128xf32, #tpu.memory_space<vmem>>
        %scatter3A_663 = tpu.memref_squeeze %scatter3A_662 : memref<1x64x128xf32, #tpu.memory_space<vmem>> -> memref<64x128xf32, #tpu.memory_space<vmem>>
        tpu.vector_store_idx %scatter3A_663[%add3A_656, %broadcast_in_dim3A_659], %gather3A_658 : memref<64x128xf32, #tpu.memory_space<vmem>>[vector<16xi32>, vector<16xi32>], vector<16xf32>,
        %iota3A_664 = tpu.iota {dimensions = array<i32: 0>} : vector<16xi32>
        %add3A_665 = arith.constant 32 : i32
        %add3A_666 = vector.broadcast %add3A_665 : i32 to vector<16xi32>
        %add3A_667 = arith.addi %iota3A_664, %add3A_666 : vector<16xi32>
        %broadcast_in_dim3A_668 = vector.broadcast %sub3A_624 : i32 to vector<16xi32>
        %gather3A_669 = tpu.vector_load_idx %arg10[%add3A_667, %broadcast_in_dim3A_668] : memref<64x128xf32, #tpu.memory_space<vmem>>[vector<16xi32>, vector<16xi32>], vector<16xf32>,
        %broadcast_in_dim3A_670 = vector.broadcast %sub3A_643 : i32 to vector<16xi32>
        %scatter3A_671 = arith.constant 0 : i32
        %scatter3A_672 = arith.constant 0 : i32
        %scatter3A_673 = tpu.memref_slice %arg9[%select_n3A_534, %scatter3A_671, %scatter3A_672] : memref<7x64x128xf32, #tpu.memory_space<vmem>> -> memref<1x64x128xf32, #tpu.memory_space<vmem>>
        %scatter3A_674 = tpu.memref_squeeze %scatter3A_673 : memref<1x64x128xf32, #tpu.memory_space<vmem>> -> memref<64x128xf32, #tpu.memory_space<vmem>>
        tpu.vector_store_idx %scatter3A_674[%add3A_667, %broadcast_in_dim3A_670], %gather3A_669 : memref<64x128xf32, #tpu.memory_space<vmem>>[vector<16xi32>, vector<16xi32>], vector<16xf32>,
        %iota3A_675 = tpu.iota {dimensions = array<i32: 0>} : vector<16xi32>
        %add3A_676 = arith.constant 48 : i32
        %add3A_677 = vector.broadcast %add3A_676 : i32 to vector<16xi32>
        %add3A_678 = arith.addi %iota3A_675, %add3A_677 : vector<16xi32>
        %broadcast_in_dim3A_679 = vector.broadcast %sub3A_624 : i32 to vector<16xi32>
        %gather3A_680 = tpu.vector_load_idx %arg10[%add3A_678, %broadcast_in_dim3A_679] : memref<64x128xf32, #tpu.memory_space<vmem>>[vector<16xi32>, vector<16xi32>], vector<16xf32>,
        %broadcast_in_dim3A_681 = vector.broadcast %sub3A_643 : i32 to vector<16xi32>
        %scatter3A_682 = arith.constant 0 : i32
        %scatter3A_683 = arith.constant 0 : i32
        %scatter3A_684 = tpu.memref_slice %arg9[%select_n3A_534, %scatter3A_682, %scatter3A_683] : memref<7x64x128xf32, #tpu.memory_space<vmem>> -> memref<1x64x128xf32, #tpu.memory_space<vmem>>
        %scatter3A_685 = tpu.memref_squeeze %scatter3A_684 : memref<1x64x128xf32, #tpu.memory_space<vmem>> -> memref<64x128xf32, #tpu.memory_space<vmem>>
        tpu.vector_store_idx %scatter3A_685[%add3A_678, %broadcast_in_dim3A_681], %gather3A_680 : memref<64x128xf32, #tpu.memory_space<vmem>>[vector<16xi32>, vector<16xi32>], vector<16xf32>,
        %add3A_686 = arith.constant 1 : i32
        %add3A_687 = arith.addi %while3A_614, %add3A_686 : i32
        scf.yield %add3A_687, %shift_right_arithmetic3A_617 : i32, i32
      }
      %add3A_596 = arith.addi %mul3A_2, %while3A_519 : i32
      %mul3A_597 = arith.constant 128 : i32
      %mul3A_598 = arith.muli %add3A_596, %mul3A_597 : i32
      %multiple_of3A_599 = tpu.assume_multiple %mul3A_598, 128 : i32
      %dma_start3A_600 = arith.constant 0 : i32
      %dma_start3A_601 = arith.constant 0 : i32
      %dma_start3A_602 = tpu.memref_slice %arg9[%select_n3A_534, %dma_start3A_600, %dma_start3A_601] : memref<7x64x128xf32, #tpu.memory_space<vmem>> -> memref<1x64x128xf32, #tpu.memory_space<vmem>>
      %dma_start3A_603 = tpu.memref_squeeze %dma_start3A_602 : memref<1x64x128xf32, #tpu.memory_space<vmem>> -> memref<64x128xf32, #tpu.memory_space<vmem>>
      %dma_start3A_604 = arith.constant 0 : i32
      %dma_start3A_605 = tpu.memref_slice %arg7[%dma_start3A_604, %multiple_of3A_599] : memref<64x1000000xf32, #tpu.memory_space<hbm>> -> memref<64x128xf32, #tpu.memory_space<hbm>>
      %dma_start3A_606 = tpu.memref_slice %arg14[%select_n3A_534] : memref<7x!tpu.dma_semaphore, #tpu.memory_space<semaphore_mem>> -> memref<1x!tpu.dma_semaphore, #tpu.memory_space<semaphore_mem>>
      %dma_start3A_607 = tpu.memref_squeeze %dma_start3A_606 : memref<1x!tpu.dma_semaphore, #tpu.memory_space<semaphore_mem>> -> memref<!tpu.dma_semaphore, #tpu.memory_space<semaphore_mem>>
      %dma_start3A_608 = arith.constant 0 : i32
      %dma_start3A_609 = tpu.memref_slice %arg7[%dma_start3A_608, %multiple_of3A_599] : memref<64x1000000xf32, #tpu.memory_space<hbm>> -> memref<64x128xf32, #tpu.memory_space<hbm>>
      %dma_start3A_610 = arith.constant 0 : i32
      %dma_start3A_611 = arith.constant 0 : i32
      %dma_start3A_612 = tpu.memref_slice %arg9[%select_n3A_534, %dma_start3A_610, %dma_start3A_611] : memref<7x64x128xf32, #tpu.memory_space<vmem>> -> memref<1x64x128xf32, #tpu.memory_space<vmem>>
      %dma_start3A_613 = tpu.memref_squeeze %dma_start3A_612 : memref<1x64x128xf32, #tpu.memory_space<vmem>> -> memref<64x128xf32, #tpu.memory_space<vmem>>
      tpu.enqueue_dma source(%dma_start3A_613 : memref<64x128xf32, #tpu.memory_space<vmem>>) target(%dma_start3A_609 : memref<64x128xf32, #tpu.memory_space<hbm>>) target_semaphore(%dma_start3A_607 : memref<!tpu.dma_semaphore, #tpu.memory_space<semaphore_mem>>)
      scf.yield %while3A_595#0, %while3A_595#1 : i32, i32
    }
    %sub3A_424 = arith.constant 1 : i32
    %sub3A_425 = arith.subi %min3A_4, %sub3A_424 : i32
    %sub3A_426 = arith.constant 0 : i32
    %sub3A_427 = arith.subi %sub3A_425, %sub3A_426 : i32
    %ge3A = arith.constant 0 : i32
    %ge3A_428 = arith.cmpi sge, %sub3A_427, %ge3A : i32
    %convert_element_type3A = arith.extui %ge3A_428 : i1 to i32
    %cond3A = arith.constant 0 : i32
    %cond3A_429 = arith.cmpi ne, %convert_element_type3A, %cond3A : i32
    scf.if %cond3A_429 {
      %sub3A_519 = arith.constant 1 : i32
      %sub3A_520 = arith.subi %min3A_4, %sub3A_519 : i32
      %sub3A_521 = arith.constant 0 : i32
      %sub3A_522 = arith.subi %sub3A_520, %sub3A_521 : i32
      %jit3A_523 = arith.constant 7 : i32
      %eq3A = arith.constant 0 : i32
      %eq3A_524 = arith.cmpi eq, %jit3A_523, %eq3A : i32
      %jit3A_525 = arith.constant 1 : i32
      %select_n3A_526 = arith.select %eq3A_524, %jit3A_525, %jit3A_523 : i32
      %rem3A = arith.remsi %sub3A_522, %select_n3A_526 : i32
      %ne3A = arith.constant 0 : i32
      %ne3A_527 = arith.cmpi ne, %rem3A, %ne3A : i32
      %lt3A_528 = arith.constant 0 : i32
      %lt3A_529 = arith.cmpi slt, %rem3A, %lt3A_528 : i32
      %lt3A_530 = arith.constant 0 : i32
      %lt3A_531 = arith.cmpi slt, %select_n3A_526, %lt3A_530 : i32
      %ne3A_532 = arith.xori %lt3A_529, %lt3A_531 : i1
      %and3A_533 = arith.andi %ne3A_532, %ne3A_527 : i1
      %add3A_534 = arith.addi %rem3A, %select_n3A_526 : i32
      %select_n3A_535 = arith.select %and3A_533, %add3A_534, %rem3A : i32
      %add3A_536 = arith.addi %mul3A_2, %sub3A_522 : i32
      %mul3A_537 = arith.constant 128 : i32
      %mul3A_538 = arith.muli %add3A_536, %mul3A_537 : i32
      %multiple_of3A = tpu.assume_multiple %mul3A_538, 128 : i32
      %jit3A_539 = arith.constant 7 : i32
      %eq3A_540 = arith.constant 0 : i32
      %eq3A_541 = arith.cmpi eq, %jit3A_539, %eq3A_540 : i32
      %jit3A_542 = arith.constant 1 : i32
      %select_n3A_543 = arith.select %eq3A_541, %jit3A_542, %jit3A_539 : i32
      %rem3A_544 = arith.remsi %sub3A_522, %select_n3A_543 : i32
      %ne3A_545 = arith.constant 0 : i32
      %ne3A_546 = arith.cmpi ne, %rem3A_544, %ne3A_545 : i32
      %lt3A_547 = arith.constant 0 : i32
      %lt3A_548 = arith.cmpi slt, %rem3A_544, %lt3A_547 : i32
      %lt3A_549 = arith.constant 0 : i32
      %lt3A_550 = arith.cmpi slt, %select_n3A_543, %lt3A_549 : i32
      %ne3A_551 = arith.xori %lt3A_548, %lt3A_550 : i1
      %and3A_552 = arith.andi %ne3A_551, %ne3A_546 : i1
      %add3A_553 = arith.addi %rem3A_544, %select_n3A_543 : i32
      %select_n3A_554 = arith.select %and3A_552, %add3A_553, %rem3A_544 : i32
      %dma_wait3A_555 = arith.constant 0 : i32
      %dma_wait3A_556 = arith.constant 0 : i32
      %dma_wait3A_557 = tpu.memref_slice %arg9[%select_n3A_535, %dma_wait3A_555, %dma_wait3A_556] : memref<7x64x128xf32, #tpu.memory_space<vmem>> -> memref<1x64x128xf32, #tpu.memory_space<vmem>>
      %dma_wait3A_558 = tpu.memref_squeeze %dma_wait3A_557 : memref<1x64x128xf32, #tpu.memory_space<vmem>> -> memref<64x128xf32, #tpu.memory_space<vmem>>
      %dma_wait3A_559 = arith.constant 0 : i32
      %dma_wait3A_560 = tpu.memref_slice %arg7[%dma_wait3A_559, %multiple_of3A] : memref<64x1000000xf32, #tpu.memory_space<hbm>> -> memref<64x128xf32, #tpu.memory_space<hbm>>
      %dma_wait3A_561 = tpu.memref_slice %arg14[%select_n3A_554] : memref<7x!tpu.dma_semaphore, #tpu.memory_space<semaphore_mem>> -> memref<1x!tpu.dma_semaphore, #tpu.memory_space<semaphore_mem>>
      %dma_wait3A_562 = tpu.memref_squeeze %dma_wait3A_561 : memref<1x!tpu.dma_semaphore, #tpu.memory_space<semaphore_mem>> -> memref<!tpu.dma_semaphore, #tpu.memory_space<semaphore_mem>>
      %dma_wait3A_563 = arith.constant 0 : i32
      %dma_wait3A_564 = tpu.memref_slice %arg7[%dma_wait3A_563, %multiple_of3A] : memref<64x1000000xf32, #tpu.memory_space<hbm>> -> memref<64x128xf32, #tpu.memory_space<hbm>>
      %dma_wait3A_565 = arith.constant 0 : i32
      %dma_wait3A_566 = arith.constant 0 : i32
      %dma_wait3A_567 = tpu.memref_slice %arg9[%select_n3A_535, %dma_wait3A_565, %dma_wait3A_566] : memref<7x64x128xf32, #tpu.memory_space<vmem>> -> memref<1x64x128xf32, #tpu.memory_space<vmem>>
      %dma_wait3A_568 = tpu.memref_squeeze %dma_wait3A_567 : memref<1x64x128xf32, #tpu.memory_space<vmem>> -> memref<64x128xf32, #tpu.memory_space<vmem>>
      tpu.wait_dma2 semaphore(%dma_wait3A_562 : memref<!tpu.dma_semaphore, #tpu.memory_space<semaphore_mem>>) src(%dma_wait3A_568 : memref<64x128xf32, #tpu.memory_space<vmem>>) dst(%dma_wait3A_564 : memref<64x128xf32, #tpu.memory_space<hbm>>)
    } else {
    }
    %sub3A_430 = arith.constant 1 : i32
    %sub3A_431 = arith.subi %min3A_4, %sub3A_430 : i32
    %sub3A_432 = arith.constant 1 : i32
    %sub3A_433 = arith.subi %sub3A_431, %sub3A_432 : i32
    %ge3A_434 = arith.constant 0 : i32
    %ge3A_435 = arith.cmpi sge, %sub3A_433, %ge3A_434 : i32
    %convert_element_type3A_436 = arith.extui %ge3A_435 : i1 to i32
    %cond3A_437 = arith.constant 0 : i32
    %cond3A_438 = arith.cmpi ne, %convert_element_type3A_436, %cond3A_437 : i32
    scf.if %cond3A_438 {
      %sub3A_519 = arith.constant 1 : i32
      %sub3A_520 = arith.subi %min3A_4, %sub3A_519 : i32
      %sub3A_521 = arith.constant 1 : i32
      %sub3A_522 = arith.subi %sub3A_520, %sub3A_521 : i32
      %jit3A_523 = arith.constant 7 : i32
      %eq3A = arith.constant 0 : i32
      %eq3A_524 = arith.cmpi eq, %jit3A_523, %eq3A : i32
      %jit3A_525 = arith.constant 1 : i32
      %select_n3A_526 = arith.select %eq3A_524, %jit3A_525, %jit3A_523 : i32
      %rem3A = arith.remsi %sub3A_522, %select_n3A_526 : i32
      %ne3A = arith.constant 0 : i32
      %ne3A_527 = arith.cmpi ne, %rem3A, %ne3A : i32
      %lt3A_528 = arith.constant 0 : i32
      %lt3A_529 = arith.cmpi slt, %rem3A, %lt3A_528 : i32
      %lt3A_530 = arith.constant 0 : i32
      %lt3A_531 = arith.cmpi slt, %select_n3A_526, %lt3A_530 : i32
      %ne3A_532 = arith.xori %lt3A_529, %lt3A_531 : i1
      %and3A_533 = arith.andi %ne3A_532, %ne3A_527 : i1
      %add3A_534 = arith.addi %rem3A, %select_n3A_526 : i32
      %select_n3A_535 = arith.select %and3A_533, %add3A_534, %rem3A : i32
      %add3A_536 = arith.addi %mul3A_2, %sub3A_522 : i32
      %mul3A_537 = arith.constant 128 : i32
      %mul3A_538 = arith.muli %add3A_536, %mul3A_537 : i32
      %multiple_of3A = tpu.assume_multiple %mul3A_538, 128 : i32
      %jit3A_539 = arith.constant 7 : i32
      %eq3A_540 = arith.constant 0 : i32
      %eq3A_541 = arith.cmpi eq, %jit3A_539, %eq3A_540 : i32
      %jit3A_542 = arith.constant 1 : i32
      %select_n3A_543 = arith.select %eq3A_541, %jit3A_542, %jit3A_539 : i32
      %rem3A_544 = arith.remsi %sub3A_522, %select_n3A_543 : i32
      %ne3A_545 = arith.constant 0 : i32
      %ne3A_546 = arith.cmpi ne, %rem3A_544, %ne3A_545 : i32
      %lt3A_547 = arith.constant 0 : i32
      %lt3A_548 = arith.cmpi slt, %rem3A_544, %lt3A_547 : i32
      %lt3A_549 = arith.constant 0 : i32
      %lt3A_550 = arith.cmpi slt, %select_n3A_543, %lt3A_549 : i32
      %ne3A_551 = arith.xori %lt3A_548, %lt3A_550 : i1
      %and3A_552 = arith.andi %ne3A_551, %ne3A_546 : i1
      %add3A_553 = arith.addi %rem3A_544, %select_n3A_543 : i32
      %select_n3A_554 = arith.select %and3A_552, %add3A_553, %rem3A_544 : i32
      %dma_wait3A_555 = arith.constant 0 : i32
      %dma_wait3A_556 = arith.constant 0 : i32
      %dma_wait3A_557 = tpu.memref_slice %arg9[%select_n3A_535, %dma_wait3A_555, %dma_wait3A_556] : memref<7x64x128xf32, #tpu.memory_space<vmem>> -> memref<1x64x128xf32, #tpu.memory_space<vmem>>
      %dma_wait3A_558 = tpu.memref_squeeze %dma_wait3A_557 : memref<1x64x128xf32, #tpu.memory_space<vmem>> -> memref<64x128xf32, #tpu.memory_space<vmem>>
      %dma_wait3A_559 = arith.constant 0 : i32
      %dma_wait3A_560 = tpu.memref_slice %arg7[%dma_wait3A_559, %multiple_of3A] : memref<64x1000000xf32, #tpu.memory_space<hbm>> -> memref<64x128xf32, #tpu.memory_space<hbm>>
      %dma_wait3A_561 = tpu.memref_slice %arg14[%select_n3A_554] : memref<7x!tpu.dma_semaphore, #tpu.memory_space<semaphore_mem>> -> memref<1x!tpu.dma_semaphore, #tpu.memory_space<semaphore_mem>>
      %dma_wait3A_562 = tpu.memref_squeeze %dma_wait3A_561 : memref<1x!tpu.dma_semaphore, #tpu.memory_space<semaphore_mem>> -> memref<!tpu.dma_semaphore, #tpu.memory_space<semaphore_mem>>
      %dma_wait3A_563 = arith.constant 0 : i32
      %dma_wait3A_564 = tpu.memref_slice %arg7[%dma_wait3A_563, %multiple_of3A] : memref<64x1000000xf32, #tpu.memory_space<hbm>> -> memref<64x128xf32, #tpu.memory_space<hbm>>
      %dma_wait3A_565 = arith.constant 0 : i32
      %dma_wait3A_566 = arith.constant 0 : i32
      %dma_wait3A_567 = tpu.memref_slice %arg9[%select_n3A_535, %dma_wait3A_565, %dma_wait3A_566] : memref<7x64x128xf32, #tpu.memory_space<vmem>> -> memref<1x64x128xf32, #tpu.memory_space<vmem>>
      %dma_wait3A_568 = tpu.memref_squeeze %dma_wait3A_567 : memref<1x64x128xf32, #tpu.memory_space<vmem>> -> memref<64x128xf32, #tpu.memory_space<vmem>>
      tpu.wait_dma2 semaphore(%dma_wait3A_562 : memref<!tpu.dma_semaphore, #tpu.memory_space<semaphore_mem>>) src(%dma_wait3A_568 : memref<64x128xf32, #tpu.memory_space<vmem>>) dst(%dma_wait3A_564 : memref<64x128xf32, #tpu.memory_space<hbm>>)
    } else {
    }
    %sub3A_439 = arith.constant 1 : i32
    %sub3A_440 = arith.subi %min3A_4, %sub3A_439 : i32
    %sub3A_441 = arith.constant 2 : i32
    %sub3A_442 = arith.subi %sub3A_440, %sub3A_441 : i32
    %ge3A_443 = arith.constant 0 : i32
    %ge3A_444 = arith.cmpi sge, %sub3A_442, %ge3A_443 : i32
    %convert_element_type3A_445 = arith.extui %ge3A_444 : i1 to i32
    %cond3A_446 = arith.constant 0 : i32
    %cond3A_447 = arith.cmpi ne, %convert_element_type3A_445, %cond3A_446 : i32
    scf.if %cond3A_447 {
      %sub3A_519 = arith.constant 1 : i32
      %sub3A_520 = arith.subi %min3A_4, %sub3A_519 : i32
      %sub3A_521 = arith.constant 2 : i32
      %sub3A_522 = arith.subi %sub3A_520, %sub3A_521 : i32
      %jit3A_523 = arith.constant 7 : i32
      %eq3A = arith.constant 0 : i32
      %eq3A_524 = arith.cmpi eq, %jit3A_523, %eq3A : i32
      %jit3A_525 = arith.constant 1 : i32
      %select_n3A_526 = arith.select %eq3A_524, %jit3A_525, %jit3A_523 : i32
      %rem3A = arith.remsi %sub3A_522, %select_n3A_526 : i32
      %ne3A = arith.constant 0 : i32
      %ne3A_527 = arith.cmpi ne, %rem3A, %ne3A : i32
      %lt3A_528 = arith.constant 0 : i32
      %lt3A_529 = arith.cmpi slt, %rem3A, %lt3A_528 : i32
      %lt3A_530 = arith.constant 0 : i32
      %lt3A_531 = arith.cmpi slt, %select_n3A_526, %lt3A_530 : i32
      %ne3A_532 = arith.xori %lt3A_529, %lt3A_531 : i1
      %and3A_533 = arith.andi %ne3A_532, %ne3A_527 : i1
      %add3A_534 = arith.addi %rem3A, %select_n3A_526 : i32
      %select_n3A_535 = arith.select %and3A_533, %add3A_534, %rem3A : i32
      %add3A_536 = arith.addi %mul3A_2, %sub3A_522 : i32
      %mul3A_537 = arith.constant 128 : i32
      %mul3A_538 = arith.muli %add3A_536, %mul3A_537 : i32
      %multiple_of3A = tpu.assume_multiple %mul3A_538, 128 : i32
      %jit3A_539 = arith.constant 7 : i32
      %eq3A_540 = arith.constant 0 : i32
      %eq3A_541 = arith.cmpi eq, %jit3A_539, %eq3A_540 : i32
      %jit3A_542 = arith.constant 1 : i32
      %select_n3A_543 = arith.select %eq3A_541, %jit3A_542, %jit3A_539 : i32
      %rem3A_544 = arith.remsi %sub3A_522, %select_n3A_543 : i32
      %ne3A_545 = arith.constant 0 : i32
      %ne3A_546 = arith.cmpi ne, %rem3A_544, %ne3A_545 : i32
      %lt3A_547 = arith.constant 0 : i32
      %lt3A_548 = arith.cmpi slt, %rem3A_544, %lt3A_547 : i32
      %lt3A_549 = arith.constant 0 : i32
      %lt3A_550 = arith.cmpi slt, %select_n3A_543, %lt3A_549 : i32
      %ne3A_551 = arith.xori %lt3A_548, %lt3A_550 : i1
      %and3A_552 = arith.andi %ne3A_551, %ne3A_546 : i1
      %add3A_553 = arith.addi %rem3A_544, %select_n3A_543 : i32
      %select_n3A_554 = arith.select %and3A_552, %add3A_553, %rem3A_544 : i32
      %dma_wait3A_555 = arith.constant 0 : i32
      %dma_wait3A_556 = arith.constant 0 : i32
      %dma_wait3A_557 = tpu.memref_slice %arg9[%select_n3A_535, %dma_wait3A_555, %dma_wait3A_556] : memref<7x64x128xf32, #tpu.memory_space<vmem>> -> memref<1x64x128xf32, #tpu.memory_space<vmem>>
      %dma_wait3A_558 = tpu.memref_squeeze %dma_wait3A_557 : memref<1x64x128xf32, #tpu.memory_space<vmem>> -> memref<64x128xf32, #tpu.memory_space<vmem>>
      %dma_wait3A_559 = arith.constant 0 : i32
      %dma_wait3A_560 = tpu.memref_slice %arg7[%dma_wait3A_559, %multiple_of3A] : memref<64x1000000xf32, #tpu.memory_space<hbm>> -> memref<64x128xf32, #tpu.memory_space<hbm>>
      %dma_wait3A_561 = tpu.memref_slice %arg14[%select_n3A_554] : memref<7x!tpu.dma_semaphore, #tpu.memory_space<semaphore_mem>> -> memref<1x!tpu.dma_semaphore, #tpu.memory_space<semaphore_mem>>
      %dma_wait3A_562 = tpu.memref_squeeze %dma_wait3A_561 : memref<1x!tpu.dma_semaphore, #tpu.memory_space<semaphore_mem>> -> memref<!tpu.dma_semaphore, #tpu.memory_space<semaphore_mem>>
      %dma_wait3A_563 = arith.constant 0 : i32
      %dma_wait3A_564 = tpu.memref_slice %arg7[%dma_wait3A_563, %multiple_of3A] : memref<64x1000000xf32, #tpu.memory_space<hbm>> -> memref<64x128xf32, #tpu.memory_space<hbm>>
      %dma_wait3A_565 = arith.constant 0 : i32
      %dma_wait3A_566 = arith.constant 0 : i32
      %dma_wait3A_567 = tpu.memref_slice %arg9[%select_n3A_535, %dma_wait3A_565, %dma_wait3A_566] : memref<7x64x128xf32, #tpu.memory_space<vmem>> -> memref<1x64x128xf32, #tpu.memory_space<vmem>>
      %dma_wait3A_568 = tpu.memref_squeeze %dma_wait3A_567 : memref<1x64x128xf32, #tpu.memory_space<vmem>> -> memref<64x128xf32, #tpu.memory_space<vmem>>
      tpu.wait_dma2 semaphore(%dma_wait3A_562 : memref<!tpu.dma_semaphore, #tpu.memory_space<semaphore_mem>>) src(%dma_wait3A_568 : memref<64x128xf32, #tpu.memory_space<vmem>>) dst(%dma_wait3A_564 : memref<64x128xf32, #tpu.memory_space<hbm>>)
    } else {
    }
    %sub3A_448 = arith.constant 1 : i32
    %sub3A_449 = arith.subi %min3A_4, %sub3A_448 : i32
    %sub3A_450 = arith.constant 3 : i32
    %sub3A_451 = arith.subi %sub3A_449, %sub3A_450 : i32
    %ge3A_452 = arith.constant 0 : i32
    %ge3A_453 = arith.cmpi sge, %sub3A_451, %ge3A_452 : i32
    %convert_element_type3A_454 = arith.extui %ge3A_453 : i1 to i32
    %cond3A_455 = arith.constant 0 : i32
    %cond3A_456 = arith.cmpi ne, %convert_element_type3A_454, %cond3A_455 : i32
    scf.if %cond3A_456 {
      %sub3A_519 = arith.constant 1 : i32
      %sub3A_520 = arith.subi %min3A_4, %sub3A_519 : i32
      %sub3A_521 = arith.constant 3 : i32
      %sub3A_522 = arith.subi %sub3A_520, %sub3A_521 : i32
      %jit3A_523 = arith.constant 7 : i32
      %eq3A = arith.constant 0 : i32
      %eq3A_524 = arith.cmpi eq, %jit3A_523, %eq3A : i32
      %jit3A_525 = arith.constant 1 : i32
      %select_n3A_526 = arith.select %eq3A_524, %jit3A_525, %jit3A_523 : i32
      %rem3A = arith.remsi %sub3A_522, %select_n3A_526 : i32
      %ne3A = arith.constant 0 : i32
      %ne3A_527 = arith.cmpi ne, %rem3A, %ne3A : i32
      %lt3A_528 = arith.constant 0 : i32
      %lt3A_529 = arith.cmpi slt, %rem3A, %lt3A_528 : i32
      %lt3A_530 = arith.constant 0 : i32
      %lt3A_531 = arith.cmpi slt, %select_n3A_526, %lt3A_530 : i32
      %ne3A_532 = arith.xori %lt3A_529, %lt3A_531 : i1
      %and3A_533 = arith.andi %ne3A_532, %ne3A_527 : i1
      %add3A_534 = arith.addi %rem3A, %select_n3A_526 : i32
      %select_n3A_535 = arith.select %and3A_533, %add3A_534, %rem3A : i32
      %add3A_536 = arith.addi %mul3A_2, %sub3A_522 : i32
      %mul3A_537 = arith.constant 128 : i32
      %mul3A_538 = arith.muli %add3A_536, %mul3A_537 : i32
      %multiple_of3A = tpu.assume_multiple %mul3A_538, 128 : i32
      %jit3A_539 = arith.constant 7 : i32
      %eq3A_540 = arith.constant 0 : i32
      %eq3A_541 = arith.cmpi eq, %jit3A_539, %eq3A_540 : i32
      %jit3A_542 = arith.constant 1 : i32
      %select_n3A_543 = arith.select %eq3A_541, %jit3A_542, %jit3A_539 : i32
      %rem3A_544 = arith.remsi %sub3A_522, %select_n3A_543 : i32
      %ne3A_545 = arith.constant 0 : i32
      %ne3A_546 = arith.cmpi ne, %rem3A_544, %ne3A_545 : i32
      %lt3A_547 = arith.constant 0 : i32
      %lt3A_548 = arith.cmpi slt, %rem3A_544, %lt3A_547 : i32
      %lt3A_549 = arith.constant 0 : i32
      %lt3A_550 = arith.cmpi slt, %select_n3A_543, %lt3A_549 : i32
      %ne3A_551 = arith.xori %lt3A_548, %lt3A_550 : i1
      %and3A_552 = arith.andi %ne3A_551, %ne3A_546 : i1
      %add3A_553 = arith.addi %rem3A_544, %select_n3A_543 : i32
      %select_n3A_554 = arith.select %and3A_552, %add3A_553, %rem3A_544 : i32
      %dma_wait3A_555 = arith.constant 0 : i32
      %dma_wait3A_556 = arith.constant 0 : i32
      %dma_wait3A_557 = tpu.memref_slice %arg9[%select_n3A_535, %dma_wait3A_555, %dma_wait3A_556] : memref<7x64x128xf32, #tpu.memory_space<vmem>> -> memref<1x64x128xf32, #tpu.memory_space<vmem>>
      %dma_wait3A_558 = tpu.memref_squeeze %dma_wait3A_557 : memref<1x64x128xf32, #tpu.memory_space<vmem>> -> memref<64x128xf32, #tpu.memory_space<vmem>>
      %dma_wait3A_559 = arith.constant 0 : i32
      %dma_wait3A_560 = tpu.memref_slice %arg7[%dma_wait3A_559, %multiple_of3A] : memref<64x1000000xf32, #tpu.memory_space<hbm>> -> memref<64x128xf32, #tpu.memory_space<hbm>>
      %dma_wait3A_561 = tpu.memref_slice %arg14[%select_n3A_554] : memref<7x!tpu.dma_semaphore, #tpu.memory_space<semaphore_mem>> -> memref<1x!tpu.dma_semaphore, #tpu.memory_space<semaphore_mem>>
      %dma_wait3A_562 = tpu.memref_squeeze %dma_wait3A_561 : memref<1x!tpu.dma_semaphore, #tpu.memory_space<semaphore_mem>> -> memref<!tpu.dma_semaphore, #tpu.memory_space<semaphore_mem>>
      %dma_wait3A_563 = arith.constant 0 : i32
      %dma_wait3A_564 = tpu.memref_slice %arg7[%dma_wait3A_563, %multiple_of3A] : memref<64x1000000xf32, #tpu.memory_space<hbm>> -> memref<64x128xf32, #tpu.memory_space<hbm>>
      %dma_wait3A_565 = arith.constant 0 : i32
      %dma_wait3A_566 = arith.constant 0 : i32
      %dma_wait3A_567 = tpu.memref_slice %arg9[%select_n3A_535, %dma_wait3A_565, %dma_wait3A_566] : memref<7x64x128xf32, #tpu.memory_space<vmem>> -> memref<1x64x128xf32, #tpu.memory_space<vmem>>
      %dma_wait3A_568 = tpu.memref_squeeze %dma_wait3A_567 : memref<1x64x128xf32, #tpu.memory_space<vmem>> -> memref<64x128xf32, #tpu.memory_space<vmem>>
      tpu.wait_dma2 semaphore(%dma_wait3A_562 : memref<!tpu.dma_semaphore, #tpu.memory_space<semaphore_mem>>) src(%dma_wait3A_568 : memref<64x128xf32, #tpu.memory_space<vmem>>) dst(%dma_wait3A_564 : memref<64x128xf32, #tpu.memory_space<hbm>>)
    } else {
    }
    %sub3A_457 = arith.constant 1 : i32
    %sub3A_458 = arith.subi %min3A_4, %sub3A_457 : i32
    %sub3A_459 = arith.constant 4 : i32
    %sub3A_460 = arith.subi %sub3A_458, %sub3A_459 : i32
    %ge3A_461 = arith.constant 0 : i32
    %ge3A_462 = arith.cmpi sge, %sub3A_460, %ge3A_461 : i32
    %convert_element_type3A_463 = arith.extui %ge3A_462 : i1 to i32
    %cond3A_464 = arith.constant 0 : i32
    %cond3A_465 = arith.cmpi ne, %convert_element_type3A_463, %cond3A_464 : i32
    scf.if %cond3A_465 {
      %sub3A_519 = arith.constant 1 : i32
      %sub3A_520 = arith.subi %min3A_4, %sub3A_519 : i32
      %sub3A_521 = arith.constant 4 : i32
      %sub3A_522 = arith.subi %sub3A_520, %sub3A_521 : i32
      %jit3A_523 = arith.constant 7 : i32
      %eq3A = arith.constant 0 : i32
      %eq3A_524 = arith.cmpi eq, %jit3A_523, %eq3A : i32
      %jit3A_525 = arith.constant 1 : i32
      %select_n3A_526 = arith.select %eq3A_524, %jit3A_525, %jit3A_523 : i32
      %rem3A = arith.remsi %sub3A_522, %select_n3A_526 : i32
      %ne3A = arith.constant 0 : i32
      %ne3A_527 = arith.cmpi ne, %rem3A, %ne3A : i32
      %lt3A_528 = arith.constant 0 : i32
      %lt3A_529 = arith.cmpi slt, %rem3A, %lt3A_528 : i32
      %lt3A_530 = arith.constant 0 : i32
      %lt3A_531 = arith.cmpi slt, %select_n3A_526, %lt3A_530 : i32
      %ne3A_532 = arith.xori %lt3A_529, %lt3A_531 : i1
      %and3A_533 = arith.andi %ne3A_532, %ne3A_527 : i1
      %add3A_534 = arith.addi %rem3A, %select_n3A_526 : i32
      %select_n3A_535 = arith.select %and3A_533, %add3A_534, %rem3A : i32
      %add3A_536 = arith.addi %mul3A_2, %sub3A_522 : i32
      %mul3A_537 = arith.constant 128 : i32
      %mul3A_538 = arith.muli %add3A_536, %mul3A_537 : i32
      %multiple_of3A = tpu.assume_multiple %mul3A_538, 128 : i32
      %jit3A_539 = arith.constant 7 : i32
      %eq3A_540 = arith.constant 0 : i32
      %eq3A_541 = arith.cmpi eq, %jit3A_539, %eq3A_540 : i32
      %jit3A_542 = arith.constant 1 : i32
      %select_n3A_543 = arith.select %eq3A_541, %jit3A_542, %jit3A_539 : i32
      %rem3A_544 = arith.remsi %sub3A_522, %select_n3A_543 : i32
      %ne3A_545 = arith.constant 0 : i32
      %ne3A_546 = arith.cmpi ne, %rem3A_544, %ne3A_545 : i32
      %lt3A_547 = arith.constant 0 : i32
      %lt3A_548 = arith.cmpi slt, %rem3A_544, %lt3A_547 : i32
      %lt3A_549 = arith.constant 0 : i32
      %lt3A_550 = arith.cmpi slt, %select_n3A_543, %lt3A_549 : i32
      %ne3A_551 = arith.xori %lt3A_548, %lt3A_550 : i1
      %and3A_552 = arith.andi %ne3A_551, %ne3A_546 : i1
      %add3A_553 = arith.addi %rem3A_544, %select_n3A_543 : i32
      %select_n3A_554 = arith.select %and3A_552, %add3A_553, %rem3A_544 : i32
      %dma_wait3A_555 = arith.constant 0 : i32
      %dma_wait3A_556 = arith.constant 0 : i32
      %dma_wait3A_557 = tpu.memref_slice %arg9[%select_n3A_535, %dma_wait3A_555, %dma_wait3A_556] : memref<7x64x128xf32, #tpu.memory_space<vmem>> -> memref<1x64x128xf32, #tpu.memory_space<vmem>>
      %dma_wait3A_558 = tpu.memref_squeeze %dma_wait3A_557 : memref<1x64x128xf32, #tpu.memory_space<vmem>> -> memref<64x128xf32, #tpu.memory_space<vmem>>
      %dma_wait3A_559 = arith.constant 0 : i32
      %dma_wait3A_560 = tpu.memref_slice %arg7[%dma_wait3A_559, %multiple_of3A] : memref<64x1000000xf32, #tpu.memory_space<hbm>> -> memref<64x128xf32, #tpu.memory_space<hbm>>
      %dma_wait3A_561 = tpu.memref_slice %arg14[%select_n3A_554] : memref<7x!tpu.dma_semaphore, #tpu.memory_space<semaphore_mem>> -> memref<1x!tpu.dma_semaphore, #tpu.memory_space<semaphore_mem>>
      %dma_wait3A_562 = tpu.memref_squeeze %dma_wait3A_561 : memref<1x!tpu.dma_semaphore, #tpu.memory_space<semaphore_mem>> -> memref<!tpu.dma_semaphore, #tpu.memory_space<semaphore_mem>>
      %dma_wait3A_563 = arith.constant 0 : i32
      %dma_wait3A_564 = tpu.memref_slice %arg7[%dma_wait3A_563, %multiple_of3A] : memref<64x1000000xf32, #tpu.memory_space<hbm>> -> memref<64x128xf32, #tpu.memory_space<hbm>>
      %dma_wait3A_565 = arith.constant 0 : i32
      %dma_wait3A_566 = arith.constant 0 : i32
      %dma_wait3A_567 = tpu.memref_slice %arg9[%select_n3A_535, %dma_wait3A_565, %dma_wait3A_566] : memref<7x64x128xf32, #tpu.memory_space<vmem>> -> memref<1x64x128xf32, #tpu.memory_space<vmem>>
      %dma_wait3A_568 = tpu.memref_squeeze %dma_wait3A_567 : memref<1x64x128xf32, #tpu.memory_space<vmem>> -> memref<64x128xf32, #tpu.memory_space<vmem>>
      tpu.wait_dma2 semaphore(%dma_wait3A_562 : memref<!tpu.dma_semaphore, #tpu.memory_space<semaphore_mem>>) src(%dma_wait3A_568 : memref<64x128xf32, #tpu.memory_space<vmem>>) dst(%dma_wait3A_564 : memref<64x128xf32, #tpu.memory_space<hbm>>)
    } else {
    }
    %sub3A_466 = arith.constant 1 : i32
    %sub3A_467 = arith.subi %min3A_4, %sub3A_466 : i32
    %sub3A_468 = arith.constant 5 : i32
    %sub3A_469 = arith.subi %sub3A_467, %sub3A_468 : i32
    %ge3A_470 = arith.constant 0 : i32
    %ge3A_471 = arith.cmpi sge, %sub3A_469, %ge3A_470 : i32
    %convert_element_type3A_472 = arith.extui %ge3A_471 : i1 to i32
    %cond3A_473 = arith.constant 0 : i32
    %cond3A_474 = arith.cmpi ne, %convert_element_type3A_472, %cond3A_473 : i32
    scf.if %cond3A_474 {
      %sub3A_519 = arith.constant 1 : i32
      %sub3A_520 = arith.subi %min3A_4, %sub3A_519 : i32
      %sub3A_521 = arith.constant 5 : i32
      %sub3A_522 = arith.subi %sub3A_520, %sub3A_521 : i32
      %jit3A_523 = arith.constant 7 : i32
      %eq3A = arith.constant 0 : i32
      %eq3A_524 = arith.cmpi eq, %jit3A_523, %eq3A : i32
      %jit3A_525 = arith.constant 1 : i32
      %select_n3A_526 = arith.select %eq3A_524, %jit3A_525, %jit3A_523 : i32
      %rem3A = arith.remsi %sub3A_522, %select_n3A_526 : i32
      %ne3A = arith.constant 0 : i32
      %ne3A_527 = arith.cmpi ne, %rem3A, %ne3A : i32
      %lt3A_528 = arith.constant 0 : i32
      %lt3A_529 = arith.cmpi slt, %rem3A, %lt3A_528 : i32
      %lt3A_530 = arith.constant 0 : i32
      %lt3A_531 = arith.cmpi slt, %select_n3A_526, %lt3A_530 : i32
      %ne3A_532 = arith.xori %lt3A_529, %lt3A_531 : i1
      %and3A_533 = arith.andi %ne3A_532, %ne3A_527 : i1
      %add3A_534 = arith.addi %rem3A, %select_n3A_526 : i32
      %select_n3A_535 = arith.select %and3A_533, %add3A_534, %rem3A : i32
      %add3A_536 = arith.addi %mul3A_2, %sub3A_522 : i32
      %mul3A_537 = arith.constant 128 : i32
      %mul3A_538 = arith.muli %add3A_536, %mul3A_537 : i32
      %multiple_of3A = tpu.assume_multiple %mul3A_538, 128 : i32
      %jit3A_539 = arith.constant 7 : i32
      %eq3A_540 = arith.constant 0 : i32
      %eq3A_541 = arith.cmpi eq, %jit3A_539, %eq3A_540 : i32
      %jit3A_542 = arith.constant 1 : i32
      %select_n3A_543 = arith.select %eq3A_541, %jit3A_542, %jit3A_539 : i32
      %rem3A_544 = arith.remsi %sub3A_522, %select_n3A_543 : i32
      %ne3A_545 = arith.constant 0 : i32
      %ne3A_546 = arith.cmpi ne, %rem3A_544, %ne3A_545 : i32
      %lt3A_547 = arith.constant 0 : i32
      %lt3A_548 = arith.cmpi slt, %rem3A_544, %lt3A_547 : i32
      %lt3A_549 = arith.constant 0 : i32
      %lt3A_550 = arith.cmpi slt, %select_n3A_543, %lt3A_549 : i32
      %ne3A_551 = arith.xori %lt3A_548, %lt3A_550 : i1
      %and3A_552 = arith.andi %ne3A_551, %ne3A_546 : i1
      %add3A_553 = arith.addi %rem3A_544, %select_n3A_543 : i32
      %select_n3A_554 = arith.select %and3A_552, %add3A_553, %rem3A_544 : i32
      %dma_wait3A_555 = arith.constant 0 : i32
      %dma_wait3A_556 = arith.constant 0 : i32
      %dma_wait3A_557 = tpu.memref_slice %arg9[%select_n3A_535, %dma_wait3A_555, %dma_wait3A_556] : memref<7x64x128xf32, #tpu.memory_space<vmem>> -> memref<1x64x128xf32, #tpu.memory_space<vmem>>
      %dma_wait3A_558 = tpu.memref_squeeze %dma_wait3A_557 : memref<1x64x128xf32, #tpu.memory_space<vmem>> -> memref<64x128xf32, #tpu.memory_space<vmem>>
      %dma_wait3A_559 = arith.constant 0 : i32
      %dma_wait3A_560 = tpu.memref_slice %arg7[%dma_wait3A_559, %multiple_of3A] : memref<64x1000000xf32, #tpu.memory_space<hbm>> -> memref<64x128xf32, #tpu.memory_space<hbm>>
      %dma_wait3A_561 = tpu.memref_slice %arg14[%select_n3A_554] : memref<7x!tpu.dma_semaphore, #tpu.memory_space<semaphore_mem>> -> memref<1x!tpu.dma_semaphore, #tpu.memory_space<semaphore_mem>>
      %dma_wait3A_562 = tpu.memref_squeeze %dma_wait3A_561 : memref<1x!tpu.dma_semaphore, #tpu.memory_space<semaphore_mem>> -> memref<!tpu.dma_semaphore, #tpu.memory_space<semaphore_mem>>
      %dma_wait3A_563 = arith.constant 0 : i32
      %dma_wait3A_564 = tpu.memref_slice %arg7[%dma_wait3A_563, %multiple_of3A] : memref<64x1000000xf32, #tpu.memory_space<hbm>> -> memref<64x128xf32, #tpu.memory_space<hbm>>
      %dma_wait3A_565 = arith.constant 0 : i32
      %dma_wait3A_566 = arith.constant 0 : i32
      %dma_wait3A_567 = tpu.memref_slice %arg9[%select_n3A_535, %dma_wait3A_565, %dma_wait3A_566] : memref<7x64x128xf32, #tpu.memory_space<vmem>> -> memref<1x64x128xf32, #tpu.memory_space<vmem>>
      %dma_wait3A_568 = tpu.memref_squeeze %dma_wait3A_567 : memref<1x64x128xf32, #tpu.memory_space<vmem>> -> memref<64x128xf32, #tpu.memory_space<vmem>>
      tpu.wait_dma2 semaphore(%dma_wait3A_562 : memref<!tpu.dma_semaphore, #tpu.memory_space<semaphore_mem>>) src(%dma_wait3A_568 : memref<64x128xf32, #tpu.memory_space<vmem>>) dst(%dma_wait3A_564 : memref<64x128xf32, #tpu.memory_space<hbm>>)
    } else {
    }
    %sub3A_475 = arith.constant 1 : i32
    %sub3A_476 = arith.subi %min3A_4, %sub3A_475 : i32
    %sub3A_477 = arith.constant 6 : i32
    %sub3A_478 = arith.subi %sub3A_476, %sub3A_477 : i32
    %ge3A_479 = arith.constant 0 : i32
    %ge3A_480 = arith.cmpi sge, %sub3A_478, %ge3A_479 : i32
    %convert_element_type3A_481 = arith.extui %ge3A_480 : i1 to i32
    %cond3A_482 = arith.constant 0 : i32
    %cond3A_483 = arith.cmpi ne, %convert_element_type3A_481, %cond3A_482 : i32
    scf.if %cond3A_483 {
      %sub3A_519 = arith.constant 1 : i32
      %sub3A_520 = arith.subi %min3A_4, %sub3A_519 : i32
      %sub3A_521 = arith.constant 6 : i32
      %sub3A_522 = arith.subi %sub3A_520, %sub3A_521 : i32
      %jit3A_523 = arith.constant 7 : i32
      %eq3A = arith.constant 0 : i32
      %eq3A_524 = arith.cmpi eq, %jit3A_523, %eq3A : i32
      %jit3A_525 = arith.constant 1 : i32
      %select_n3A_526 = arith.select %eq3A_524, %jit3A_525, %jit3A_523 : i32
      %rem3A = arith.remsi %sub3A_522, %select_n3A_526 : i32
      %ne3A = arith.constant 0 : i32
      %ne3A_527 = arith.cmpi ne, %rem3A, %ne3A : i32
      %lt3A_528 = arith.constant 0 : i32
      %lt3A_529 = arith.cmpi slt, %rem3A, %lt3A_528 : i32
      %lt3A_530 = arith.constant 0 : i32
      %lt3A_531 = arith.cmpi slt, %select_n3A_526, %lt3A_530 : i32
      %ne3A_532 = arith.xori %lt3A_529, %lt3A_531 : i1
      %and3A_533 = arith.andi %ne3A_532, %ne3A_527 : i1
      %add3A_534 = arith.addi %rem3A, %select_n3A_526 : i32
      %select_n3A_535 = arith.select %and3A_533, %add3A_534, %rem3A : i32
      %add3A_536 = arith.addi %mul3A_2, %sub3A_522 : i32
      %mul3A_537 = arith.constant 128 : i32
      %mul3A_538 = arith.muli %add3A_536, %mul3A_537 : i32
      %multiple_of3A = tpu.assume_multiple %mul3A_538, 128 : i32
      %jit3A_539 = arith.constant 7 : i32
      %eq3A_540 = arith.constant 0 : i32
      %eq3A_541 = arith.cmpi eq, %jit3A_539, %eq3A_540 : i32
      %jit3A_542 = arith.constant 1 : i32
      %select_n3A_543 = arith.select %eq3A_541, %jit3A_542, %jit3A_539 : i32
      %rem3A_544 = arith.remsi %sub3A_522, %select_n3A_543 : i32
      %ne3A_545 = arith.constant 0 : i32
      %ne3A_546 = arith.cmpi ne, %rem3A_544, %ne3A_545 : i32
      %lt3A_547 = arith.constant 0 : i32
      %lt3A_548 = arith.cmpi slt, %rem3A_544, %lt3A_547 : i32
      %lt3A_549 = arith.constant 0 : i32
      %lt3A_550 = arith.cmpi slt, %select_n3A_543, %lt3A_549 : i32
      %ne3A_551 = arith.xori %lt3A_548, %lt3A_550 : i1
      %and3A_552 = arith.andi %ne3A_551, %ne3A_546 : i1
      %add3A_553 = arith.addi %rem3A_544, %select_n3A_543 : i32
      %select_n3A_554 = arith.select %and3A_552, %add3A_553, %rem3A_544 : i32
      %dma_wait3A_555 = arith.constant 0 : i32
      %dma_wait3A_556 = arith.constant 0 : i32
      %dma_wait3A_557 = tpu.memref_slice %arg9[%select_n3A_535, %dma_wait3A_555, %dma_wait3A_556] : memref<7x64x128xf32, #tpu.memory_space<vmem>> -> memref<1x64x128xf32, #tpu.memory_space<vmem>>
      %dma_wait3A_558 = tpu.memref_squeeze %dma_wait3A_557 : memref<1x64x128xf32, #tpu.memory_space<vmem>> -> memref<64x128xf32, #tpu.memory_space<vmem>>
      %dma_wait3A_559 = arith.constant 0 : i32
      %dma_wait3A_560 = tpu.memref_slice %arg7[%dma_wait3A_559, %multiple_of3A] : memref<64x1000000xf32, #tpu.memory_space<hbm>> -> memref<64x128xf32, #tpu.memory_space<hbm>>
      %dma_wait3A_561 = tpu.memref_slice %arg14[%select_n3A_554] : memref<7x!tpu.dma_semaphore, #tpu.memory_space<semaphore_mem>> -> memref<1x!tpu.dma_semaphore, #tpu.memory_space<semaphore_mem>>
      %dma_wait3A_562 = tpu.memref_squeeze %dma_wait3A_561 : memref<1x!tpu.dma_semaphore, #tpu.memory_space<semaphore_mem>> -> memref<!tpu.dma_semaphore, #tpu.memory_space<semaphore_mem>>
      %dma_wait3A_563 = arith.constant 0 : i32
      %dma_wait3A_564 = tpu.memref_slice %arg7[%dma_wait3A_563, %multiple_of3A] : memref<64x1000000xf32, #tpu.memory_space<hbm>> -> memref<64x128xf32, #tpu.memory_space<hbm>>
      %dma_wait3A_565 = arith.constant 0 : i32
      %dma_wait3A_566 = arith.constant 0 : i32
      %dma_wait3A_567 = tpu.memref_slice %arg9[%select_n3A_535, %dma_wait3A_565, %dma_wait3A_566] : memref<7x64x128xf32, #tpu.memory_space<vmem>> -> memref<1x64x128xf32, #tpu.memory_space<vmem>>
      %dma_wait3A_568 = tpu.memref_squeeze %dma_wait3A_567 : memref<1x64x128xf32, #tpu.memory_space<vmem>> -> memref<64x128xf32, #tpu.memory_space<vmem>>
      tpu.wait_dma2 semaphore(%dma_wait3A_562 : memref<!tpu.dma_semaphore, #tpu.memory_space<semaphore_mem>>) src(%dma_wait3A_568 : memref<64x128xf32, #tpu.memory_space<vmem>>) dst(%dma_wait3A_564 : memref<64x128xf32, #tpu.memory_space<hbm>>)
    } else {
    }
    %dma_wait3A = arith.constant 0 : i32
    %dma_wait3A_484 = arith.constant 0 : i32
    %dma_wait3A_485 = tpu.memref_slice %arg12[%dma_wait3A, %dma_wait3A_484] : memref<8x128xi32, #tpu.memory_space<vmem>> -> memref<1x128xi32, #tpu.memory_space<vmem>>
    %dma_wait3A_486 = tpu.memref_squeeze %dma_wait3A_485 : memref<1x128xi32, #tpu.memory_space<vmem>> -> memref<128xi32, #tpu.memory_space<vmem>>
    %dma_wait3A_487 = arith.constant 0 : i32
    %dma_wait3A_488 = tpu.memref_slice %arg11[%shift_right_arithmetic3A_9, %and3A_12, %dma_wait3A_487] : memref<16x8x128xi32, #tpu.memory_space<vmem>> -> memref<1x1x128xi32, #tpu.memory_space<vmem>>
    %dma_wait3A_489 = tpu.memref_squeeze %dma_wait3A_488 : memref<1x1x128xi32, #tpu.memory_space<vmem>> -> memref<128xi32, #tpu.memory_space<vmem>>
    %dma_wait3A_490 = arith.constant 0 : i32
    %dma_wait3A_491 = tpu.memref_slice %arg8[%dma_wait3A_490] : memref<1000000xi32, #tpu.memory_space<hbm>> -> memref<1000000xi32, #tpu.memory_space<hbm>>
    tpu.wait_indirect_dma semaphore(%arg15 : memref<!tpu.dma_semaphore, #tpu.memory_space<semaphore_mem>>) src(%dma_wait3A_486 : memref<128xi32, #tpu.memory_space<vmem>>) dst(%dma_wait3A_491 : memref<1000000xi32, #tpu.memory_space<hbm>>)
    %dma_wait3A_492 = arith.constant 0 : i32
    %dma_wait3A_493 = arith.constant 0 : i32
    %dma_wait3A_494 = tpu.memref_slice %arg12[%dma_wait3A_492, %dma_wait3A_493] : memref<8x128xi32, #tpu.memory_space<vmem>> -> memref<1x128xi32, #tpu.memory_space<vmem>>
    %dma_wait3A_495 = tpu.memref_squeeze %dma_wait3A_494 : memref<1x128xi32, #tpu.memory_space<vmem>> -> memref<128xi32, #tpu.memory_space<vmem>>
    %dma_wait3A_496 = arith.constant 0 : i32
    %dma_wait3A_497 = tpu.memref_slice %arg11[%shift_right_arithmetic3A_26, %and3A_30, %dma_wait3A_496] : memref<16x8x128xi32, #tpu.memory_space<vmem>> -> memref<1x1x128xi32, #tpu.memory_space<vmem>>
    %dma_wait3A_498 = tpu.memref_squeeze %dma_wait3A_497 : memref<1x1x128xi32, #tpu.memory_space<vmem>> -> memref<128xi32, #tpu.memory_space<vmem>>
    %dma_wait3A_499 = arith.constant 0 : i32
    %dma_wait3A_500 = tpu.memref_slice %arg8[%dma_wait3A_499] : memref<1000000xi32, #tpu.memory_space<hbm>> -> memref<1000000xi32, #tpu.memory_space<hbm>>
    tpu.wait_indirect_dma semaphore(%arg15 : memref<!tpu.dma_semaphore, #tpu.memory_space<semaphore_mem>>) src(%dma_wait3A_495 : memref<128xi32, #tpu.memory_space<vmem>>) dst(%dma_wait3A_500 : memref<1000000xi32, #tpu.memory_space<hbm>>)
    %dma_wait3A_501 = arith.constant 0 : i32
    %dma_wait3A_502 = arith.constant 0 : i32
    %dma_wait3A_503 = tpu.memref_slice %arg12[%dma_wait3A_501, %dma_wait3A_502] : memref<8x128xi32, #tpu.memory_space<vmem>> -> memref<1x128xi32, #tpu.memory_space<vmem>>
    %dma_wait3A_504 = tpu.memref_squeeze %dma_wait3A_503 : memref<1x128xi32, #tpu.memory_space<vmem>> -> memref<128xi32, #tpu.memory_space<vmem>>
    %dma_wait3A_505 = arith.constant 0 : i32
    %dma_wait3A_506 = tpu.memref_slice %arg11[%shift_right_arithmetic3A_45, %and3A_49, %dma_wait3A_505] : memref<16x8x128xi32, #tpu.memory_space<vmem>> -> memref<1x1x128xi32, #tpu.memory_space<vmem>>
    %dma_wait3A_507 = tpu.memref_squeeze %dma_wait3A_506 : memref<1x1x128xi32, #tpu.memory_space<vmem>> -> memref<128xi32, #tpu.memory_space<vmem>>
    %dma_wait3A_508 = arith.constant 0 : i32
    %dma_wait3A_509 = tpu.memref_slice %arg8[%dma_wait3A_508] : memref<1000000xi32, #tpu.memory_space<hbm>> -> memref<1000000xi32, #tpu.memory_space<hbm>>
    tpu.wait_indirect_dma semaphore(%arg15 : memref<!tpu.dma_semaphore, #tpu.memory_space<semaphore_mem>>) src(%dma_wait3A_504 : memref<128xi32, #tpu.memory_space<vmem>>) dst(%dma_wait3A_509 : memref<1000000xi32, #tpu.memory_space<hbm>>)
    %dma_wait3A_510 = arith.constant 0 : i32
    %dma_wait3A_511 = arith.constant 0 : i32
    %dma_wait3A_512 = tpu.memref_slice %arg12[%dma_wait3A_510, %dma_wait3A_511] : memref<8x128xi32, #tpu.memory_space<vmem>> -> memref<1x128xi32, #tpu.memory_space<vmem>>
    %dma_wait3A_513 = tpu.memref_squeeze %dma_wait3A_512 : memref<1x128xi32, #tpu.memory_space<vmem>> -> memref<128xi32, #tpu.memory_space<vmem>>
    %dma_wait3A_514 = arith.constant 0 : i32
    %dma_wait3A_515 = tpu.memref_slice %arg11[%shift_right_arithmetic3A_64, %and3A_68, %dma_wait3A_514] : memref<16x8x128xi32, #tpu.memory_space<vmem>> -> memref<1x1x128xi32, #tpu.memory_space<vmem>>
    %dma_wait3A_516 = tpu.memref_squeeze %dma_wait3A_515 : memref<1x1x128xi32, #tpu.memory_space<vmem>> -> memref<128xi32, #tpu.memory_space<vmem>>
    %dma_wait3A_517 = arith.constant 0 : i32
    %dma_wait3A_518 = tpu.memref_slice %arg8[%dma_wait3A_517] : memref<1000000xi32, #tpu.memory_space<hbm>> -> memref<1000000xi32, #tpu.memory_space<hbm>>
    tpu.wait_indirect_dma semaphore(%arg15 : memref<!tpu.dma_semaphore, #tpu.memory_space<semaphore_mem>>) src(%dma_wait3A_513 : memref<128xi32, #tpu.memory_space<vmem>>) dst(%dma_wait3A_518 : memref<1000000xi32, #tpu.memory_space<hbm>>)
    return
  }
}

</mosaic_0001>

<sc_bundles>
// kernel: gather_offload_async_start.1
scs
__scs_entry_jumppad:
0x0: {  	(pc) =	sbr.rel $0x88, $3  }
0x1: {  	(tag) =	ssettag $0x0;
	lr =	simm.s32 $0x1  }
0x2: {  	[smem:$0x3F9C] =	sst lr;
	_ =	strace $0xD0000000  }
0x3: {  	_ = 	snop  }
0x4: {  	_ = 	snop  }
0x5: {  	_ = 	snop  }
0x6: {  	_ = 	snop  }
0x7: {  	_ = 	snop  }
__scs_overlays_trampoline_lowered:
0x8: {  	[smem:$0x3FAB] =	sst s0  }
0x9: {  	[smem:$0x3FAC] =	sst s1  }
0xa: {  	[smem:$0x3FAD] =	sst s2  }
0xb: {  	[smem:$0x3FAE] =	sst s3  }
0xc: {  	[smem:$0x3FAF] =	sst s4  }
0xd: {  	[smem:$0x3FB0] =	sst s5  }
0xe: {  	[smem:$0x3FB1] =	sst s6  }
0xf: {  	[smem:$0x3FB2] =	sst s7  }
0x10: {  	[smem:$0x3FB3] =	sst s8  }
0x11: {  	[smem:$0x3FB4] =	sst s9;
	s0 =	simm.s32 @!p0 $0x0  }
0x12: {  	s1 =	sld [smem:$0x3F9A];
	s0 =	simm.s32 @p0 $0x1  }
0x13: {  	[smem:$0x3FB5] =	sst s0;
	s0 =	simm.s32 @!p1 $0x0  }
0x14: {  	s2 =	sld [smem:$0x3F99];
	s0 =	simm.s32 @p1 $0x1  }
0x15: {  	[smem:$0x3FB6] =	sst s0;
	s0 =	simm.s32 @!p2 $0x0  }
0x16: {  	s3 =	sld [smem:$0x3FDB];
	s0 =	simm.s32 @p2 $0x1  }
0x17: {  	s4 =	simm.s32 $0x1BF5;
	[smem:$0x3FB8] =	sst s0  }
0x18: {  	s0 =	sld [smem:$0x3F9B];
	_ =	swait.ge [sflag:s4], $0x0  }
0x19: {  	s7 =	sld [smem:$0x3F9C]  }
0x1a: {  	s8 =	sadd.s32 $0xFFFFE003, lr  }
0x1b: {  	s9 =	sadd.s32 $0xFFFFFEF7, lr;
	s5 =	simm.s32 $0xFFFFFFFF;
	p2 =	slt.u32 s8, $0xFFFFF086  }
0x1c: {  	p1 =	slt.u32 s9, $0xF7A;
	s5 =	simm.s32 @!p2 $0x0  }
0x1d: {  	s5 =	simm.s32 @p1 $0x1;
	p0 =	seq.s32 s7, s2  }
0x1e: {  	s7 =	smul.u32 @!p0 $0xF7A, s2;
	p2 =	seq.s32 @!p0 s5, $0x0  }
0x1f: {  	s9 =	smul.u32 $0xF7A, s1;
	s8 =	simm.s32 @!p0 $0x1BF5;
	p2 =	por !p2, p0  }
0x20: {  	[sflag:s8] =	ssyncset.s32 @!p0 $0xFFFFF086;
	s6 =	sadd.s32 @!p0 s3, s7;
	s7 =	simm.s32 @!p0 $0x108  }
0x21: {  	s3 =	sadd.s32 s3, s9;
	s6 =	sadd.s32 @!p0 $0x88, s6;
	s7 =	simm.s32 @p2 $0x1082  }
0x22: {  	[simem:s7], [sflag:s8] =	dma.local @!p0 [hbm:s6], $0xF7A  }
0x23: {  	s9 =	sor.u32 $0xD0000000, s2;
	s6 =	simm.s32 $0x108;
	_ =	swait.ge @!p0 [sflag:s8], $0x0  }
0x24: {  	s3 =	sadd.s32 $0x88, s3;
	s6 =	simm.s32 @!p1 $0x1082;
	[sflag:s4] =	ssyncset.s32 $0xFFFFF086  }
0x25: {  	[simem:s6], [sflag:s4] =	dma.local [hbm:s3], $0xF7A  }
0x26: {  	[smem:$0x3F9C] =	sst s1;
	(tag) =	ssettag s2;
	_ =	strace s9  }
0x27: {  	s1 =	sld [smem:$0x3FAC]  }
0x28: {  	s2 =	sld [smem:$0x3FAD]  }
0x29: {  	s4 =	sld [smem:$0x3FAF]  }
0x2a: {  	p0 =	seq.s32 s5, $0x0;
	s5 =	sld [smem:$0x3FB0]  }
0x2b: {  	s6 =	sld [smem:$0x3FB1]  }
0x2c: {  	s7 =	sld [smem:$0x3FB2]  }
0x2d: {  	s3 =	simm.s32 $0x108;
	s8 =	sld [smem:$0x3FB3]  }
0x2e: {  	s3 =	simm.s32 @!p0 $0x1082;
	s9 =	sld [smem:$0x3FB4]  }
0x2f: {  	lr =	sadd.s32 s0, s3;
	s0 =	sld [smem:$0x3FAB]  }
0x30: {  	s3 =	sld [smem:$0x3FAE]  }
0x31: {  	[smem:$0x3FB7] =	sst s10  }
0x32: {  	s10 =	sld [smem:$0x3FB5];
	_ =	sdelay $0x3  }
0x33: {  	p0 =	seq.s32 s10, $0x1;
	s10 =	sld [smem:$0x3FB7];
	_ =	sdelay $0x3  }
0x34: {  	[smem:$0x3FB7] =	sst s10  }
0x35: {  	s10 =	sld [smem:$0x3FB6];
	_ =	sdelay $0x3  }
0x36: {  	p1 =	seq.s32 s10, $0x1;
	s10 =	sld [smem:$0x3FB7];
	_ =	sdelay $0x3  }
0x37: {  	[smem:$0x3FB7] =	sst s10  }
0x38: {  	s10 =	sld [smem:$0x3FB8]  }
0x39: {  	_ = 	snop;
	(pc) =	sbr.ind lr, $3  }
0x3a: {  	_ = 	snop  }
0x3b: {  	_ = 	snop  }
0x3c: {  	p2 =	seq.s32 s10, $0x1;
	s10 =	sld [smem:$0x3FB7]  }
0x3d: {  	_ =	shalt  }
0x3e: {  	_ =	shalt  }
0x3f: {  	_ =	shalt  }
0x40: {  	_ =	shalt  }
0x41: {  	_ =	shalt  }
0x42: {  	_ =	shalt  }
0x43: {  	_ =	shalt  }
0x44: {  	_ =	shalt  }
0x45: {  	_ =	shalt  }
0x46: {  	_ =	shalt  }
0x47: {  	_ =	shalt  }
0x48: {  	_ =	shalt  }
0x49: {  	_ =	shalt  }
0x4a: {  	_ =	shalt  }
0x4b: {  	_ =	shalt  }
0x4c: {  	_ =	shalt  }
0x4d: {  	_ =	shalt  }
0x4e: {  	_ =	shalt  }
0x4f: {  	_ =	shalt  }
0x50: {  	_ =	shalt  }
0x51: {  	_ =	shalt  }
0x52: {  	_ =	shalt  }
0x53: {  	_ =	shalt  }
0x54: {  	_ =	shalt  }
0x55: {  	_ =	shalt  }
0x56: {  	_ =	shalt  }
0x57: {  	_ =	shalt  }
0x58: {  	_ =	shalt  }
0x59: {  	_ =	shalt  }
0x5a: {  	_ =	shalt  }
0x5b: {  	_ =	shalt  }
0x5c: {  	_ =	shalt  }
0x5d: {  	_ =	shalt  }
0x5e: {  	_ =	shalt  }
0x5f: {  	_ =	shalt  }
0x60: {  	_ =	shalt  }
0x61: {  	_ =	shalt  }
0x62: {  	_ =	shalt  }
0x63: {  	_ =	shalt  }
0x64: {  	_ =	shalt  }
0x65: {  	_ =	shalt  }
0x66: {  	_ =	shalt  }
0x67: {  	_ =	shalt  }
0x68: {  	_ =	shalt  }
0x69: {  	_ =	shalt  }
0x6a: {  	_ =	shalt  }
0x6b: {  	_ =	shalt  }
0x6c: {  	_ =	shalt  }
0x6d: {  	_ =	shalt  }
0x6e: {  	_ =	shalt  }
0x6f: {  	_ =	shalt  }
0x70: {  	_ =	shalt  }
0x71: {  	_ =	shalt  }
0x72: {  	_ =	shalt  }
0x73: {  	_ =	shalt  }
0x74: {  	_ =	shalt  }
0x75: {  	_ =	shalt  }
0x76: {  	_ =	shalt  }
0x77: {  	_ =	shalt  }
0x78: {  	_ =	shalt  }
0x79: {  	_ =	shalt  }
0x7a: {  	_ =	shalt  }
0x7b: {  	_ =	shalt  }
0x7c: {  	_ =	shalt  }
0x7d: {  	_ =	shalt  }
0x7e: {  	_ =	shalt  }
0x7f: {  	_ =	shalt  }
0x80: {  	_ =	shalt  }
0x81: {  	_ =	shalt  }
0x82: {  	_ =	shalt  }
0x83: {  	_ =	shalt  }
0x84: {  	_ =	shalt  }
0x85: {  	_ =	shalt  }
0x86: {  	_ =	shalt  }
0x87: {  	_ =	shalt  }
.Lfunc_end0:
.L_simem_size_0:
called_computation.1_lowered:
.L_overlay_start_0:
0x88: {  	s2 =	sld [smem:$0x3FD9]  }
0x89: {  	s3 =	sld [smem:$0x3FFE];
	_ =	sdelay $0x1  }
0x8a: {  	s1 =	srdreg.scid  }
0x8b: {  	s0 =	sand.u32 $0x1, s1  }
0x8c: {  	s17 =	sshll.u32 s0, $0xA;
	s2 =	sadd.s32 s3, s2  }
0x8d: {  	s2 =	sadd.s32 s2, s17  }
0x8e: {  	[smem:$0x3FC3] =	sst s2  }
0x8f: {  	_ = 	snop  }
0x90: {  	s2 =	sld [smem:$0x3FC7];
	(tm) =	ssettm $0x1  }
0x91: {  	s18 =	sld [smem:$0x3FFB];
	_ =	sdelay $0x3  }
0x92: {  	_ =	strace s18  }
0x93: {  	s3 =	sld [smem:$0x3FFC];
	_ =	sdelay $0x3  }
0x94: {  	_ =	strace s3  }
0x95: {  	s3 =	sld [smem:$0x3FFD];
	_ =	sdelay $0x3  }
0x96: {  	_ =	strace s3  }
0x97: {  	_ =	strace $0x8FFFFFFF  }
0x98: {  	s19 =	sld [smem:$0x3FDB];
	_ =	sdelay $0x1  }
0x99: {  	s4 =	simm.s32 $_scs_section_size  }
0x9a: {  	s5 =	simm.s32 $_size__tile_overlayer_lowered;
	s6 =	simm.s32 $_tile_overlayer_lowered  }
0x9b: {  	s22 =	simm.s32 $0x1BFF;
	s21 =	sshll.u32 s6, $0x1;
	s3 =	sadd.s32 s4, s19  }
0x9c: {  	s7 =	simm.s32 $0x0;
	s20 =	sshll.u32 s5, $0x1;
	s5 =	sadd.s32 s21, s3  }
0x9d: {  	[timem:s7], [sflag:s22] =	dma.local [hbm:s5], s20  }
0x9e: {  	_ =	swait.ge [sflag:s22], s20  }
0x9f: {  	s4 =	ssub.s32 $0x0, s20;
	[sflag:s22] =	ssyncset.done $0x0  }
0xa0: {  	[sflag:s22] =	ssyncadd.s32 s4;
	_ =	sdelay $0x1  }
0xa1: {  	s23 =	simm.s32 $0x1B8B  }
0xa2: {  	_ =	swait.ge [sflag:s23], $0x1  }
0xa3: {  	[sflag:s23] =	ssyncset.done $0x0  }
0xa4: {  	s25 =	simm.s32 $0x1B8E;
	s24 =	sld [smem:$0x3FFE];
	[sflag:s23] =	ssyncadd.s32 $0xFFFFFFFF  }
0xa5: {  	s26 =	simm.s32 $execute0_lowered;
	[smem:$0x3FD2] =	sst s25  }
0xa6: {  	s5 =	sshll.u32 s26, $0x1;
	_ =	strace $0x80000046;
	[dreg:$0x1] =	wrdreg $0xFFFFFFFF  }
0xa7: {  	s28 =	simm.s32 $_size_execute0_lowered;
	s3 =	sadd.s32 s3, s5;
	[dreg:$0x0] =	wrdreg $0x0  }
0xa8: {  	s5 =	sshll.u32 s28, $0x1;
	[dreg:$0x2] =	wrdreg s3  }
0xa9: {  	[dreg:$0x3] =	wrdreg s5  }
0xaa: {  	[dreg:$0x4] =	wrdreg $0xC0  }
0xab: {  	_ =	task [dreg:s7], $0x5FFFF  }
0xac: {  	[dreg:$0x1] =	wrdreg $0xFFFFFFFF  }
0xad: {  	[dreg:$0x0] =	wrdreg $0x60  }
0xae: {  	[dreg:$0x2] =	wrdreg s2  }
0xaf: {  	[dreg:$0x3] =	wrdreg s24  }
0xb0: {  	[dreg:$0x4] =	wrdreg $0xA  }
0xb1: {  	_ =	task.clear_ibuf [dreg:s7], $0x5FFFF;
	_ =	strace $0x90000046  }
0xb2: {  	s29 =	simm.s32 $0xA;
	_ =	strace $0x80000048  }
0xb3: {  	_ =	swait.ge [sflag:s29], $0x1  }
0xb4: {  	[sflag:s29] =	ssyncadd.s32 $0xFFFFFFFF  }
0xb5: {  	_ =	strace $0x90000048  }
0xb6: {  	_ =	sfence  }
0xb7: {  	s30 =	sld [smem:$0x0];
	_ =	sdelay $0x2  }
0xb8: {  	s31 =	sshll.u32 s1, $0xD;
	s1 =	sshrl.u32 s1, $0x2  }
0xb9: {  	s3 =	sand.u32 $0x4000, s31;
	s1 =	sadd.s32 s1, s30  }
0xba: {  	s0 =	sor.u32 s3, s0;
	s1 =	sshll.u32 s1, $0x11  }
0xbb: {  	s0 =	sor.u32 s1, s0  }
0xbc: {  	s0 =	sadd.s32 $0x8F2B, s0  }
0xbd: {  	[sflag:s0] =	ssyncadd.remote.s32 $0x1  }
0xbe: {  	_ =	sfence.sel $0xFFFF  }
0xbf: {  	[dreg:$0x0] =	wrdreg $0xFFFFFFFF;
	(pc) =	sbr.abs _section_cstart, $3  }
0xc0: {  	[dreg:$0x1] =	wrdreg $0xFFFFFFFF  }
0xc1: {  	_ =	task.clear_ibuf [dreg:s7], $0x2FFFF;
	_ =	strace $0x9FFFFFFF  }
0xc2: {  	(tm) =	ssettm $0x7FFFFFFF  }
0xc3: {  	_ =	shalt  }
tec
execute0_lowered:
.L_overlay_start_1:
0x0: {  	(tag) =	ssettag $0x1  }
0x1: {  	s1 =	srdreg.scid;
	s2 =	rddreg [dreg:$0x0]  }
0x2: {  	s0 =	stileid.u32;
	s5 =	rddreg [dreg:$0x1];
	s6 =	simm.s32 $0x1  }
0x3: {  	s9 =	simm.s32 $0x1;
	s10 =	simm.s32 $0x3;
	s1 =	sshll.u32 s1, $0x8  }
0x4: {  	s13 =	simm.s32 $0x0;
	s3 =	sshll.u32 s0, $0x9;
	s4 =	sand.u32 $0x100, s1  }
0x5: {  	s12 =	simm.s32 $0x0;
	s1 =	rddreg [dreg:$0x2];
	s3 =	sor.u32 s3, s4  }
0x6: {  	_ =	strace $0x80000047;
	s4 =	sadd.s32 $0x600, s5;
	s8 =	ssub.s32 $0x4000, s3  }
.Ltmp0:
0x7: {  	s5 =	sadd.s32 $0x40E00, s5;
	s7 =	sand.u32 $0x1F00, s8;
	(pc) =	sbr.rel .LBB2_1-.Ltmp0, $4  }
0x8: {  	[sflag:s6] =	ssyncpa.u1 $0x0;
	s11 =	smov.u32 s3;
	p0 =	sne.s32 s7, $0x0  }
0x9: {  	s8 =	sshrl.u32 s8, $0xD;
	s7 =	simm.s32 $0x2;
	s9 =	simm.s32 @!p0 $0x0  }
0xa: {  	[sflag:s7] =	ssyncpa.u1 $0x0;
	p0 =	por $0x0, $0x0;
	s8 =	sadd.s32 s9, s8  }
0xb: {  	vm0 =	vmmov $0xffff;
	[sflag:s10] =	ssyncpa.u1 $0x0;
	s10 =	simm.s32 $0x0;
	s9 =	sadd.s32 $0x1, s8  }
.LBB2_4:
0xc: {  	v2 =	vnsel vm1, $0x0, v2  }
0xd: {  	vm1 =	vgt.s32 v0, $0x0;
	v2 =	vmin.u32 v2, $0x3FFF  }
0xe: {  	v0 =	vnsel vm1, $0x0, v0  }
0xf: {  	v0 =	vmin.u32 v0, $0x3FFF  }
0x10: {  	[tilespmem:s15], [sflag:$0x1] =	stream.indirect_vreg.gather [hbm4b:s2+s10], $0x1, v1, vm0, $0x4038;
	[tilespmem:$0x400] =	vst v63  }
0x11: {  	(ifvalue) =	ssetifvalue $0x7FFFFFFF  }
0x12: {  	[tilespmem:s16], [sflag:$0x1] =	stream.indirect_vreg.gather [hbm4b:s2+s10], $0x1, v2, vm0, $0x4038;
	[tilespmem:$0x400] =	vst v63  }
0x13: {  	s29 =	sadd.s32 $0x10, s16;
	(ifvalue) =	ssetifvalue $0x7FFFFFFF  }
0x14: {  	[tilespmem:s29], [sflag:$0x1] =	stream.indirect_vreg.gather [hbm4b:s2+s10], $0x1, v0, vm0, $0x4038;
	[tilespmem:$0x400] =	vst v63  }
0x15: {  	_ =	swait.ge [sflag:s6], $0x100  }
0x16: {  	s30 =	sshrl.u32 s13, $0x3;
	[sflag:s6] =	ssyncset.done $0x0  }
0x17: {  	s31 =	sand.u32 $0x7, s13;
	s15 =	sadd.s32 s5, s30;
	[sflag:s6] =	ssyncadd.s32 $0xFFFFFF00  }
0x18: {  	[hbm4b:s15+s31] =	stream.linear.scatter [tilespmem:s14], [sflag:$0x3], $0x100, $0x38;
	[tilespmem:$0x400] =	vst v63  }
.LBB2_5:
0x19: {  	s15 =	sadd.s32 $0x2000, s11  }
0x1a: {  	p2 =	sgt.s32 s15, $0x3FFF  }
0x1b: {  	s15 =	smov.u32 @p2 s3;
	p2 =	sne.s32 s12, s9  }
.Ltmp1:
0x1c: {  	p1 =	slt.u32 s12, $0x2;
	(pc) =	sbr.rel @!p2 .LBB2_6-.Ltmp1, $4  }
0x1d: {  	s14 =	simm.s32 @!p1 $0x3  }
0x1e: {  	s16 =	sadd.s32 $0x1, s12;
	_ =	swait.ge @!p1 [sflag:s14], $0x100  }
0x1f: {  	s13 =	smov.u32 s11;
	p0 =	por !p0, !p0;
	[sflag:s14] =	ssyncset.done @!p1 $0x0  }
0x20: {  	s12 =	smov.u32 s16;
	s11 =	smov.u32 s15;
	[sflag:s14] =	ssyncadd.s32 @!p1 $0xFFFFFF00  }
.LBB2_1:
0x21: {  	p1 =	sge.u32 s12, s8  }
0x22: {  	s14 =	sxor.u32 @!p1 $0xFFFFFFFF, s12  }
0x23: {  	s31 =	sadd.s32 $0xFFFFFFFF, s12;
	s15 =	sshrl.u32 @!p1 s11, $0x3;
	s14 =	sshll.u32 @!p1 s14, $0x8  }
0x24: {  	s16 =	sand.u32 @!p1 $0x7, s11;
	s15 =	sadd.s32 @!p1 s4, s15;
	s14 =	sand.u32 @!p1 $0x100, s14  }
0x25: {  	[tilespmem:s14], [sflag:$0x2] =	stream.linear.gather @!p1 [hbm4b:s15+s16], $0x100, $0x38;
	[tilespmem:$0x400] =	vst v63  }
0x26: {  	p1 =	sge.u32 s31, s8  }
.Ltmp2:
0x27: {  	_ = 	snop;
	(pc) =	sbr.rel @p1 .LBB2_5-.Ltmp2, $1  }
0x28: {  	_ =	sdelay $0x3  }
0x29: {  	s14 =	simm.s32 $0x1  }
0x2a: {  	_ =	swait.ge [sflag:s7], $0x100;
	s14 =	simm.s32 @!p0 $0x0  }
0x2b: {  	[sflag:s7] =	ssyncset.done $0x0;
	s14 =	sshll.u32 s14, $0x8  }
0x2c: {  	[sflag:s7] =	ssyncadd.s32 $0xFFFFFF00;
	(ifvalue) =	ssetifvalue $0x7FFFFFFF;
	v0 =	vld.msk [tilespmem:s14+$0x0 ss:$0x1], $0xffff;
	_ =	sdelay $0x4  }
0x2d: {  	s15 =	sadd.s32 $0x10, s14;
	vm1 =	vgt.s32 v0, $0x0  }
0x2e: {  	v2 =	vld.msk [tilespmem:s15+$0x0 ss:$0x1], $0xffff;
	v1 =	vnsel vm1, $0x0, v0  }
0x2f: {  	v1 =	vmin.u32 v1, $0x3FFF;
	_ =	sdelay $0x1  }
0x30: {  	s16 =	sshll.u32 s12, $0x8;
	s18 =	simm.s32 $0x20  }
0x31: {  	s16 =	sand.u32 $0x100, s16;
	s17 =	sadd.s32 $0x10, s15;
	s15 =	sor.u32 $0x200, s14  }
0x32: {  	s14 =	sor.u32 $0x200, s16;
	s16 =	sadd.s32 $0x10, s15;
	v0 =	vld.msk [tilespmem:s17+$0x0 ss:$0x1], $0xffff;
	vm1 =	vgt.s32 v2, $0x0;
	(ifvalue) =	ssetifvalue $0x7FFFFFFF  }
.LBB2_3:
0x33: {  	[tilespmem:s15], [sflag:$0x1] =	stream.indirect_vreg.gather [hbm4b:s2+s10], $0x1, v1, vm0, $0x4038;
	[tilespmem:$0x400] =	vst v63  }
0x34: {  	s18 =	sadd.s32 $0x10, s18  }
0x35: {  	v2 =	vnsel vm1, $0x0, v2;
	p1 =	slt.u32 s18, $0xF0  }
.Ltmp3:
0x36: {  	s15 =	smov.u32 s16;
	v1 =	vmin.u32 v2, $0x3FFF;
	(pc) =	sbr.rel @p1 .LBB2_3-.Ltmp3, $3  }
0x37: {  	_ =	sdelay $0x1  }
0x38: {  	s17 =	sadd.s32 $0x10, s17  }
0x39: {  	vm1 =	vgt.s32 v0, $0x0;
	s16 =	sadd.s32 $0x10, s16;
	v2 =	vmov v0;
	(ifvalue) =	ssetifvalue $0x7FFFFFFF;
	v0 =	vld.msk [tilespmem:s17+$0x0 ss:$0x1], $0xffff  }
.Ltmp4:
0x3a: {  	_ = 	snop;
	(pc) =	sbr.rel .LBB2_4-.Ltmp4, $1  }
0x3b: {  	_ =	sdelay $0x3  }
.LBB2_6:
0x3c: {  	_ =	sfence.sel $0x180000  }
0x3d: {  	s2 =	simm.s32 $0x2;
	[bflag:$0x0] =	sbarrier.arrive $0xFFFF  }
0x3e: {  	s30 =	simm.s32 $0x3;
	[sflag:s2] =	ssyncpa.u1 $0x1  }
0x3f: {  	s31 =	simm.s32 $0x1;
	[sflag:s30] =	ssyncpa.u1 $0x1  }
0x40: {  	[sflag:s31] =	ssyncpa.u1 $0x1  }
0x41: {  	p0 =	sne.s32 s0, $0x0;
	_ =	strace $0x90000047  }
0x42: {  	s0 =	sadd.s32 @!p0 $0x100000, s1;
	[bflag:$0x2] =	sbarrier.arrive $0xFFFF  }
0x43: {  	[sflag:s0] =	ssyncadd.tile.s32 @!p0 $0x1;
	_ =	shalt  }
.Lfunc_end2:
_tile_overlayer_lowered:
.L_overlay_start_2:
0x44: {  	(tag) =	ssettag $0x2  }
0x45: {  	s0 =	rddreg [dreg:$0x0];
	s2 =	stileid.u32  }
0x46: {  	s1 =	rddreg [dreg:$0x1];
	p0 =	sne.s32 s2, $0x0  }
0x47: {  	s3 =	rddreg [dreg:$0x2];
	[bflag:$0x3] =	sbarrier.arrive $0xFFFF;
	s2 =	simm.s32 @!p0 $0x1C01  }
0x48: {  	[timem:s3], [sflag:s2] =	dma.local @!p0 [hbm:s0], s1  }
0x49: {  	s0 =	simm.s32 @!p0 $0x1  }
0x4a: {  	_ =	swait.ge @!p0 [sflag:s0], s1  }
0x4b: {  	s1 =	ssub.s32 @!p0 $0x0, s1;
	[sflag:s0] =	ssyncset.done @!p0 $0x0  }
0x4c: {  	[sflag:s0] =	ssyncadd.s32 @!p0 s1  }
0x4d: {  	[bflag:$0x3] =	sbarrier.arrive $0xFFFF  }
0x4e: {  	_ =	shalt  }

// kernel: gather_offload_async_start
scs
__scs_entry_jumppad:
0x0: {  	(pc) =	sbr.rel $0x88, $3  }
0x1: {  	(tag) =	ssettag $0x0;
	lr =	simm.s32 $0x1  }
0x2: {  	[smem:$0x3F9C] =	sst lr;
	_ =	strace $0xD0000000  }
0x3: {  	_ = 	snop  }
0x4: {  	_ = 	snop  }
0x5: {  	_ = 	snop  }
0x6: {  	_ = 	snop  }
0x7: {  	_ = 	snop  }
__scs_overlays_trampoline_lowered:
0x8: {  	[smem:$0x3FAB] =	sst s0  }
0x9: {  	[smem:$0x3FAC] =	sst s1  }
0xa: {  	[smem:$0x3FAD] =	sst s2  }
0xb: {  	[smem:$0x3FAE] =	sst s3  }
0xc: {  	[smem:$0x3FAF] =	sst s4  }
0xd: {  	[smem:$0x3FB0] =	sst s5  }
0xe: {  	[smem:$0x3FB1] =	sst s6  }
0xf: {  	[smem:$0x3FB2] =	sst s7  }
0x10: {  	[smem:$0x3FB3] =	sst s8  }
0x11: {  	[smem:$0x3FB4] =	sst s9;
	s0 =	simm.s32 @!p0 $0x0  }
0x12: {  	s1 =	sld [smem:$0x3F9A];
	s0 =	simm.s32 @p0 $0x1  }
0x13: {  	[smem:$0x3FB5] =	sst s0;
	s0 =	simm.s32 @!p1 $0x0  }
0x14: {  	s2 =	sld [smem:$0x3F99];
	s0 =	simm.s32 @p1 $0x1  }
0x15: {  	[smem:$0x3FB6] =	sst s0;
	s0 =	simm.s32 @!p2 $0x0  }
0x16: {  	s3 =	sld [smem:$0x3FDB];
	s0 =	simm.s32 @p2 $0x1  }
0x17: {  	s4 =	simm.s32 $0x1BF5;
	[smem:$0x3FB8] =	sst s0  }
0x18: {  	s0 =	sld [smem:$0x3F9B];
	_ =	swait.ge [sflag:s4], $0x0  }
0x19: {  	s7 =	sld [smem:$0x3F9C]  }
0x1a: {  	s8 =	sadd.s32 $0xFFFFE003, lr  }
0x1b: {  	s9 =	sadd.s32 $0xFFFFFEF7, lr;
	s5 =	simm.s32 $0xFFFFFFFF;
	p2 =	slt.u32 s8, $0xFFFFF086  }
0x1c: {  	p1 =	slt.u32 s9, $0xF7A;
	s5 =	simm.s32 @!p2 $0x0  }
0x1d: {  	s5 =	simm.s32 @p1 $0x1;
	p0 =	seq.s32 s7, s2  }
0x1e: {  	s7 =	smul.u32 @!p0 $0xF7A, s2;
	p2 =	seq.s32 @!p0 s5, $0x0  }
0x1f: {  	s9 =	smul.u32 $0xF7A, s1;
	s8 =	simm.s32 @!p0 $0x1BF5;
	p2 =	por !p2, p0  }
0x20: {  	[sflag:s8] =	ssyncset.s32 @!p0 $0xFFFFF086;
	s6 =	sadd.s32 @!p0 s3, s7;
	s7 =	simm.s32 @!p0 $0x108  }
0x21: {  	s3 =	sadd.s32 s3, s9;
	s6 =	sadd.s32 @!p0 $0x88, s6;
	s7 =	simm.s32 @p2 $0x1082  }
0x22: {  	[simem:s7], [sflag:s8] =	dma.local @!p0 [hbm:s6], $0xF7A  }
0x23: {  	s9 =	sor.u32 $0xD0000000, s2;
	s6 =	simm.s32 $0x108;
	_ =	swait.ge @!p0 [sflag:s8], $0x0  }
0x24: {  	s3 =	sadd.s32 $0x88, s3;
	s6 =	simm.s32 @!p1 $0x1082;
	[sflag:s4] =	ssyncset.s32 $0xFFFFF086  }
0x25: {  	[simem:s6], [sflag:s4] =	dma.local [hbm:s3], $0xF7A  }
0x26: {  	[smem:$0x3F9C] =	sst s1;
	(tag) =	ssettag s2;
	_ =	strace s9  }
0x27: {  	s1 =	sld [smem:$0x3FAC]  }
0x28: {  	s2 =	sld [smem:$0x3FAD]  }
0x29: {  	s4 =	sld [smem:$0x3FAF]  }
0x2a: {  	p0 =	seq.s32 s5, $0x0;
	s5 =	sld [smem:$0x3FB0]  }
0x2b: {  	s6 =	sld [smem:$0x3FB1]  }
0x2c: {  	s7 =	sld [smem:$0x3FB2]  }
0x2d: {  	s3 =	simm.s32 $0x108;
	s8 =	sld [smem:$0x3FB3]  }
0x2e: {  	s3 =	simm.s32 @!p0 $0x1082;
	s9 =	sld [smem:$0x3FB4]  }
0x2f: {  	lr =	sadd.s32 s0, s3;
	s0 =	sld [smem:$0x3FAB]  }
0x30: {  	s3 =	sld [smem:$0x3FAE]  }
0x31: {  	[smem:$0x3FB7] =	sst s10  }
0x32: {  	s10 =	sld [smem:$0x3FB5];
	_ =	sdelay $0x3  }
0x33: {  	p0 =	seq.s32 s10, $0x1;
	s10 =	sld [smem:$0x3FB7];
	_ =	sdelay $0x3  }
0x34: {  	[smem:$0x3FB7] =	sst s10  }
0x35: {  	s10 =	sld [smem:$0x3FB6];
	_ =	sdelay $0x3  }
0x36: {  	p1 =	seq.s32 s10, $0x1;
	s10 =	sld [smem:$0x3FB7];
	_ =	sdelay $0x3  }
0x37: {  	[smem:$0x3FB7] =	sst s10  }
0x38: {  	s10 =	sld [smem:$0x3FB8]  }
0x39: {  	_ = 	snop;
	(pc) =	sbr.ind lr, $3  }
0x3a: {  	_ = 	snop  }
0x3b: {  	_ = 	snop  }
0x3c: {  	p2 =	seq.s32 s10, $0x1;
	s10 =	sld [smem:$0x3FB7]  }
0x3d: {  	_ =	shalt  }
0x3e: {  	_ =	shalt  }
0x3f: {  	_ =	shalt  }
0x40: {  	_ =	shalt  }
0x41: {  	_ =	shalt  }
0x42: {  	_ =	shalt  }
0x43: {  	_ =	shalt  }
0x44: {  	_ =	shalt  }
0x45: {  	_ =	shalt  }
0x46: {  	_ =	shalt  }
0x47: {  	_ =	shalt  }
0x48: {  	_ =	shalt  }
0x49: {  	_ =	shalt  }
0x4a: {  	_ =	shalt  }
0x4b: {  	_ =	shalt  }
0x4c: {  	_ =	shalt  }
0x4d: {  	_ =	shalt  }
0x4e: {  	_ =	shalt  }
0x4f: {  	_ =	shalt  }
0x50: {  	_ =	shalt  }
0x51: {  	_ =	shalt  }
0x52: {  	_ =	shalt  }
0x53: {  	_ =	shalt  }
0x54: {  	_ =	shalt  }
0x55: {  	_ =	shalt  }
0x56: {  	_ =	shalt  }
0x57: {  	_ =	shalt  }
0x58: {  	_ =	shalt  }
0x59: {  	_ =	shalt  }
0x5a: {  	_ =	shalt  }
0x5b: {  	_ =	shalt  }
0x5c: {  	_ =	shalt  }
0x5d: {  	_ =	shalt  }
0x5e: {  	_ =	shalt  }
0x5f: {  	_ =	shalt  }
0x60: {  	_ =	shalt  }
0x61: {  	_ =	shalt  }
0x62: {  	_ =	shalt  }
0x63: {  	_ =	shalt  }
0x64: {  	_ =	shalt  }
0x65: {  	_ =	shalt  }
0x66: {  	_ =	shalt  }
0x67: {  	_ =	shalt  }
0x68: {  	_ =	shalt  }
0x69: {  	_ =	shalt  }
0x6a: {  	_ =	shalt  }
0x6b: {  	_ =	shalt  }
0x6c: {  	_ =	shalt  }
0x6d: {  	_ =	shalt  }
0x6e: {  	_ =	shalt  }
0x6f: {  	_ =	shalt  }
0x70: {  	_ =	shalt  }
0x71: {  	_ =	shalt  }
0x72: {  	_ =	shalt  }
0x73: {  	_ =	shalt  }
0x74: {  	_ =	shalt  }
0x75: {  	_ =	shalt  }
0x76: {  	_ =	shalt  }
0x77: {  	_ =	shalt  }
0x78: {  	_ =	shalt  }
0x79: {  	_ =	shalt  }
0x7a: {  	_ =	shalt  }
0x7b: {  	_ =	shalt  }
0x7c: {  	_ =	shalt  }
0x7d: {  	_ =	shalt  }
0x7e: {  	_ =	shalt  }
0x7f: {  	_ =	shalt  }
0x80: {  	_ =	shalt  }
0x81: {  	_ =	shalt  }
0x82: {  	_ =	shalt  }
0x83: {  	_ =	shalt  }
0x84: {  	_ =	shalt  }
0x85: {  	_ =	shalt  }
0x86: {  	_ =	shalt  }
0x87: {  	_ =	shalt  }
.Lfunc_end0:
.L_simem_size_0:
called_computation_lowered:
.L_overlay_start_0:
0x88: {  	s2 =	sld [smem:$0x3FD9]  }
0x89: {  	s3 =	sld [smem:$0x3FFE];
	_ =	sdelay $0x1  }
0x8a: {  	s1 =	srdreg.scid  }
0x8b: {  	s0 =	sand.u32 $0x1, s1  }
0x8c: {  	s15 =	sshll.u32 s0, $0xA;
	s2 =	sadd.s32 s3, s2  }
0x8d: {  	s2 =	sadd.s32 s2, s15  }
0x8e: {  	[smem:$0x3FC3] =	sst s2  }
0x8f: {  	_ = 	snop  }
0x90: {  	s2 =	sld [smem:$0x3FD0];
	_ =	sdelay $0x2  }
0x91: {  	s16 =	simm.s32 $0xB;
	s4 =	simm.s32 $0x10  }
0x92: {  	[smem:s4], [sflag:s16] =	dma.local [hbm:s2], $0x1  }
0x93: {  	_ =	swait.eq [sflag:s16], $0x1  }
0x94: {  	[sflag:s16] =	ssyncset.done $0x0  }
0x95: {  	[sflag:s16] =	ssyncadd.s32 $0xFFFFFFFF  }
0x96: {  	s17 =	sld [smem:$0x10];
	(tm) =	ssettm $0x1  }
0x97: {  	s18 =	sld [smem:$0x3FFB];
	_ =	sdelay $0x3  }
0x98: {  	_ =	strace s18  }
0x99: {  	s2 =	sld [smem:$0x3FFC];
	_ =	sdelay $0x3  }
0x9a: {  	_ =	strace s2  }
0x9b: {  	s2 =	sld [smem:$0x3FFD];
	_ =	sdelay $0x3  }
0x9c: {  	_ =	strace s2  }
0x9d: {  	_ =	strace $0x8FFFFFFF  }
0x9e: {  	s19 =	sld [smem:$0x3FDB];
	_ =	sdelay $0x1  }
0x9f: {  	s20 =	simm.s32 $_scs_section_size  }
0xa0: {  	s5 =	simm.s32 $_size__tile_overlayer_lowered;
	s6 =	simm.s32 $_tile_overlayer_lowered  }
0xa1: {  	s7 =	simm.s32 $0x1BFF;
	s21 =	sshll.u32 s6, $0x1;
	s4 =	sadd.s32 s20, s19  }
0xa2: {  	s22 =	simm.s32 $0x0;
	s5 =	sshll.u32 s5, $0x1;
	s6 =	sadd.s32 s21, s4  }
0xa3: {  	[timem:s22], [sflag:s7] =	dma.local [hbm:s6], s5  }
0xa4: {  	_ =	swait.ge [sflag:s7], s5  }
0xa5: {  	s5 =	ssub.s32 $0x0, s5;
	[sflag:s7] =	ssyncset.done $0x0  }
0xa6: {  	[sflag:s7] =	ssyncadd.s32 s5;
	_ =	sdelay $0x1  }
0xa7: {  	s23 =	simm.s32 $0x1B8B  }
0xa8: {  	_ =	swait.ge [sflag:s23], $0x1  }
0xa9: {  	[sflag:s23] =	ssyncset.done $0x0  }
0xaa: {  	[sflag:s23] =	ssyncadd.s32 $0xFFFFFFFF  }
0xab: {  	s5 =	sld [smem:$0x0]  }
0xac: {  	s6 =	sand.u32 $0xFFFFFFFE, s1  }
0xad: {  	p0 =	sne.s32 s1, s6  }
0xae: {  	s6 =	sshll.u32 @p0 s6, $0xE  }
0xaf: {  	s6 =	sadd.s32 @p0 $0x11B8D, s6;
	s7 =	sshll.u32 @p0 s5, $0x11  }
0xb0: {  	s6 =	sor.u32 @p0 s7, s6  }
0xb1: {  	[sflag:s6] =	ssyncadd.remote.s32 @p0 $0x1;
	_ =	sdelay $0x1  }
0xb2: {  	s6 =	simm.s32 @p0 $0x1B8D  }
0xb3: {  	_ =	swait.eq @p0 [sflag:s6], $0x1  }
0xb4: {  	[sflag:s6] =	ssyncadd.s32 @p0 $0xFFFFFFFF  }
0xb5: {  	s7 =	sshll.u32 @!p0 s1, $0xE  }
0xb6: {  	s7 =	sor.u32 @!p0 $0x4000, s7;
	s6 =	simm.s32 @!p0 $0x1B8D  }
0xb7: {  	s5 =	sshll.u32 @!p0 s5, $0x11;
	s7 =	sadd.s32 @!p0 $0x11B8D, s7;
	_ =	swait.eq @!p0 [sflag:s6], $0x1  }
0xb8: {  	s5 =	sor.u32 @!p0 s5, s7;
	[sflag:s6] =	ssyncadd.s32 @!p0 $0xFFFFFFFF  }
0xb9: {  	s25 =	simm.s32 $0x1B8E;
	s24 =	sld [smem:$0x3FFE];
	[sflag:s5] =	ssyncadd.remote.s32 @!p0 $0x1  }
0xba: {  	s26 =	simm.s32 $execute0_lowered;
	[smem:$0x3FD2] =	sst s25  }
0xbb: {  	s6 =	sshll.u32 s26, $0x1;
	_ =	strace $0x80000049;
	[dreg:$0x1] =	wrdreg $0xFFFFFFFF  }
0xbc: {  	s28 =	simm.s32 $_size_execute0_lowered;
	s4 =	sadd.s32 s4, s6;
	[dreg:$0x0] =	wrdreg $0x0  }
0xbd: {  	s6 =	sshll.u32 s28, $0x1;
	[dreg:$0x2] =	wrdreg s4  }
0xbe: {  	[dreg:$0x3] =	wrdreg s6  }
0xbf: {  	[dreg:$0x4] =	wrdreg $0xC0  }
0xc0: {  	_ =	task [dreg:s22], $0x5FFFF  }
0xc1: {  	[dreg:$0x1] =	wrdreg $0xFFFFFFFF  }
0xc2: {  	[dreg:$0x0] =	wrdreg $0x60  }
0xc3: {  	[dreg:$0x2] =	wrdreg s24  }
0xc4: {  	[dreg:$0x3] =	wrdreg s17  }
0xc5: {  	[dreg:$0x4] =	wrdreg $0x9  }
0xc6: {  	_ =	task.clear_ibuf [dreg:s22], $0x5FFFF;
	_ =	strace $0x90000049  }
0xc7: {  	s29 =	simm.s32 $0x9;
	_ =	strace $0x8000004B  }
0xc8: {  	_ =	swait.ge [sflag:s29], $0x1  }
0xc9: {  	[sflag:s29] =	ssyncadd.s32 $0xFFFFFFFF  }
0xca: {  	_ =	strace $0x9000004B  }
0xcb: {  	_ =	sfence  }
0xcc: {  	s30 =	sld [smem:$0x0];
	_ =	sdelay $0x2  }
0xcd: {  	s31 =	sshll.u32 s1, $0xD;
	s1 =	sshrl.u32 s1, $0x2  }
0xce: {  	s4 =	sand.u32 $0x4000, s31;
	s1 =	sadd.s32 s1, s30  }
0xcf: {  	s0 =	sor.u32 s4, s0;
	s1 =	sshll.u32 s1, $0x11  }
0xd0: {  	s0 =	sor.u32 s1, s0  }
0xd1: {  	s0 =	sadd.s32 $0x8F2B, s0  }
0xd2: {  	[sflag:s0] =	ssyncadd.remote.s32 $0x1  }
0xd3: {  	_ =	sfence.sel $0xFFFF  }
0xd4: {  	[dreg:$0x0] =	wrdreg $0xFFFFFFFF;
	(pc) =	sbr.abs _section_cstart, $3  }
0xd5: {  	[dreg:$0x1] =	wrdreg $0xFFFFFFFF  }
0xd6: {  	_ =	task.clear_ibuf [dreg:s22], $0x2FFFF;
	_ =	strace $0x9FFFFFFF  }
0xd7: {  	(tm) =	ssettm $0x7FFFFFFF  }
tec
execute0_lowered:
.L_overlay_start_1:
0x0: {  	(tag) =	ssettag $0x1  }
0x1: {  	s7 =	rddreg [dreg:$0x0]  }
0x2: {  	s2 =	rddreg [dreg:$0x1]  }
0x3: {  	s0 =	rddreg [dreg:$0x2]  }
0x4: {  	s1 =	srdreg.scid;
	_ =	strace $0x8000004A;
	s4 =	simm.s32 $0x1  }
0x5: {  	s9 =	simm.s32 $0x3;
	s11 =	simm.s32 $0x0;
	s5 =	sshll.u32 s1, $0x4  }
.Ltmp0:
0x6: {  	s1 =	stileid.u32;
	s5 =	sand.u32 $0x10, s5;
	(pc) =	sbr.rel .LBB2_1-.Ltmp0, $4  }
0x7: {  	p0 =	por $0x0, $0x0;
	s3 =	sadd.s32 $0xE00, s7;
	s6 =	sor.u32 s1, s5  }
0x8: {  	[sflag:s4] =	ssyncpa.u1 $0x0;
	s5 =	simm.s32 $0x2;
	s6 =	sshll.u32 s6, $0x9  }
0x9: {  	s7 =	sadd.s32 $0x600, s7;
	[sflag:s5] =	ssyncpa.u1 $0x0;
	s8 =	sadd.s32 $0x200, s6  }
0xa: {  	vm0 =	vmmov $0xff;
	vm1 =	vcmask $0x3F20;
	[sflag:s9] =	ssyncpa.u1 $0x0;
	s10 =	smov.u32 s6;
	s9 =	simm.s32 $0x0  }
.LBB2_7:
0xb: {  	p1 =	slt.u32 s9, $0x2;
	s11 =	sadd.s32 $0x100, s10  }
0xc: {  	s13 =	smov.u32 s6;
	s9 =	sadd.s32 $0x1, s9;
	p2 =	slt.s32 s11, s8  }
0xd: {  	s13 =	smov.u32 @p2 s11;
	p2 =	sne.s32 s9, $0x4  }
.Ltmp1:
0xe: {  	_ = 	snop;
	(pc) =	sbr.rel @!p2 .LBB2_8-.Ltmp1, $4  }
0xf: {  	s12 =	simm.s32 @!p1 $0x3  }
0x10: {  	_ =	swait.ge @!p1 [sflag:s12], $0x8000  }
0x11: {  	p0 =	por !p0, !p0;
	[sflag:s12] =	ssyncset.done @!p1 $0x0  }
0x12: {  	s11 =	smov.u32 s10;
	s10 =	smov.u32 s13;
	[sflag:s12] =	ssyncadd.s32 @!p1 $0xFFFF8000  }
.LBB2_1:
0x13: {  	p1 =	sgt.u32 s9, $0x1  }
0x14: {  	s12 =	sshll.u32 @!p1 s9, $0x8;
	s13 =	sshrl.u32 @!p1 s10, $0x3  }
0x15: {  	s14 =	sand.u32 @!p1 $0x7, s10;
	s12 =	sxor.u32 @!p1 $0x100, s12;
	s13 =	sadd.s32 @!p1 s7, s13  }
0x16: {  	[tilespmem:s12], [sflag:$0x2] =	stream.linear.gather @!p1 [hbm4b:s13+s14], $0x100, $0x38;
	[tilespmem:$0x10200] =	vst v63  }
0x17: {  	p1 =	seq.s32 s9, $0x0  }
0x18: {  	p2 =	seq.s32 @!p1 s9, $0x3  }
0x19: {  	p1 =	por p1, p2  }
.Ltmp2:
0x1a: {  	_ = 	snop;
	(pc) =	sbr.rel @p1 .LBB2_7-.Ltmp2, $1  }
0x1b: {  	_ =	sdelay $0x3  }
0x1c: {  	s12 =	simm.s32 $0x1  }
0x1d: {  	_ =	swait.ge [sflag:s5], $0x100;
	s12 =	simm.s32 @!p0 $0x0  }
0x1e: {  	[sflag:s5] =	ssyncset.done $0x0;
	s14 =	sshll.u32 s12, $0x8  }
0x1f: {  	[sflag:s5] =	ssyncadd.s32 $0xFFFFFF00;
	s13 =	sadd.s32 $0x0, s14  }
0x20: {  	v0 =	vld.msk [tilespmem:s13+$0x0 ss:$0x1], $0xffff;
	_ =	sdelay $0x4  }
0x21: {  	vm2 =	vgt.s32 v0, $0x0  }
0x22: {  	v0 =	vnsel vm2, $0x0, v0  }
0x23: {  	v0 =	vmin.u32 v0, $0x3FFF  }
0x24: {  	v0 =	vshll.u32 v0, $0x4;
	_ =	sdelay $0x2  }
0x25: {  	s12 =	sshll.u32 s12, $0xF  }
0x26: {  	s12 =	sor.u32 $0x200, s12  }
0x27: {  	[tilespmem:s12], [sflag:$0x1] =	stream.indirect_vreg.gather [hbm:s3], $0x80, v0, vm0, $0x38;
	[tilespmem:$0x10200] =	vst v63  }
0x28: {  	s15 =	sadd.s32 $0x10, s14;
	s13 =	sadd.s32 $0x400, s12  }
0x29: {  	[tilespmem:s13], [sflag:$0x1] =	stream.indirect_vreg.gather [hbm:s3], $0x80, v0, vm1, $0x38;
	[tilespmem:$0x10200] =	vst v63  }
0x2a: {  	s16 =	simm.s32 $0x80;
	v0 =	vld.msk [tilespmem:s15+$0x0 ss:$0x1], $0xffff;
	s15 =	smov.u32 s12  }
.LBB2_3:
0x2b: {  	p1 =	sne.s32 s16, $0x3C0;
	_ =	sdelay $0x4  }
0x2c: {  	vm2 =	vgt.s32 v0, $0x0  }
0x2d: {  	v0 =	vnsel vm2, $0x0, v0  }
0x2e: {  	v0 =	vmin.u32 v0, $0x3FFF  }
0x2f: {  	v0 =	vshll.u32 v0, $0x4;
	_ =	sdelay $0x3  }
.Ltmp3:
0x30: {  	s17 =	sshra.s32 s16, $0x2;
	s15 =	sadd.s32 $0x800, s15;
	(pc) =	sbr.rel @p1 .LBB2_3-.Ltmp3, $4  }
0x31: {  	[tilespmem:s15], [sflag:$0x1] =	stream.indirect_vreg.gather [hbm:s3], $0x80, v0, vm0, $0x38;
	[tilespmem:$0x10200] =	vst v63  }
0x32: {  	s17 =	sadd.s32 s17, s14;
	s18 =	sadd.s32 $0x400, s15  }
0x33: {  	[tilespmem:s18], [sflag:$0x1] =	stream.indirect_vreg.gather [hbm:s3], $0x80, v0, vm1, $0x38;
	[tilespmem:$0x10200] =	vst v63  }
0x34: {  	s16 =	sadd.s32 $0x40, s16;
	v0 =	vld.msk [tilespmem:s17+$0x0 ss:$0x1], $0xffff  }
0x35: {  	_ =	sdelay $0x3  }
0x36: {  	vm2 =	vgt.s32 v0, $0x0  }
0x37: {  	v0 =	vnsel vm2, $0x0, v0  }
0x38: {  	v0 =	vmin.u32 v0, $0x3FFF  }
0x39: {  	v0 =	vshll.u32 v0, $0x4;
	_ =	sdelay $0x3  }
0x3a: {  	s14 =	sadd.s32 $0x800, s15  }
0x3b: {  	[tilespmem:s14], [sflag:$0x1] =	stream.indirect_vreg.gather [hbm:s3], $0x80, v0, vm0, $0x38;
	[tilespmem:$0x10200] =	vst v63  }
0x3c: {  	s14 =	sadd.s32 $0x400, s14  }
0x3d: {  	[tilespmem:s14], [sflag:$0x1] =	stream.indirect_vreg.gather [hbm:s3], $0x80, v0, vm1, $0x38;
	[tilespmem:$0x10200] =	vst v63  }
0x3e: {  	s11 =	sshll.u32 s11, $0x4;
	_ =	swait.ge [sflag:s4], $0x8000  }
0x3f: {  	s11 =	sadd.s32 s11, s2;
	[sflag:s4] =	ssyncset.done $0x0  }
0x40: {  	s15 =	sadd.s32 $0x0, s11;
	s14 =	simm.s32 $0x80;
	[sflag:s4] =	ssyncadd.s32 $0xFFFF8000  }
.LBB2_5:
0x41: {  	[hbm:s15] =	stream.linear.scatter [tilespmem:s12], [sflag:$0x3], $0x400, $0x38;
	[tilespmem:$0x10200] =	vst v63  }
0x42: {  	s15 =	smov.u32 s14;
	s12 =	smov.u32 s13;
	p1 =	sne.s32 s14, $0xF80  }
.Ltmp4:
0x43: {  	s14 =	sadd.s32 $0x80, s14;
	(pc) =	sbr.rel @p1 .LBB2_5-.Ltmp4, $2  }
0x44: {  	_ =	sdelay $0x2  }
0x45: {  	s13 =	sadd.s32 $0x400, s13;
	s15 =	sadd.s32 s15, s11  }
.Ltmp5:
0x46: {  	(pc) =	sbr.rel .LBB2_7-.Ltmp5, $2  }
0x47: {  	_ =	sdelay $0x2  }
0x48: {  	[hbm:s15] =	stream.linear.scatter [tilespmem:s12], [sflag:$0x3], $0x400, $0x38;
	[tilespmem:$0x10200] =	vst v63  }
.LBB2_8:
0x49: {  	_ =	sfence.sel $0x180000  }
0x4a: {  	s2 =	simm.s32 $0x2;
	[bflag:$0x0] =	sbarrier.arrive $0xFFFF  }
0x4b: {  	s30 =	simm.s32 $0x3;
	[sflag:s2] =	ssyncpa.u1 $0x1  }
0x4c: {  	s31 =	simm.s32 $0x1;
	[sflag:s30] =	ssyncpa.u1 $0x1  }
0x4d: {  	[sflag:s31] =	ssyncpa.u1 $0x1  }
0x4e: {  	p0 =	sne.s32 s1, $0x0;
	_ =	strace $0x9000004A  }
0x4f: {  	s0 =	sadd.s32 @!p0 $0x100000, s0;
	[bflag:$0x2] =	sbarrier.arrive $0xFFFF  }
0x50: {  	[sflag:s0] =	ssyncadd.tile.s32 @!p0 $0x1;
	_ =	shalt  }
.Lfunc_end2:
_tile_overlayer_lowered:
.L_overlay_start_2:
0x51: {  	(tag) =	ssettag $0x2  }
0x52: {  	s0 =	rddreg [dreg:$0x0];
	s2 =	stileid.u32  }
0x53: {  	s1 =	rddreg [dreg:$0x1];
	p0 =	sne.s32 s2, $0x0  }
0x54: {  	s3 =	rddreg [dreg:$0x2];
	[bflag:$0x3] =	sbarrier.arrive $0xFFFF;
	s2 =	simm.s32 @!p0 $0x1C01  }
0x55: {  	[timem:s3], [sflag:s2] =	dma.local @!p0 [hbm:s0], s1  }
0x56: {  	s0 =	simm.s32 @!p0 $0x1  }
0x57: {  	_ =	swait.ge @!p0 [sflag:s0], s1  }
0x58: {  	s1 =	ssub.s32 @!p0 $0x0, s1;
	[sflag:s0] =	ssyncset.done @!p0 $0x0  }
0x59: {  	[sflag:s0] =	ssyncadd.s32 @!p0 s1  }
0x5a: {  	[bflag:$0x3] =	sbarrier.arrive $0xFFFF  }
0x5b: {  	_ =	shalt  }

// kernel: tracker_scatter_mem.3.cloned.1.call-start
scs
__scs_entry_jumppad:
0x0: {  	(pc) =	sbr.rel $0x88, $3  }
0x1: {  	(tag) =	ssettag $0x0;
	lr =	simm.s32 $0x1  }
0x2: {  	[smem:$0x3F9C] =	sst lr;
	_ =	strace $0xD0000000  }
0x3: {  	_ = 	snop  }
0x4: {  	_ = 	snop  }
0x5: {  	_ = 	snop  }
0x6: {  	_ = 	snop  }
0x7: {  	_ = 	snop  }
__scs_overlays_trampoline_lowered:
0x8: {  	[smem:$0x3FAB] =	sst s0  }
0x9: {  	[smem:$0x3FAC] =	sst s1  }
0xa: {  	[smem:$0x3FAD] =	sst s2  }
0xb: {  	[smem:$0x3FAE] =	sst s3  }
0xc: {  	[smem:$0x3FAF] =	sst s4  }
0xd: {  	[smem:$0x3FB0] =	sst s5  }
0xe: {  	[smem:$0x3FB1] =	sst s6  }
0xf: {  	[smem:$0x3FB2] =	sst s7  }
0x10: {  	[smem:$0x3FB3] =	sst s8  }
0x11: {  	[smem:$0x3FB4] =	sst s9;
	s0 =	simm.s32 @!p0 $0x0  }
0x12: {  	s1 =	sld [smem:$0x3F9A];
	s0 =	simm.s32 @p0 $0x1  }
0x13: {  	[smem:$0x3FB5] =	sst s0;
	s0 =	simm.s32 @!p1 $0x0  }
0x14: {  	s2 =	sld [smem:$0x3F99];
	s0 =	simm.s32 @p1 $0x1  }
0x15: {  	[smem:$0x3FB6] =	sst s0;
	s0 =	simm.s32 @!p2 $0x0  }
0x16: {  	s3 =	sld [smem:$0x3FDB];
	s0 =	simm.s32 @p2 $0x1  }
0x17: {  	s4 =	simm.s32 $0x1BF5;
	[smem:$0x3FB8] =	sst s0  }
0x18: {  	s0 =	sld [smem:$0x3F9B];
	_ =	swait.ge [sflag:s4], $0x0  }
0x19: {  	s7 =	sld [smem:$0x3F9C]  }
0x1a: {  	s8 =	sadd.s32 $0xFFFFE003, lr  }
0x1b: {  	s9 =	sadd.s32 $0xFFFFFEF7, lr;
	s5 =	simm.s32 $0xFFFFFFFF;
	p2 =	slt.u32 s8, $0xFFFFF086  }
0x1c: {  	p1 =	slt.u32 s9, $0xF7A;
	s5 =	simm.s32 @!p2 $0x0  }
0x1d: {  	s5 =	simm.s32 @p1 $0x1;
	p0 =	seq.s32 s7, s2  }
0x1e: {  	s7 =	smul.u32 @!p0 $0xF7A, s2;
	p2 =	seq.s32 @!p0 s5, $0x0  }
0x1f: {  	s9 =	smul.u32 $0xF7A, s1;
	s8 =	simm.s32 @!p0 $0x1BF5;
	p2 =	por !p2, p0  }
0x20: {  	[sflag:s8] =	ssyncset.s32 @!p0 $0xFFFFF086;
	s6 =	sadd.s32 @!p0 s3, s7;
	s7 =	simm.s32 @!p0 $0x108  }
0x21: {  	s3 =	sadd.s32 s3, s9;
	s6 =	sadd.s32 @!p0 $0x88, s6;
	s7 =	simm.s32 @p2 $0x1082  }
0x22: {  	[simem:s7], [sflag:s8] =	dma.local @!p0 [hbm:s6], $0xF7A  }
0x23: {  	s9 =	sor.u32 $0xD0000000, s2;
	s6 =	simm.s32 $0x108;
	_ =	swait.ge @!p0 [sflag:s8], $0x0  }
0x24: {  	s3 =	sadd.s32 $0x88, s3;
	s6 =	simm.s32 @!p1 $0x1082;
	[sflag:s4] =	ssyncset.s32 $0xFFFFF086  }
0x25: {  	[simem:s6], [sflag:s4] =	dma.local [hbm:s3], $0xF7A  }
0x26: {  	[smem:$0x3F9C] =	sst s1;
	(tag) =	ssettag s2;
	_ =	strace s9  }
0x27: {  	s1 =	sld [smem:$0x3FAC]  }
0x28: {  	s2 =	sld [smem:$0x3FAD]  }
0x29: {  	s4 =	sld [smem:$0x3FAF]  }
0x2a: {  	p0 =	seq.s32 s5, $0x0;
	s5 =	sld [smem:$0x3FB0]  }
0x2b: {  	s6 =	sld [smem:$0x3FB1]  }
0x2c: {  	s7 =	sld [smem:$0x3FB2]  }
0x2d: {  	s3 =	simm.s32 $0x108;
	s8 =	sld [smem:$0x3FB3]  }
0x2e: {  	s3 =	simm.s32 @!p0 $0x1082;
	s9 =	sld [smem:$0x3FB4]  }
0x2f: {  	lr =	sadd.s32 s0, s3;
	s0 =	sld [smem:$0x3FAB]  }
0x30: {  	s3 =	sld [smem:$0x3FAE]  }
0x31: {  	[smem:$0x3FB7] =	sst s10  }
0x32: {  	s10 =	sld [smem:$0x3FB5];
	_ =	sdelay $0x3  }
0x33: {  	p0 =	seq.s32 s10, $0x1;
	s10 =	sld [smem:$0x3FB7];
	_ =	sdelay $0x3  }
0x34: {  	[smem:$0x3FB7] =	sst s10  }
0x35: {  	s10 =	sld [smem:$0x3FB6];
	_ =	sdelay $0x3  }
0x36: {  	p1 =	seq.s32 s10, $0x1;
	s10 =	sld [smem:$0x3FB7];
	_ =	sdelay $0x3  }
0x37: {  	[smem:$0x3FB7] =	sst s10  }
0x38: {  	s10 =	sld [smem:$0x3FB8]  }
0x39: {  	_ = 	snop;
	(pc) =	sbr.ind lr, $3  }
0x3a: {  	_ = 	snop  }
0x3b: {  	_ = 	snop  }
0x3c: {  	p2 =	seq.s32 s10, $0x1;
	s10 =	sld [smem:$0x3FB7]  }
0x3d: {  	_ =	shalt  }
0x3e: {  	_ =	shalt  }
0x3f: {  	_ =	shalt  }
0x40: {  	_ =	shalt  }
0x41: {  	_ =	shalt  }
0x42: {  	_ =	shalt  }
0x43: {  	_ =	shalt  }
0x44: {  	_ =	shalt  }
0x45: {  	_ =	shalt  }
0x46: {  	_ =	shalt  }
0x47: {  	_ =	shalt  }
0x48: {  	_ =	shalt  }
0x49: {  	_ =	shalt  }
0x4a: {  	_ =	shalt  }
0x4b: {  	_ =	shalt  }
0x4c: {  	_ =	shalt  }
0x4d: {  	_ =	shalt  }
0x4e: {  	_ =	shalt  }
0x4f: {  	_ =	shalt  }
0x50: {  	_ =	shalt  }
0x51: {  	_ =	shalt  }
0x52: {  	_ =	shalt  }
0x53: {  	_ =	shalt  }
0x54: {  	_ =	shalt  }
0x55: {  	_ =	shalt  }
0x56: {  	_ =	shalt  }
0x57: {  	_ =	shalt  }
0x58: {  	_ =	shalt  }
0x59: {  	_ =	shalt  }
0x5a: {  	_ =	shalt  }
0x5b: {  	_ =	shalt  }
0x5c: {  	_ =	shalt  }
0x5d: {  	_ =	shalt  }
0x5e: {  	_ =	shalt  }
0x5f: {  	_ =	shalt  }
0x60: {  	_ =	shalt  }
0x61: {  	_ =	shalt  }
0x62: {  	_ =	shalt  }
0x63: {  	_ =	shalt  }
0x64: {  	_ =	shalt  }
0x65: {  	_ =	shalt  }
0x66: {  	_ =	shalt  }
0x67: {  	_ =	shalt  }
0x68: {  	_ =	shalt  }
0x69: {  	_ =	shalt  }
0x6a: {  	_ =	shalt  }
0x6b: {  	_ =	shalt  }
0x6c: {  	_ =	shalt  }
0x6d: {  	_ =	shalt  }
0x6e: {  	_ =	shalt  }
0x6f: {  	_ =	shalt  }
0x70: {  	_ =	shalt  }
0x71: {  	_ =	shalt  }
0x72: {  	_ =	shalt  }
0x73: {  	_ =	shalt  }
0x74: {  	_ =	shalt  }
0x75: {  	_ =	shalt  }
0x76: {  	_ =	shalt  }
0x77: {  	_ =	shalt  }
0x78: {  	_ =	shalt  }
0x79: {  	_ =	shalt  }
0x7a: {  	_ =	shalt  }
0x7b: {  	_ =	shalt  }
0x7c: {  	_ =	shalt  }
0x7d: {  	_ =	shalt  }
0x7e: {  	_ =	shalt  }
0x7f: {  	_ =	shalt  }
0x80: {  	_ =	shalt  }
0x81: {  	_ =	shalt  }
0x82: {  	_ =	shalt  }
0x83: {  	_ =	shalt  }
0x84: {  	_ =	shalt  }
0x85: {  	_ =	shalt  }
0x86: {  	_ =	shalt  }
0x87: {  	_ =	shalt  }
.Lfunc_end0:
.L_simem_size_0:
called_computation.2_lowered:
.L_overlay_start_0:
0x88: {  	s2 =	sld [smem:$0x3FD9]  }
0x89: {  	s3 =	sld [smem:$0x3FFE];
	_ =	sdelay $0x1  }
0x8a: {  	s1 =	srdreg.scid  }
0x8b: {  	s0 =	sand.u32 $0x1, s1  }
0x8c: {  	s14 =	sshll.u32 s0, $0xA;
	s2 =	sadd.s32 s3, s2  }
0x8d: {  	s2 =	sadd.s32 s2, s14  }
0x8e: {  	[smem:$0x3FC3] =	sst s2  }
0x8f: {  	_ = 	snop  }
0x90: {  	s2 =	sld [smem:$0x3FD0];
	_ =	sdelay $0x2  }
0x91: {  	s4 =	simm.s32 $0xB;
	s5 =	simm.s32 $0x10;
	s15 =	sld [smem:$0x3FC9]  }
0x92: {  	[smem:s5], [sflag:s4] =	dma.local [hbm:s2], $0x1  }
0x93: {  	_ =	swait.eq [sflag:s4], $0x1  }
0x94: {  	[sflag:s4] =	ssyncset.done $0x0  }
0x95: {  	s16 =	sld [smem:$0x10];
	[sflag:s4] =	ssyncadd.s32 $0xFFFFFFFF  }
0x96: {  	s17 =	sld [smem:$0x11];
	(tm) =	ssettm $0x1  }
0x97: {  	s18 =	sld [smem:$0x3FFB];
	_ =	sdelay $0x3  }
0x98: {  	_ =	strace s18  }
0x99: {  	s5 =	sld [smem:$0x3FFC];
	_ =	sdelay $0x3  }
0x9a: {  	_ =	strace s5  }
0x9b: {  	s5 =	sld [smem:$0x3FFD];
	_ =	sdelay $0x3  }
0x9c: {  	_ =	strace s5  }
0x9d: {  	_ =	strace $0x8FFFFFFF  }
0x9e: {  	s19 =	sld [smem:$0x3FDB];
	_ =	sdelay $0x1  }
0x9f: {  	s6 =	simm.s32 $_scs_section_size  }
0xa0: {  	s7 =	simm.s32 $_size__tile_overlayer_lowered;
	s8 =	simm.s32 $_tile_overlayer_lowered  }
0xa1: {  	s22 =	simm.s32 $0x1BFF;
	s21 =	sshll.u32 s8, $0x1;
	s5 =	sadd.s32 s6, s19  }
0xa2: {  	s9 =	simm.s32 $0x0;
	s20 =	sshll.u32 s7, $0x1;
	s7 =	sadd.s32 s21, s5  }
0xa3: {  	[timem:s9], [sflag:s22] =	dma.local [hbm:s7], s20  }
0xa4: {  	_ =	swait.ge [sflag:s22], s20  }
0xa5: {  	s6 =	ssub.s32 $0x0, s20;
	[sflag:s22] =	ssyncset.done $0x0  }
0xa6: {  	[sflag:s22] =	ssyncadd.s32 s6;
	_ =	sdelay $0x1  }
0xa7: {  	s23 =	simm.s32 $0x1B8B  }
0xa8: {  	_ =	swait.ge [sflag:s23], $0x1  }
0xa9: {  	[sflag:s23] =	ssyncset.done $0x0  }
0xaa: {  	s25 =	simm.s32 $0x1B8E;
	s24 =	sld [smem:$0x3FFE];
	[sflag:s23] =	ssyncadd.s32 $0xFFFFFFFF  }
0xab: {  	s26 =	simm.s32 $execute0_lowered;
	[smem:$0x3FD2] =	sst s25  }
0xac: {  	s7 =	sshll.u32 s26, $0x1;
	_ =	strace $0x8000004C;
	[dreg:$0x1] =	wrdreg $0xFFFFFFFF  }
0xad: {  	s28 =	simm.s32 $_size_execute0_lowered;
	s5 =	sadd.s32 s5, s7;
	[dreg:$0x0] =	wrdreg $0x0  }
0xae: {  	s7 =	sshll.u32 s28, $0x1;
	[dreg:$0x2] =	wrdreg s5  }
0xaf: {  	[dreg:$0x3] =	wrdreg s7  }
0xb0: {  	[dreg:$0x4] =	wrdreg $0xC0  }
0xb1: {  	_ =	task [dreg:s9], $0x5FFFF  }
0xb2: {  	[dreg:$0x1] =	wrdreg $0xFFFFFFFF  }
0xb3: {  	[dreg:$0x0] =	wrdreg $0x60  }
0xb4: {  	[dreg:$0x2] =	wrdreg s15  }
0xb5: {  	[dreg:$0x3] =	wrdreg s24  }
0xb6: {  	[dreg:$0x4] =	wrdreg s16  }
0xb7: {  	[dreg:$0x5] =	wrdreg s17  }
0xb8: {  	[dreg:$0x6] =	wrdreg $0x9  }
0xb9: {  	_ =	task.clear_ibuf [dreg:s9], $0x7FFFF;
	_ =	strace $0x9000004C  }
0xba: {  	s29 =	simm.s32 $0x9;
	_ =	strace $0x8000004E  }
0xbb: {  	_ =	swait.ge [sflag:s29], $0x1  }
0xbc: {  	[sflag:s29] =	ssyncadd.s32 $0xFFFFFFFF  }
0xbd: {  	_ =	strace $0x9000004E  }
0xbe: {  	_ =	sfence  }
0xbf: {  	s30 =	sld [smem:$0x0];
	_ =	sdelay $0x2  }
0xc0: {  	s31 =	sshll.u32 s1, $0xD;
	s1 =	sshrl.u32 s1, $0x2  }
0xc1: {  	s3 =	sand.u32 $0x4000, s31;
	s1 =	sadd.s32 s1, s30  }
0xc2: {  	s0 =	sor.u32 s3, s0;
	s1 =	sshll.u32 s1, $0x11  }
0xc3: {  	s0 =	sor.u32 s1, s0  }
0xc4: {  	s0 =	sadd.s32 $0x8F2B, s0  }
0xc5: {  	[sflag:s0] =	ssyncadd.remote.s32 $0x1  }
0xc6: {  	_ =	sfence.sel $0xFFFF  }
0xc7: {  	[dreg:$0x0] =	wrdreg $0xFFFFFFFF;
	(pc) =	sbr.abs _section_cstart, $3  }
0xc8: {  	[dreg:$0x1] =	wrdreg $0xFFFFFFFF  }
0xc9: {  	_ =	task.clear_ibuf [dreg:s9], $0x2FFFF;
	_ =	strace $0x9FFFFFFF  }
0xca: {  	(tm) =	ssettm $0x7FFFFFFF  }
0xcb: {  	_ =	shalt  }
tec
execute0_lowered:
.L_overlay_start_1:
0x0: {  	(tag) =	ssettag $0x1  }
0x1: {  	s0 =	srdreg.scid;
	s23 =	stileid.u32  }
0x2: {  	s9 =	sand.u32 $0x1, s0;
	s30 =	sshll.u32 s23, $0x1  }
0x3: {  	s0 =	sor.u32 s9, s30  }
0x4: {  	s1 =	smul.u32 $0xF5, s0;
	_ =	sdelay $0x1  }
0x5: {  	s3 =	ssub.s32 $0x1E84, s1  }
0x6: {  	s3 =	smin.u32 s3, $0xF5  }
0x7: {  	s2 =	rddreg [dreg:$0x0];
	s6 =	sadd.s32 $0xFFFFFFFF, s3  }
0x8: {  	s10 =	rddreg [dreg:$0x1];
	s8 =	sadd.s32 $0xFFFFFFFE, s3;
	s4 =	sand.u32 $0xFF, s6  }
0x9: {  	s5 =	rddreg [dreg:$0x2];
	s11 =	sand.u32 $0xFF, s8;
	s4 =	smul.u32 $0x25, s4  }
0xa: {  	s7 =	simm.s32 $0x0;
	s28 =	simm.s32 $0x10000;
	s11 =	smul.u32 $0x25, s11  }
0xb: {  	s29 =	simm.s32 $0x10;
	[smem:$0x7FF] =	sst s7;
	s12 =	ssub.s32 $0x2, s9  }
0xc: {  	s9 =	smul.u32 $0xFFFFFF0B, s9;
	s13 =	sshrl.u32 s4, $0x8;
	s11 =	sshrl.u32 s11, $0x8  }
0xd: {  	s31 =	sshrl.u32 s12, $0x1;
	s14 =	ssub.s32 s6, s13;
	s16 =	ssub.s32 s8, s11  }
0xe: {  	s4 =	ssub.s32 s12, s31;
	s15 =	sand.u32 $0xFE, s14;
	s14 =	sand.u32 $0xFE, s16  }
0xf: {  	s12 =	sshrl.u32 s15, $0x1;
	s15 =	sadd.s32 $0xFFFFFFFD, s3;
	s17 =	sshrl.u32 s14, $0x1  }
0x10: {  	s14 =	sadd.s32 $0xFFFFFFFC, s3;
	s12 =	sadd.s32 s13, s12;
	s18 =	sand.u32 $0xFF, s15  }
0x11: {  	s11 =	sadd.s32 s11, s17;
	s17 =	sand.u32 $0xFF, s14;
	s19 =	smul.u32 $0x25, s18  }
0x12: {  	_ =	strace $0x8000004D;
	s12 =	sshrl.u32 s12, $0x2;
	s17 =	smul.u32 $0x25, s17  }
0x13: {  	s31 =	sadd.s32 $0x41600, s10;
	s11 =	sshrl.u32 s11, $0x2;
	s12 =	smul.u32 $0x7, s12  }
0x14: {  	[dreg:$0x5] =	wrdreg s31;
	s16 =	smul.u32 $0x7, s11;
	s13 =	sshrl.u32 s19, $0x8  }
0x15: {  	s21 =	sshrl.u32 s17, $0x8;
	s19 =	sadd.s32 $0xFFFFFFFA, s3;
	s11 =	ssub.s32 s6, s12  }
0x16: {  	s20 =	ssub.s32 s15, s13;
	s12 =	ssub.s32 s8, s16;
	s16 =	sadd.s32 $0xFFFFFFFB, s3  }
0x17: {  	s18 =	ssub.s32 s14, s21;
	s25 =	sand.u32 $0xFF, s19;
	s6 =	sand.u32 $0xFE, s20  }
0x18: {  	s22 =	sand.u32 $0xFF, s16;
	s24 =	sand.u32 $0xFE, s18;
	s18 =	smul.u32 $0x25, s25  }
0x19: {  	s20 =	sadd.s32 $0xFFFFFFF9, s3;
	s25 =	smul.u32 $0xFFFFFE16, s23;
	s11 =	sor.u32 $0x8, s11  }
0x1a: {  	s12 =	sor.u32 $0x8, s12;
	s6 =	sshrl.u32 s6, $0x1;
	s17 =	smul.u32 $0x25, s22  }
0x1b: {  	s6 =	sadd.s32 s13, s6;
	s13 =	sshrl.u32 s24, $0x1;
	s18 =	sshrl.u32 s18, $0x8  }
0x1c: {  	s9 =	sadd.s32 s25, s9;
	s17 =	sshrl.u32 s17, $0x8;
	s13 =	sadd.s32 s21, s13  }
0x1d: {  	s21 =	sand.u32 $0xFF, s20;
	s22 =	ssub.s32 s19, s18;
	s6 =	sshrl.u32 s6, $0x2  }
0x1e: {  	s9 =	sadd.s32 $0x1E84, s9;
	s26 =	ssub.s32 s16, s17;
	s21 =	smul.u32 $0x25, s21  }
0x1f: {  	s22 =	sand.u32 $0xFE, s22;
	s6 =	smul.u32 $0x7, s6;
	s13 =	sshrl.u32 s13, $0x2  }
0x20: {  	s8 =	sand.u32 $0xFE, s26;
	s22 =	sshrl.u32 s22, $0x1;
	s13 =	smul.u32 $0x7, s13  }
0x21: {  	s26 =	smul.u32 $0x3D400, s0;
	s8 =	sshrl.u32 s8, $0x1;
	s21 =	sshrl.u32 s21, $0x8  }
0x22: {  	s18 =	sadd.s32 s18, s22;
	s6 =	ssub.s32 s15, s6;
	s17 =	sadd.s32 s17, s8  }
0x23: {  	s8 =	sadd.s32 $0x41E00, s10;
	s30 =	ssub.s32 s20, s21;
	s18 =	sshrl.u32 s18, $0x2  }
0x24: {  	s10 =	sadd.s32 $0x600, s10;
	s13 =	ssub.s32 s14, s13;
	s22 =	sand.u32 $0xFE, s30  }
0x25: {  	s17 =	sshrl.u32 s17, $0x2;
	s18 =	smul.u32 $0x7, s18;
	s22 =	sshrl.u32 s22, $0x1  }
0x26: {  	[dreg:$0x6] =	wrdreg s10;
	s23 =	sor.u32 $0x8, s13;
	s21 =	sadd.s32 s21, s22  }
0x27: {  	s17 =	smul.u32 $0x7, s17;
	s25 =	sand.u32 $0xFF, s23;
	s21 =	sshrl.u32 s21, $0x2  }
0x28: {  	[dreg:$0xe] =	wrdreg s25;
	s15 =	smul.u32 $0x7, s21;
	s21 =	sshll.u32 s0, $0x9  }
0x29: {  	s24 =	ssub.s32 s16, s17;
	s17 =	ssub.s32 s19, s18;
	s22 =	sor.u32 $0x10000, s21  }
0x2a: {  	s19 =	sshrl.u32 s26, $0x3;
	s30 =	sor.u32 $0x10080, s21;
	[dreg:$0x7] =	wrdreg s22  }
0x2b: {  	s24 =	sor.u32 $0x8, s24;
	s31 =	sor.u32 $0x10100, s21;
	[dreg:$0x8] =	wrdreg s30  }
0x2c: {  	s26 =	sor.u32 $0x8, s17;
	s10 =	ssub.s32 s20, s15;
	[dreg:$0x9] =	wrdreg s31  }
0x2d: {  	s15 =	sor.u32 $0x10180, s21;
	s20 =	sand.u32 $0xFF, s11;
	s21 =	sand.u32 $0xFF, s12  }
0x2e: {  	s22 =	sor.u32 $0x8, s6;
	s31 =	smax.u32 s4, $0x1;
	s4 =	simm.s32 $0x400  }
0x2f: {  	s11 =	simm.s32 $0xF;
	s12 =	simm.s32 $0x0;
	[dreg:$0xa] =	wrdreg s15  }
0x30: {  	s15 =	smul.u32 $0x7A80, s0;
	s0 =	sadd.s32 s2, s19;
	[dreg:$0xb] =	wrdreg s20  }
.Ltmp0:
0x31: {  	[dreg:$0xc] =	wrdreg s21;
	s21 =	sand.u32 $0xFF, s24;
	(pc) =	sbr.rel .LBB2_1-.Ltmp0, $4  }
0x32: {  	v0 =	vlaneseq.u32;
	s30 =	sor.u32 $0x8, s10;
	s24 =	smin.u32 s9, $0xF5;
	[dreg:$0xf] =	wrdreg s31  }
0x33: {  	v0 =	vmul.u32 $0x80, v0;
	s9 =	simm.s32 $0x2000;
	s10 =	simm.s32 $0xE000;
	s16 =	sadd.s32 $0x80, s0  }
0x34: {  	v1 =	vimm.s32 $0x2000;
	s0 =	sand.u32 $0xFF, s22;
	s22 =	sand.u32 $0xFF, s26;
	s23 =	sand.u32 $0xFF, s30  }
0x35: {  	v2 =	vor.u32 $0x800, v0;
	v3 =	vor.u32 $0x1000, v0;
	v4 =	vor.u32 $0x1800, v0;
	[dreg:$0xd] =	wrdreg s0;
	s26 =	sadd.s32 s2, s15;
	s0 =	simm.s32 $0x7A1400  }
.LBB2_12:
0x36: {  	s6 =	rddreg [dreg:$0xb]  }
0x37: {  	_ =	swait.ge [sflag:s6], $0x2000  }
0x38: {  	[sflag:s6] =	ssyncset.done $0x0  }
0x39: {  	s20 =	rddreg [dreg:$0xc];
	[sflag:s6] =	ssyncadd.s32 $0xFFFFE000  }
0x3a: {  	_ =	swait.ge [sflag:s20], $0x2000  }
0x3b: {  	[sflag:s20] =	ssyncset.done $0x0  }
0x3c: {  	s25 =	rddreg [dreg:$0xd];
	[sflag:s20] =	ssyncadd.s32 $0xFFFFE000  }
0x3d: {  	_ =	swait.ge [sflag:s25], $0x2000  }
0x3e: {  	[sflag:s25] =	ssyncset.done $0x0  }
0x3f: {  	s30 =	rddreg [dreg:$0xe];
	[sflag:s25] =	ssyncadd.s32 $0xFFFFE000  }
0x40: {  	_ =	swait.ge [sflag:s30], $0x2000  }
0x41: {  	[sflag:s30] =	ssyncset.done $0x0  }
0x42: {  	[sflag:s30] =	ssyncadd.s32 $0xFFFFE000  }
0x43: {  	_ =	swait.ge [sflag:s21], $0x2000  }
0x44: {  	[sflag:s21] =	ssyncset.done $0x0  }
0x45: {  	[sflag:s21] =	ssyncadd.s32 $0xFFFFE000  }
0x46: {  	_ =	swait.ge [sflag:s22], $0x2000  }
0x47: {  	[sflag:s22] =	ssyncset.done $0x0  }
0x48: {  	[sflag:s22] =	ssyncadd.s32 $0xFFFFE000  }
0x49: {  	_ =	swait.ge [sflag:s23], $0x2000  }
0x4a: {  	[sflag:s23] =	ssyncset.done $0x0  }
0x4b: {  	[sflag:s23] =	ssyncadd.s32 $0xFFFFE000  }
0x4c: {  	_ =	swait.ge [sflag:s11], $0x80  }
0x4d: {  	[sflag:s11] =	ssyncset.done $0x0  }
0x4e: {  	[sflag:s11] =	ssyncadd.s32 $0xFFFFFF80  }
0x4f: {  	_ =	swait.ge [sflag:s11], $0x80  }
0x50: {  	[sflag:s11] =	ssyncset.done $0x0  }
0x51: {  	[sflag:s11] =	ssyncadd.s32 $0xFFFFFF80  }
0x52: {  	_ =	swait.ge [sflag:s11], $0x80  }
0x53: {  	[sflag:s11] =	ssyncset.done $0x0  }
0x54: {  	[sflag:s11] =	ssyncadd.s32 $0xFFFFFF80  }
0x55: {  	_ =	swait.ge [sflag:s11], $0x80  }
0x56: {  	s12 =	sadd.s32 $0x1, s12;
	s31 =	rddreg [dreg:$0xf]  }
0x57: {  	p0 =	sne.s32 s12, s31  }
.Ltmp1:
0x58: {  	_ = 	snop;
	(pc) =	sbr.rel @!p0 .LBB2_13-.Ltmp1, $3  }
0x59: {  	_ =	sdelay $0x1  }
0x5a: {  	[sflag:s11] =	ssyncset.done $0x0  }
0x5b: {  	[sflag:s11] =	ssyncadd.s32 $0xFFFFFF80  }
.LBB2_1:
0x5c: {  	s6 =	rddreg [dreg:$0x5]  }
0x5d: {  	[tilespmem:s28], [sflag:$0x10] =	stream.linear.gather [hbm4b:s6+s7], $0x4000, $0x38;
	[tilespmem:$0x14400] =	vst v63  }
0x5e: {  	_ =	swait.ge [sflag:s29], $0x4000  }
0x5f: {  	[sflag:s29] =	ssyncset.done $0x0  }
0x60: {  	s14 =	simm.s32 $0x14000;
	s17 =	rddreg [dreg:$0x6];
	[sflag:s29] =	ssyncadd.s32 $0xFFFFC000  }
0x61: {  	[tilespmem:s14], [sflag:$0x10] =	stream.linear.gather [hbm4b:s17+s7], $0x400, $0x38;
	[tilespmem:$0x14400] =	vst v63  }
0x62: {  	_ =	swait.ge [sflag:s29], $0x400  }
0x63: {  	[sflag:s29] =	ssyncset.done $0x0  }
0x64: {  	s13 =	rddreg [dreg:$0x7];
	[sflag:s29] =	ssyncadd.s32 $0xFFFFFC00  }
0x65: {  	s17 =	simm.s32 $0x80;
	s18 =	rddreg [dreg:$0x3]  }
0x66: {  	[hbm4b:s18+s17] =	stream.indirect.scatter [tilespmem:s14], [sflag:$0xF], $0x1, s13, s17, $0xb8;
	[tilespmem:$0x14400] =	vst v63  }
0x67: {  	s19 =	rddreg [dreg:$0x8]  }
0x68: {  	[hbm4b:s18+s17] =	stream.indirect.scatter [tilespmem:s14], [sflag:$0xF], $0x1, s19, s17, $0xb8;
	[tilespmem:$0x14400] =	vst v63  }
0x69: {  	s20 =	rddreg [dreg:$0x9]  }
0x6a: {  	[hbm4b:s18+s17] =	stream.indirect.scatter [tilespmem:s14], [sflag:$0xF], $0x1, s20, s17, $0xb8;
	[tilespmem:$0x14400] =	vst v63  }
0x6b: {  	s25 =	rddreg [dreg:$0xa]  }
0x6c: {  	[hbm4b:s18+s17] =	stream.indirect.scatter [tilespmem:s14], [sflag:$0xF], $0x1, s25, s17, $0xb8;
	[tilespmem:$0x14400] =	vst v63  }
0x6d: {  	v5 =	vld.idx.msk [tilespmem:v1+s28+$0x0], $0xffff;
	_ =	sdelay $0x4  }
0x6e: {  	(v2sf) =	vpush v5, $0x0;
	_ =	sdelay $0xe  }
0x6f: {  	s30 =	spop (v2sf)  }
0x70: {  	s6 =	simm.s32 $0x3000;
	p0 =	slt.s32 s30, s15  }
0x71: {  	s6 =	simm.s32 @!p0 $0x1000  }
0x72: {  	v5 =	vmov s6;
	_ =	sdelay $0x4  }
0x73: {  	v5 =	vld.idx.msk [tilespmem:v5+s28+$0x0], $0xffff;
	_ =	sdelay $0x4  }
0x74: {  	(v2sf) =	vpush v5, $0x0;
	_ =	sdelay $0xe  }
0x75: {  	s14 =	simm.s32 $0x4000;
	s31 =	spop (v2sf)  }
0x76: {  	s18 =	simm.s32 $0x2001;
	s14 =	simm.s32 @!p0 $0x2000;
	p1 =	slt.s32 s31, s15  }
0x77: {  	s18 =	simm.s32 @!p0 $0x0;
	s17 =	sor.u32 $0x1, s6;
	s6 =	smov.u32 @p1 s14  }
0x78: {  	s18 =	smov.u32 @p1 s17;
	s14 =	sadd.s32 $0xFFFFFFFF, s6  }
0x79: {  	s17 =	sxor.u32 s14, s18  }
0x7a: {  	s14 =	sor.u32 s14, s18;
	s17 =	sshrl.u32 s17, $0x1  }
0x7b: {  	s14 =	ssub.s32 s14, s17  }
0x7c: {  	v5 =	vmov s14;
	_ =	sdelay $0x4  }
0x7d: {  	v5 =	vld.idx.msk [tilespmem:v5+s28+$0x0], $0xffff;
	_ =	sdelay $0x4  }
0x7e: {  	(v2sf) =	vpush v5, $0x0;
	_ =	sdelay $0xe  }
0x7f: {  	s13 =	spop (v2sf)  }
0x80: {  	s17 =	sor.u32 $0x1, s14;
	p0 =	slt.s32 s13, s15  }
0x81: {  	s18 =	smov.u32 @p0 s17;
	s14 =	smov.u32 @p0 s6  }
0x82: {  	s6 =	sxor.u32 s14, s18  }
0x83: {  	s17 =	sand.u32 s14, s18;
	s6 =	sshrl.u32 s6, $0x1  }
0x84: {  	s6 =	sadd.s32 s6, s17  }
0x85: {  	s17 =	sand.u32 $0x3FFFFFFF, s6  }
0x86: {  	v5 =	vmov s17;
	_ =	sdelay $0x4  }
0x87: {  	v5 =	vld.idx.msk [tilespmem:v5+s28+$0x0], $0xffff;
	_ =	sdelay $0x4  }
0x88: {  	(v2sf) =	vpush v5, $0x0;
	_ =	sdelay $0xe  }
0x89: {  	s19 =	spop (v2sf)  }
0x8a: {  	s17 =	sadd.s32 $0x1, s6;
	p0 =	slt.s32 s19, s15  }
0x8b: {  	s18 =	smov.u32 @p0 s17;
	s6 =	smov.u32 @p0 s14  }
0x8c: {  	s14 =	sxor.u32 s6, s18  }
0x8d: {  	s17 =	sand.u32 s6, s18;
	s14 =	sshrl.u32 s14, $0x1  }
0x8e: {  	s14 =	sadd.s32 s14, s17  }
0x8f: {  	v5 =	vmov s14;
	_ =	sdelay $0x4  }
0x90: {  	v5 =	vld.idx.msk [tilespmem:v5+s28+$0x0], $0xffff;
	_ =	sdelay $0x4  }
0x91: {  	(v2sf) =	vpush v5, $0x0;
	_ =	sdelay $0xe  }
0x92: {  	s20 =	spop (v2sf)  }
0x93: {  	s17 =	sadd.s32 $0x1, s14;
	p0 =	slt.s32 s20, s15  }
0x94: {  	s18 =	smov.u32 @p0 s17;
	s14 =	smov.u32 @p0 s6  }
0x95: {  	s6 =	sadd.s32 s14, s18  }
0x96: {  	s6 =	sshrl.u32 s6, $0x1  }
0x97: {  	v5 =	vmov s6;
	_ =	sdelay $0x4  }
0x98: {  	v5 =	vld.idx.msk [tilespmem:v5+s28+$0x0], $0xffff;
	_ =	sdelay $0x4  }
0x99: {  	(v2sf) =	vpush v5, $0x0;
	_ =	sdelay $0xe  }
0x9a: {  	s25 =	spop (v2sf)  }
0x9b: {  	s17 =	sadd.s32 $0x1, s6;
	p0 =	slt.s32 s25, s15  }
0x9c: {  	s18 =	smov.u32 @p0 s17;
	s6 =	smov.u32 @p0 s14  }
0x9d: {  	s14 =	sadd.s32 s6, s18  }
0x9e: {  	s14 =	sshrl.u32 s14, $0x1  }
0x9f: {  	v5 =	vmov s14;
	_ =	sdelay $0x4  }
0xa0: {  	v5 =	vld.idx.msk [tilespmem:v5+s28+$0x0], $0xffff;
	_ =	sdelay $0x4  }
0xa1: {  	(v2sf) =	vpush v5, $0x0;
	_ =	sdelay $0xe  }
0xa2: {  	s30 =	spop (v2sf)  }
0xa3: {  	s17 =	sadd.s32 $0x1, s14;
	p0 =	slt.s32 s30, s15  }
0xa4: {  	s18 =	smov.u32 @p0 s17;
	s14 =	smov.u32 @p0 s6  }
0xa5: {  	s6 =	sadd.s32 s14, s18  }
0xa6: {  	s6 =	sshrl.u32 s6, $0x1  }
0xa7: {  	v5 =	vmov s6;
	_ =	sdelay $0x4  }
0xa8: {  	v5 =	vld.idx.msk [tilespmem:v5+s28+$0x0], $0xffff;
	_ =	sdelay $0x4  }
0xa9: {  	(v2sf) =	vpush v5, $0x0;
	_ =	sdelay $0xe  }
0xaa: {  	s31 =	spop (v2sf)  }
0xab: {  	s17 =	sadd.s32 $0x1, s6;
	p0 =	slt.s32 s31, s15  }
0xac: {  	s18 =	smov.u32 @p0 s17;
	s6 =	smov.u32 @p0 s14  }
0xad: {  	s14 =	sadd.s32 s6, s18  }
0xae: {  	s14 =	sshrl.u32 s14, $0x1  }
0xaf: {  	v5 =	vmov s14;
	_ =	sdelay $0x4  }
0xb0: {  	v5 =	vld.idx.msk [tilespmem:v5+s28+$0x0], $0xffff;
	_ =	sdelay $0x4  }
0xb1: {  	(v2sf) =	vpush v5, $0x0;
	_ =	sdelay $0xe  }
0xb2: {  	s13 =	spop (v2sf)  }
0xb3: {  	s17 =	sadd.s32 $0x1, s14;
	p0 =	slt.s32 s13, s15  }
0xb4: {  	s18 =	smov.u32 @p0 s17;
	s14 =	smov.u32 @p0 s6  }
0xb5: {  	s6 =	sadd.s32 s14, s18  }
0xb6: {  	s6 =	sshrl.u32 s6, $0x1  }
0xb7: {  	v5 =	vmov s6;
	_ =	sdelay $0x4  }
0xb8: {  	v5 =	vld.idx.msk [tilespmem:v5+s28+$0x0], $0xffff;
	_ =	sdelay $0x4  }
0xb9: {  	(v2sf) =	vpush v5, $0x0;
	_ =	sdelay $0xe  }
0xba: {  	s19 =	spop (v2sf)  }
0xbb: {  	s17 =	sadd.s32 $0x1, s6;
	p0 =	slt.s32 s19, s15  }
0xbc: {  	s18 =	smov.u32 @p0 s17;
	s6 =	smov.u32 @p0 s14  }
0xbd: {  	s14 =	sadd.s32 s6, s18  }
0xbe: {  	s14 =	sshrl.u32 s14, $0x1  }
0xbf: {  	v5 =	vmov s14;
	_ =	sdelay $0x4  }
0xc0: {  	v5 =	vld.idx.msk [tilespmem:v5+s28+$0x0], $0xffff;
	_ =	sdelay $0x4  }
0xc1: {  	(v2sf) =	vpush v5, $0x0;
	_ =	sdelay $0xe  }
0xc2: {  	s20 =	spop (v2sf)  }
0xc3: {  	s17 =	sadd.s32 $0x1, s14;
	p0 =	slt.s32 s20, s15  }
0xc4: {  	s18 =	smov.u32 @p0 s17;
	s14 =	smov.u32 @p0 s6  }
0xc5: {  	s6 =	sadd.s32 s14, s18  }
0xc6: {  	s6 =	sshrl.u32 s6, $0x1  }
0xc7: {  	v5 =	vmov s6;
	_ =	sdelay $0x4  }
0xc8: {  	v5 =	vld.idx.msk [tilespmem:v5+s28+$0x0], $0xffff;
	_ =	sdelay $0x4  }
0xc9: {  	(v2sf) =	vpush v5, $0x0;
	_ =	sdelay $0xe  }
0xca: {  	s25 =	spop (v2sf)  }
0xcb: {  	s17 =	sadd.s32 $0x1, s6;
	p0 =	slt.s32 s25, s15  }
0xcc: {  	s18 =	smov.u32 @p0 s17;
	s6 =	smov.u32 @p0 s14  }
0xcd: {  	s14 =	sadd.s32 s6, s18  }
0xce: {  	s14 =	sshrl.u32 s14, $0x1  }
0xcf: {  	v5 =	vmov s14;
	_ =	sdelay $0x4  }
0xd0: {  	v5 =	vld.idx.msk [tilespmem:v5+s28+$0x0], $0xffff;
	_ =	sdelay $0x4  }
0xd1: {  	(v2sf) =	vpush v5, $0x0;
	_ =	sdelay $0xe  }
0xd2: {  	s30 =	spop (v2sf)  }
0xd3: {  	s17 =	sadd.s32 $0x1, s14;
	p0 =	slt.s32 s30, s15  }
0xd4: {  	s18 =	smov.u32 @p0 s17;
	s14 =	smov.u32 @p0 s6  }
0xd5: {  	s6 =	sadd.s32 s14, s18  }
0xd6: {  	s6 =	sshrl.u32 s6, $0x1  }
0xd7: {  	v5 =	vmov s6;
	_ =	sdelay $0x4  }
0xd8: {  	v5 =	vld.idx.msk [tilespmem:v5+s28+$0x0], $0xffff;
	_ =	sdelay $0x4  }
0xd9: {  	(v2sf) =	vpush v5, $0x0;
	_ =	sdelay $0xc  }
.Ltmp2:
0xda: {  	_ = 	snop;
	(pc) =	sbr.rel .LBB2_2-.Ltmp2, $4  }
0xdb: {  	_ = 	snop  }
0xdc: {  	s31 =	spop (v2sf)  }
0xdd: {  	s6 =	sadd.s32 $0x1, s6;
	p0 =	slt.s32 s31, s15  }
0xde: {  	s25 =	simm.s32 $0xFFFFFFFF;
	s14 =	simm.s32 $0x0;
	s18 =	smov.u32 @p0 s6  }
.LBB2_11:
0xdf: {  	s14 =	sadd.s32 $0x1, s14  }
0xe0: {  	p0 =	sne.s32 s14, s24  }
.Ltmp3:
0xe1: {  	_ = 	snop;
	(pc) =	sbr.rel @!p0 .LBB2_12-.Ltmp3, $3  }
0xe2: {  	_ =	sdelay $0x1  }
0xe3: {  	s6 =	sadd.s32 $0x8, s6;
	s13 =	sadd.s32 s5, s31  }
0xe4: {  	[hbm4b:s13+s4] =	stream.strided.scatter [tilespmem:s30], [sflag:s6], $0x2000, s0, s4, $0x38;
	[tilespmem:$0x14400] =	vst v63  }
.LBB2_2:
0xe5: {  	p0 =	sne.s32 s14, $0x0  }
.Ltmp4:
0xe6: {  	_ = 	snop;
	(pc) =	sbr.rel @!p0 .LBB2_3-.Ltmp4, $1  }
0xe7: {  	_ =	sdelay $0x3  }
0xe8: {  	s6 =	sadd.s32 $0x2, s14  }
0xe9: {  	s17 =	smulhi.u32 $0x24924925, s6  }
0xea: {  	p0 =	slt.u32 s14, $0x5  }
0xeb: {  	p1 =	sge.u32 @!p0 s6, s3;
	s30 =	ssub.s32 s6, s17  }
0xec: {  	p0 =	por p0, p1;
	s30 =	sshrl.u32 s30, $0x1  }
.Ltmp5:
0xed: {  	s17 =	sadd.s32 s17, s30;
	(pc) =	sbr.rel @p0 .LBB2_6-.Ltmp5, $3  }
0xee: {  	s17 =	sshrl.u32 s17, $0x2  }
0xef: {  	s17 =	smul.u32 $0x7, s17;
	_ =	sdelay $0x1  }
0xf0: {  	s17 =	ssub.s32 s6, s17  }
.Ltmp6:
0xf1: {  	(pc) =	sbr.rel .LBB2_7-.Ltmp6, $4  }
0xf2: {  	s30 =	sadd.s32 $0x8, s17  }
0xf3: {  	_ =	swait.ge [sflag:s30], $0x2000  }
0xf4: {  	[sflag:s30] =	ssyncset.done $0x0  }
0xf5: {  	[sflag:s30] =	ssyncadd.s32 $0xFFFFE000  }
.LBB2_3:
.Ltmp7:
0xf6: {  	(pc) =	sbr.rel .LBB2_7-.Ltmp7, $4  }
0xf7: {  	_ = 	snop  }
0xf8: {  	[tilespmem:s7], [sflag:$0x1] =	stream.strided.gather [hbm4b:s26+s4], $0x2000, s0, s4, $0x38;
	[tilespmem:$0x14400] =	vst v63  }
0xf9: {  	s6 =	simm.s32 $0x2;
	s17 =	simm.s32 $0x2  }
0xfa: {  	[tilespmem:s9], [sflag:$0x2] =	stream.strided.gather [hbm4b:s16+s4], $0x2000, s0, s4, $0x38;
	[tilespmem:$0x14400] =	vst v63  }
.LBB2_6:
0xfb: {  	p0 =	sge.u32 s6, s3  }
.Ltmp8:
0xfc: {  	_ = 	snop;
	(pc) =	sbr.rel @p0 .LBB2_8-.Ltmp8, $1  }
0xfd: {  	_ =	sdelay $0x3  }
.LBB2_7:
0xfe: {  	s6 =	sadd.s32 s1, s6  }
0xff: {  	s6 =	sshll.u32 s6, $0x7  }
0x100: {  	s30 =	sshll.u32 s17, $0xD;
	s6 =	sand.u32 $0x1FFFFF80, s6  }
0x101: {  	s31 =	sadd.s32 $0x1, s17;
	s30 =	sand.u32 $0x3FFFE000, s30;
	s6 =	sadd.s32 s2, s6  }
0x102: {  	[tilespmem:s30], [sflag:s31] =	stream.strided.gather [hbm4b:s6+s4], $0x2000, s0, s4, $0x38;
	[tilespmem:$0x14400] =	vst v63  }
.LBB2_8:
0x103: {  	s6 =	smulhi.u32 $0x24924925, s14;
	_ =	sdelay $0x1  }
0x104: {  	s17 =	ssub.s32 s14, s6  }
0x105: {  	s17 =	sshrl.u32 s17, $0x1  }
0x106: {  	s6 =	sadd.s32 s6, s17  }
0x107: {  	s6 =	sshrl.u32 s6, $0x2  }
0x108: {  	s6 =	smul.u32 $0x7, s6;
	_ =	sdelay $0x1  }
0x109: {  	s6 =	ssub.s32 s14, s6  }
0x10a: {  	s20 =	sadd.s32 $0x1, s6  }
0x10b: {  	s30 =	sadd.s32 s1, s14;
	_ =	swait.ge [sflag:s20], $0x2000  }
0x10c: {  	s31 =	sshll.u32 s30, $0x7;
	s30 =	sshll.u32 s6, $0xD;
	[sflag:s20] =	ssyncset.done $0x0  }
0x10d: {  	s17 =	sadd.s32 $0x80, s31;
	s30 =	sand.u32 $0x3FFFE000, s30;
	[sflag:s20] =	ssyncadd.s32 $0xFFFFE000  }
.LBB2_9:
0x10e: {  	p0 =	slt.s32 s18, $0x3FFF;
	s13 =	smov.u32 s18  }
0x10f: {  	s13 =	simm.s32 @!p0 $0x3FFF  }
0x110: {  	v5 =	vmov s13;
	_ =	sdelay $0x4  }
0x111: {  	v6 =	vld.idx.msk [tilespmem:v5+s28+$0x0], $0xffff;
	_ =	sdelay $0x4  }
0x112: {  	(v2sf) =	vpush v6, $0x0;
	_ =	sdelay $0xe  }
0x113: {  	p0 =	sgt.s32 s18, $0x3FFF;
	s13 =	spop (v2sf)  }
0x114: {  	p1 =	sge.s32 @!p0 s13, s17  }
0x115: {  	p0 =	por p0, p1  }
.Ltmp9:
0x116: {  	_ = 	snop;
	(pc) =	sbr.rel @p0 .LBB2_11-.Ltmp9, $1  }
0x117: {  	_ =	sdelay $0x3  }
0x118: {  	s13 =	sshrl.u32 s18, $0x7  }
0x119: {  	p0 =	seq.s32 s13, s25  }
0x11a: {  	s25 =	sshll.u32 @!p0 s13, $0xA  }
0x11b: {  	s25 =	sand.u32 @!p0 $0x1FFFFC00, s25  }
0x11c: {  	s19 =	simm.s32 @!p0 $0x0;
	s20 =	simm.s32 @!p0 $0xE000;
	s25 =	sadd.s32 @!p0 s8, s25  }
0x11d: {  	[tilespmem:s20], [sflag:$0x10] =	stream.linear.gather @!p0 [hbm4b:s25+s19], $0x2000, $0x38;
	[tilespmem:$0x14400] =	vst v63  }
0x11e: {  	s19 =	simm.s32 @!p0 $0x10  }
0x11f: {  	_ =	swait.ge @!p0 [sflag:s19], $0x2000  }
0x120: {  	[sflag:s19] =	ssyncset.done @!p0 $0x0  }
0x121: {  	[sflag:s19] =	ssyncadd.s32 @!p0 $0xFFFFE000  }
0x122: {  	v5 =	vld.idx.msk [tilespmem:v5+s28+$0x0], $0xffff;
	_ =	sdelay $0x4  }
0x123: {  	(v2sf) =	vpush v5, $0x0;
	_ =	sdelay $0xa  }
0x124: {  	s19 =	sand.u32 $0x7F, s18  }
0x125: {  	v5 =	vor.u32 s19, v0;
	_ =	sdelay $0x2  }
0x126: {  	s25 =	spop (v2sf)  }
0x127: {  	s20 =	ssub.s32 s25, s31  }
0x128: {  	v5 =	vld.idx.msk [tilespmem:v5+s10+$0x0], $0xffff;
	v6 =	vadd.s32 s20, v0  }
0x129: {  	v7 =	vor.u32 s19, v2;
	_ =	sdelay $0x3  }
0x12a: {  	[tilespmem:v6+s30+$0x0] =	vst.idx.msk $0xffff, v5  }
0x12b: {  	v6 =	vadd.s32 s20, v2;
	v5 =	vld.idx.msk [tilespmem:v7+s10+$0x0], $0xffff  }
0x12c: {  	v7 =	vor.u32 s19, v3;
	_ =	sdelay $0x3  }
0x12d: {  	[tilespmem:v6+s30+$0x0] =	vst.idx.msk $0xffff, v5  }
0x12e: {  	v6 =	vadd.s32 s20, v3;
	v5 =	vld.idx.msk [tilespmem:v7+s10+$0x0], $0xffff  }
0x12f: {  	v7 =	vor.u32 s19, v4;
	_ =	sdelay $0x3  }
0x130: {  	[tilespmem:v6+s30+$0x0] =	vst.idx.msk $0xffff, v5  }
0x131: {  	v6 =	vadd.s32 s20, v4;
	v5 =	vld.idx.msk [tilespmem:v7+s10+$0x0], $0xffff  }
.Ltmp10:
0x132: {  	_ = 	snop;
	(pc) =	sbr.rel .LBB2_9-.Ltmp10, $2  }
0x133: {  	_ =	sdelay $0x2  }
0x134: {  	s18 =	sadd.s32 $0x1, s18;
	s25 =	smov.u32 s13;
	[tilespmem:v6+s30+$0x0] =	vst.idx.msk $0xffff, v5  }
.LBB2_13:
0x135: {  	_ =	sfence.sel $0x180000  }
0x136: {  	[bflag:$0x0] =	sbarrier.arrive $0xFFFF  }
0x137: {  	_ =	strace $0x9000004D  }
0x138: {  	s0 =	stileid.u32;
	[bflag:$0x2] =	sbarrier.arrive $0xFFFF  }
0x139: {  	p0 =	sne.s32 s0, $0x0;
	s0 =	rddreg [dreg:$0x4]  }
0x13a: {  	s0 =	sadd.s32 @!p0 $0x100000, s0  }
0x13b: {  	[sflag:s0] =	ssyncadd.tile.s32 @!p0 $0x1;
	_ =	shalt  }
.Lfunc_end2:
_tile_overlayer_lowered:
.L_overlay_start_2:
0x13c: {  	(tag) =	ssettag $0x2  }
0x13d: {  	s0 =	rddreg [dreg:$0x0];
	s2 =	stileid.u32  }
0x13e: {  	s1 =	rddreg [dreg:$0x1];
	p0 =	sne.s32 s2, $0x0  }
0x13f: {  	s3 =	rddreg [dreg:$0x2];
	[bflag:$0x3] =	sbarrier.arrive $0xFFFF;
	s2 =	simm.s32 @!p0 $0x1C10  }
0x140: {  	[timem:s3], [sflag:s2] =	dma.local @!p0 [hbm:s0], s1  }
0x141: {  	s0 =	simm.s32 @!p0 $0x10  }
0x142: {  	_ =	swait.ge @!p0 [sflag:s0], s1  }
0x143: {  	s1 =	ssub.s32 @!p0 $0x0, s1;
	[sflag:s0] =	ssyncset.done @!p0 $0x0  }
0x144: {  	[sflag:s0] =	ssyncadd.s32 @!p0 s1  }
0x145: {  	[bflag:$0x3] =	sbarrier.arrive $0xFFFF  }
0x146: {  	_ =	shalt  }

</sc_bundles>
